<compile_context>
chip_gen: v7x
topology: tpu7x:2x2x1
jax: 0.10.2.dev20260603
libtpu: 0.0.44.dev20260713+nightly
codegen_flags: <defaults>
</compile_context>

<pallas_src>
import functools

import jax
import jax.numpy as jnp
from jax import lax
from jax.experimental import pallas as pl
from jax.experimental.pallas import tpu as pltpu
from jax.experimental.pallas import tpu_sc as plsc

N = 10000
D = 256
H = 128
E = 160000
NC = 2
NS = 16
CH = 96
EPT = 10080
E_PAD = NS * EPT
NCHUNK = EPT // CH
NACC = 10240
ZPT = NACC // NS
RPT = 640
RPT_LAST = N - (NS - 1) * RPT

_f32 = jnp.float32
_i32 = jnp.int32


NT = NCHUNK // 3


def _sc_body(t_pf, t_gw, t_sw,
             src2_pg, src2_gp, src2_ps, src2_sp,
             dst_pg, dst_gp, dst_ps, dst_sp,
             zrow, zcnt, onesh,
             s_pg, s_gp, s_ps, s_sp,
             c_pg, c_gp, c_ps, c_sp,
             isrc, isd0, isd1, isd2, rows0, rows1, rows2, onev, acc, cnt,
             gsem0, gsem1, gsem2, ssem0, ssem1, ssem2,
             csem0, csem1, csem2, isem0, isem1, isem2):
    c = lax.axis_index("c")
    s = lax.axis_index("s")
    pltpu.sync_copy(onesh, onev)

    isd = (isd0, isd1, isd2)
    rows = (rows0, rows1, rows2)
    gsem = (gsem0, gsem1, gsem2)
    ssem = (ssem0, ssem1, ssem2)
    csem = (csem0, csem1, csem2)
    isem = (isem0, isem1, isem2)

    rels = ((t_pf, src2_pg, dst_pg, s_pg, c_pg, 0),
            (t_gw, src2_gp, dst_gp, s_gp, c_gp, 0),
            (t_pf, src2_ps, dst_ps, s_ps, c_ps, 1),
            (t_sw, src2_sp, dst_sp, s_sp, c_sp, 1))

    def _load_isrc(src2):
        pltpu.sync_copy(src2.at[pl.ds(c * E_PAD + s * EPT, EPT)], isrc)

    def _issue(tab, dsth, j, b):
        pltpu.async_copy(tab.at[isrc.at[pl.ds(j * CH, CH)]], rows[b], gsem[b])
        pltpu.async_copy(dsth.at[pl.ds(s * EPT + j * CH, CH)], isd[b], isem[b])

    def _drain(cc, b, guard):
        def _go():
            pltpu.make_async_copy(rows[b], acc.at[isd[b]], ssem[b]).wait()

        def _go_cnt():
            pltpu.make_async_copy(onev, cnt.at[isd[b]], csem[b]).wait()

        if guard is None:
            _go()
            pl.when(c == cc)(_go_cnt)
        else:
            pl.when(guard)(_go)
            pl.when(jnp.logical_and(guard, c == cc))(_go_cnt)

    def _finish(tab, dsth, cc, j, b):
        pltpu.make_async_copy(dsth.at[pl.ds(s * EPT + j * CH, CH)],
                              isd[b], isem[b]).wait()
        pltpu.make_async_copy(tab.at[isrc.at[pl.ds(j * CH, CH)]],
                              rows[b], gsem[b]).wait()
        pltpu.async_copy(rows[b], acc.at[isd[b]], ssem[b], add=True)

        @pl.when(c == cc)
        def _count():
            pltpu.async_copy(onev, cnt.at[isd[b]], csem[b], add=True)

    for ri in range(4):
        tab, src2, dsth, s_out, c_out, cc = rels[ri]

        _load_isrc(src2)
        _issue(tab, dsth, 0, 0)

        pltpu.sync_copy(zrow, acc.at[pl.ds(s * ZPT, ZPT)])

        @pl.when(c == cc)
        def _zero_cnt():
            pltpu.sync_copy(zcnt.at[pl.ds(s * ZPT, ZPT)],
                            cnt.at[pl.ds(s * ZPT, ZPT)])

        plsc.subcore_barrier()

        def _triple(i, carry):
            j = 3 * i
            _drain(cc, 1, i > 0)
            _issue(tab, dsth, j + 1, 1)
            _finish(tab, dsth, cc, j, 0)
            _drain(cc, 2, i > 0)
            _issue(tab, dsth, j + 2, 2)
            _finish(tab, dsth, cc, j + 1, 1)
            _drain(cc, 0, None)

            @pl.when(j + 3 < NCHUNK)
            def _next():
                _issue(tab, dsth, j + 3, 0)

            _finish(tab, dsth, cc, j + 2, 2)
            return carry

        lax.fori_loop(0, NT, _triple, 0)

        _drain(cc, 1, None)
        _drain(cc, 2, None)

        plsc.subcore_barrier()

        @pl.when(s < NS - 1)
        def _dump():
            pltpu.sync_copy(acc.at[pl.ds(s * RPT, RPT)],
                            s_out.at[pl.ds(c * N + s * RPT, RPT)])

        @pl.when(s == NS - 1)
        def _dump_last():
            pltpu.sync_copy(acc.at[pl.ds((NS - 1) * RPT, RPT_LAST)],
                            s_out.at[pl.ds(c * N + (NS - 1) * RPT, RPT_LAST)])

        @pl.when(c == cc)
        def _dump_cnt():
            pltpu.sync_copy(cnt.at[pl.ds(s * ZPT, ZPT)],
                            c_out.at[pl.ds(s * ZPT, ZPT)])


_sc_segsum = functools.partial(
    pl.kernel,
    out_type=[jax.ShapeDtypeStruct((2 * N, H), _f32) for _ in range(4)]
    + [jax.ShapeDtypeStruct((NACC,), _f32) for _ in range(4)],
    mesh=plsc.VectorSubcoreMesh(
        core_axis_name="c", subcore_axis_name="s", num_cores=NC, num_subcores=NS),
    scratch_types=[
        pltpu.VMEM((EPT,), _i32),
        pltpu.VMEM((CH,), _i32),
        pltpu.VMEM((CH,), _i32),
        pltpu.VMEM((CH,), _i32),
        pltpu.VMEM((CH, H), _f32),
        pltpu.VMEM((CH, H), _f32),
        pltpu.VMEM((CH, H), _f32),
        pltpu.VMEM((CH,), _f32),
        pltpu.VMEM_SHARED((NACC, H), _f32),
        pltpu.VMEM_SHARED((NACC,), _f32),
    ] + [pltpu.SemaphoreType.DMA] * 12,
)(_sc_body)


def _tc_body(xp, xg, xs,
             sgp0, sgp1, ssp0, ssp1, spg0, spg1, sps0, sps1,
             cgp, csp, cpg, cps,
             wlgp_a, wlgp_b, wlsp_a, wlsp_b, wlpg_a, wlpg_b, wlps_a, wlps_b,
             wrgp, wrsp, wrpg, wrps,
             blgp, blsp, blpg, blps,
             wgw, bgw, wsw, bsw,
             pfas_o, gw_o, sw_o):
    def dot(a, b):
        return jnp.dot(a, b, preferred_element_type=_f32)

    r_gp = 1.0 / jnp.maximum(cgp[...], 1.0)
    r_sp = 1.0 / jnp.maximum(csp[...], 1.0)
    r_pg = 1.0 / jnp.maximum(cpg[...], 1.0)
    r_ps = 1.0 / jnp.maximum(cps[...], 1.0)

    o_pf = (dot(sgp0[...] * r_gp, wlgp_a[...]) + dot(sgp1[...] * r_gp, wlgp_b[...])
            + dot(ssp0[...] * r_sp, wlsp_a[...]) + dot(ssp1[...] * r_sp, wlsp_b[...])
            + dot(xp[...], wrgp[...] + wrsp[...])
            + blgp[...] + blsp[...])
    pfas_o[...] = jnp.maximum(o_pf, 0.0)

    o_gw = (dot(spg0[...] * r_pg, wlpg_a[...]) + dot(spg1[...] * r_pg, wlpg_b[...])
            + dot(xg[...], wrpg[...]) + blpg[...])
    gw_o[...] = dot(jnp.maximum(o_gw, 0.0), wgw[...]) + bgw[...]

    o_sw = (dot(sps0[...] * r_ps, wlps_a[...]) + dot(sps1[...] * r_ps, wlps_b[...])
            + dot(xs[...], wrps[...]) + blps[...])
    sw_o[...] = dot(jnp.maximum(o_sw, 0.0), wsw[...]) + bsw[...]


_R = 1000
_G = N // _R


def _tc_dense(xp, xg, xs, s_gp, s_sp, s_pg, s_ps, c_gp, c_sp, c_pg, c_ps,
              wlgp_a, wlgp_b, wlsp_a, wlsp_b, wlpg_a, wlpg_b, wlps_a, wlps_b,
              wrgp, wrsp, wrpg, wrps, blgp, blsp, blpg, blps,
              wgw, bgw, wsw, bsw):
    row = pl.BlockSpec((_R, D), lambda i: (i, 0))
    half_lo = pl.BlockSpec((_R, H), lambda i: (i, 0))
    half_hi = pl.BlockSpec((_R, H), lambda i: (i + N // _R, 0))
    cntb = pl.BlockSpec((_R, 1), lambda i: (i, 0))
    whalf = pl.BlockSpec((H, D), lambda i: (0, 0))
    wfull = pl.BlockSpec((D, D), lambda i: (0, 0))
    brow = pl.BlockSpec((1, D), lambda i: (0, 0))
    wcol = pl.BlockSpec((D, 1), lambda i: (0, 0))
    bone = pl.BlockSpec((1, 1), lambda i: (0, 0))

    return pl.pallas_call(
        _tc_body,
        grid=(_G,),
        in_specs=[row, row, row,
                  half_lo, half_hi, half_lo, half_hi,
                  half_lo, half_hi, half_lo, half_hi,
                  cntb, cntb, cntb, cntb,
                  whalf, whalf, whalf, whalf, whalf, whalf, whalf, whalf,
                  wfull, wfull, wfull, wfull,
                  brow, brow, brow, brow,
                  wcol, bone, wcol, bone],
        out_specs=[pl.BlockSpec((_R, D), lambda i: (i, 0)),
                   pl.BlockSpec((_R, 1), lambda i: (i, 0)),
                   pl.BlockSpec((_R, 1), lambda i: (i, 0))],
        out_shape=[jax.ShapeDtypeStruct((N, D), _f32),
                   jax.ShapeDtypeStruct((N, 1), _f32),
                   jax.ShapeDtypeStruct((N, 1), _f32)],
    )(xp, xg, xs,
      s_gp, s_gp, s_sp, s_sp, s_pg, s_pg, s_ps, s_ps,
      c_gp, c_sp, c_pg, c_ps,
      wlgp_a, wlgp_b, wlsp_a, wlsp_b, wlpg_a, wlpg_b, wlps_a, wlps_b,
      wrgp, wrsp, wrpg, wrps, blgp, blsp, blpg, blps,
      wgw, bgw, wsw, bsw)


def _halves(x):
    return x.reshape(2 * N, H)


def _prep_edges(ei):
    pad = E_PAD - E
    src = jnp.concatenate([ei[0], jnp.zeros((pad,), _i32)])
    dst = jnp.concatenate([ei[1], jnp.full((pad,), N, _i32)])
    src2 = jnp.concatenate([2 * src, 2 * src + 1])
    return src2, dst


def kernel(x_pfas_sites, x_gw_wells, x_sw_stations,
           edge_index_pfas_to_gw, edge_index_gw_to_pfas,
           edge_index_pfas_to_sw, edge_index_sw_to_pfas,
           Wl_pg, bl_pg, Wr_pg,
           Wl_gp, bl_gp, Wr_gp,
           Wl_ps, bl_ps, Wr_ps,
           Wl_sp, bl_sp, Wr_sp,
           W_gw, b_gw, W_sw, b_sw):
    t_pf = _halves(x_pfas_sites)
    t_gw = _halves(x_gw_wells)
    t_sw = _halves(x_sw_stations)
    src2_pg, dst_pg = _prep_edges(edge_index_pfas_to_gw)
    src2_gp, dst_gp = _prep_edges(edge_index_gw_to_pfas)
    src2_ps, dst_ps = _prep_edges(edge_index_pfas_to_sw)
    src2_sp, dst_sp = _prep_edges(edge_index_sw_to_pfas)

    zrow = jnp.zeros((ZPT, H), _f32)
    zcnt = jnp.zeros((NACC,), _f32)
    onesh = jnp.ones((CH,), _f32)

    (s_pg, s_gp, s_ps, s_sp, c_pg, c_gp, c_ps, c_sp) = _sc_segsum(
        t_pf, t_gw, t_sw,
        src2_pg, src2_gp, src2_ps, src2_sp,
        dst_pg, dst_gp, dst_ps, dst_sp,
        zrow, zcnt, onesh)

    c_gp, c_sp, c_pg, c_ps = (c[:N].reshape(N, 1)
                              for c in (c_gp, c_sp, c_pg, c_ps))
    pfas, gw, sw = _tc_dense(
        x_pfas_sites, x_gw_wells, x_sw_stations,
        s_gp, s_sp, s_pg, s_ps, c_gp, c_sp, c_pg, c_ps,
        Wl_gp[:H], Wl_gp[H:], Wl_sp[:H], Wl_sp[H:],
        Wl_pg[:H], Wl_pg[H:], Wl_ps[:H], Wl_ps[H:],
        Wr_gp, Wr_sp, Wr_pg, Wr_ps,
        bl_gp.reshape(1, D), bl_sp.reshape(1, D),
        bl_pg.reshape(1, D), bl_ps.reshape(1, D),
        W_gw, b_gw.reshape(1, 1), W_sw, b_sw.reshape(1, 1))
    return (pfas, gw, sw)

# --- scband reference (transcript-rebuilt; emitter-appended) ---
"""Pipeline reference for scband-gnn-simple-50689204027568 (READ-ONLY COPY).

The authoritative reference and input builder live on the scoring server;
editing this copy changes nothing except your own understanding.
"""

import jax, jax.numpy as jnp
import numpy as np

N = 10000
E = 160000
D = 256


def _sage(x_src, x_dst, ei, Wl, bl, Wr):
    # PyG SAGEConv with mean aggregation: lin_l(mean_j x_j) + lin_r(x_dst)
    src = ei[0]
    dst = ei[1]
    msg = jnp.take(x_src, src, axis=0)
    agg = jax.ops.segment_sum(msg, dst, num_segments=x_dst.shape[0])
    cnt = jax.ops.segment_sum(jnp.ones((msg.shape[0],), dtype=x_src.dtype), dst, num_segments=x_dst.shape[0])
    mean = agg / jnp.clip(cnt, 1.0)[:, None]
    return mean @ Wl + bl + x_dst @ Wr


def setup_inputs(seed: int = 0):
    key = jax.random.key(seed)
    ks = [jax.random.fold_in(key, i) for i in range(32)]
    inp = {}
    inp["x_pfas_sites"] = jax.random.normal(ks[0], (N, D), dtype=jnp.float32)
    inp["x_gw_wells"] = jax.random.normal(ks[1], (N, D), dtype=jnp.float32)
    inp["x_sw_stations"] = jax.random.normal(ks[2], (N, D), dtype=jnp.float32)
    inp["edge_index_pfas_to_gw"] = jax.random.randint(ks[3], (2, E), 0, N, dtype=jnp.int32)
    inp["edge_index_gw_to_pfas"] = jax.random.randint(ks[4], (2, E), 0, N, dtype=jnp.int32)
    inp["edge_index_pfas_to_sw"] = jax.random.randint(ks[5], (2, E), 0, N, dtype=jnp.int32)
    inp["edge_index_sw_to_pfas"] = jax.random.randint(ks[6], (2, E), 0, N, dtype=jnp.int32)
    # SAGEConv params for the 4 relations: pg=pfas->gw, gp=gw->pfas, ps=pfas->sw, sp=sw->pfas
    i = 7
    for tag in ["pg", "gp", "ps", "sp"]:
        inp["Wl_" + tag] = jax.random.normal(ks[i], (D, D), dtype=jnp.float32) * 0.05; i += 1
        inp["bl_" + tag] = jnp.zeros((D,), dtype=jnp.float32)
        inp["Wr_" + tag] = jax.random.normal(ks[i], (D, D), dtype=jnp.float32) * 0.05; i += 1
    inp["W_gw"] = jax.random.normal(ks[i], (D, 1), dtype=jnp.float32) * 0.05; i += 1
    inp["b_gw"] = jnp.zeros((1,), dtype=jnp.float32)
    inp["W_sw"] = jax.random.normal(ks[i], (D, 1), dtype=jnp.float32) * 0.05; i += 1
    inp["b_sw"] = jnp.zeros((1,), dtype=jnp.float32)
    return inp


def reference(x_pfas_sites, x_gw_wells, x_sw_stations,
              edge_index_pfas_to_gw, edge_index_gw_to_pfas,
              edge_index_pfas_to_sw, edge_index_sw_to_pfas,
              Wl_pg, bl_pg, Wr_pg,
              Wl_gp, bl_gp, Wr_gp,
              Wl_ps, bl_ps, Wr_ps,
              Wl_sp, bl_sp, Wr_sp,
              W_gw, b_gw, W_sw, b_sw):
    # HeteroConv with aggr='sum': group conv outputs by dst node type and sum
    o_gw = _sage(x_pfas_sites, x_gw_wells, edge_index_pfas_to_gw, Wl_pg, bl_pg, Wr_pg)
    o_sw = _sage(x_pfas_sites, x_sw_stations, edge_index_pfas_to_sw, Wl_ps, bl_ps, Wr_ps)
    o_pf = (_sage(x_gw_wells, x_pfas_sites, edge_index_gw_to_pfas, Wl_gp, bl_gp, Wr_gp)
            + _sage(x_sw_stations, x_pfas_sites, edge_index_sw_to_pfas, Wl_sp, bl_sp, Wr_sp))
    pfas = jax.nn.relu(o_pf)
    gw = jax.nn.relu(o_gw) @ W_gw + b_gw
    sw = jax.nn.relu(o_sw) @ W_sw + b_sw
    return (pfas, gw, sw)

if __name__ == "__main__":
    import jax
    _d = setup_inputs()
    print(jax.jit(kernel)(*tuple(_d.values())))

</pallas_src>

<mosaic_0001>
#map = affine_map<(d0, d1) -> (0, 0)>
#map1 = affine_map<(d0, d1) -> (0)>
module attributes {stable_mosaic.version = 14 : i64} {
  func.func @_sc_body(%arg0: i32, %arg1: i32, %arg2: memref<20000x128xf32, #tpu.memory_space<hbm>>, %arg3: memref<20000x128xf32, #tpu.memory_space<hbm>>, %arg4: memref<20000x128xf32, #tpu.memory_space<hbm>>, %arg5: memref<322560xi32, #tpu.memory_space<hbm>>, %arg6: memref<322560xi32, #tpu.memory_space<hbm>>, %arg7: memref<322560xi32, #tpu.memory_space<hbm>>, %arg8: memref<322560xi32, #tpu.memory_space<hbm>>, %arg9: memref<161280xi32, #tpu.memory_space<hbm>>, %arg10: memref<161280xi32, #tpu.memory_space<hbm>>, %arg11: memref<161280xi32, #tpu.memory_space<hbm>>, %arg12: memref<161280xi32, #tpu.memory_space<hbm>>, %arg13: memref<640x128xf32, #tpu.memory_space<hbm>>, %arg14: memref<10240xf32, #tpu.memory_space<hbm>>, %arg15: memref<96xf32, #tpu.memory_space<hbm>>, %arg16: memref<20000x128xf32, #tpu.memory_space<hbm>>, %arg17: memref<20000x128xf32, #tpu.memory_space<hbm>>, %arg18: memref<20000x128xf32, #tpu.memory_space<hbm>>, %arg19: memref<20000x128xf32, #tpu.memory_space<hbm>>, %arg20: memref<10240xf32, #tpu.memory_space<hbm>>, %arg21: memref<10240xf32, #tpu.memory_space<hbm>>, %arg22: memref<10240xf32, #tpu.memory_space<hbm>>, %arg23: memref<10240xf32, #tpu.memory_space<hbm>>, %arg24: memref<10080xi32, #tpu.memory_space<vmem>>, %arg25: memref<96xi32, #tpu.memory_space<vmem>>, %arg26: memref<96xi32, #tpu.memory_space<vmem>>, %arg27: memref<96xi32, #tpu.memory_space<vmem>>, %arg28: memref<96x128xf32, #tpu.memory_space<vmem>>, %arg29: memref<96x128xf32, #tpu.memory_space<vmem>>, %arg30: memref<96x128xf32, #tpu.memory_space<vmem>>, %arg31: memref<96xf32, #tpu.memory_space<vmem>>, %arg32: memref<10240x128xf32, #tpu.memory_space<vmem_shared>>, %arg33: memref<10240xf32, #tpu.memory_space<vmem_shared>>, %arg34: memref<!tpu.dma_semaphore, #tpu.memory_space<semaphore_mem>>, %arg35: memref<!tpu.dma_semaphore, #tpu.memory_space<semaphore_mem>>, %arg36: memref<!tpu.dma_semaphore, #tpu.memory_space<semaphore_mem>>, %arg37: memref<!tpu.dma_semaphore, #tpu.memory_space<semaphore_mem>>, %arg38: memref<!tpu.dma_semaphore, #tpu.memory_space<semaphore_mem>>, %arg39: memref<!tpu.dma_semaphore, #tpu.memory_space<semaphore_mem>>, %arg40: memref<!tpu.dma_semaphore, #tpu.memory_space<semaphore_mem>>, %arg41: memref<!tpu.dma_semaphore, #tpu.memory_space<semaphore_mem>>, %arg42: memref<!tpu.dma_semaphore, #tpu.memory_space<semaphore_mem>>, %arg43: memref<!tpu.dma_semaphore, #tpu.memory_space<semaphore_mem>>, %arg44: memref<!tpu.dma_semaphore, #tpu.memory_space<semaphore_mem>>, %arg45: memref<!tpu.dma_semaphore, #tpu.memory_space<semaphore_mem>>) attributes {dimension_semantics = [#tpu.dimension_semantics<core_parallel>, #tpu.dimension_semantics<subcore_parallel>], iteration_bounds = array<i64: 2, 16>, scalar_prefetch = 0 : i64, scratch_operands = 22 : i64, tpu.core_type = #tpu.core_type<sc_vector_subcore>, window_params = [{transform_indices = #map}, {transform_indices = #map}, {transform_indices = #map}, {transform_indices = #map1}, {transform_indices = #map1}, {transform_indices = #map1}, {transform_indices = #map1}, {transform_indices = #map1}, {transform_indices = #map1}, {transform_indices = #map1}, {transform_indices = #map1}, {transform_indices = #map}, {transform_indices = #map1}, {transform_indices = #map1}, {transform_indices = #map}, {transform_indices = #map}, {transform_indices = #map}, {transform_indices = #map}, {transform_indices = #map1}, {transform_indices = #map1}, {transform_indices = #map1}, {transform_indices = #map1}]} {
    "tpu.region"() ({
      %run_scoped3A = tpu.sem_alloc : memref<!tpu.dma_semaphore, #tpu.memory_space<semaphore_mem>>
      tpu.enqueue_dma source(%arg15 : memref<96xf32, #tpu.memory_space<hbm>>) target(%arg31 : memref<96xf32, #tpu.memory_space<vmem>>) target_semaphore(%run_scoped3A : memref<!tpu.dma_semaphore, #tpu.memory_space<semaphore_mem>>)
      tpu.wait_dma2 semaphore(%run_scoped3A : memref<!tpu.dma_semaphore, #tpu.memory_space<semaphore_mem>>) src(%arg15 : memref<96xf32, #tpu.memory_space<hbm>>) dst(%arg31 : memref<96xf32, #tpu.memory_space<vmem>>)
      tpu.yield
    }) : () -> ()
    %mul3A = arith.constant 161280 : i32
    %mul3A_0 = arith.muli %arg0, %mul3A : i32
    %mul3A_1 = arith.constant 10080 : i32
    %mul3A_2 = arith.muli %arg1, %mul3A_1 : i32
    %add3A = arith.addi %mul3A_0, %mul3A_2 : i32
    "tpu.region"() ({
      %run_scoped3A = tpu.sem_alloc : memref<!tpu.dma_semaphore, #tpu.memory_space<semaphore_mem>>
      %dma_start3A_238 = tpu.memref_slice %arg5[%add3A] : memref<322560xi32, #tpu.memory_space<hbm>> -> memref<10080xi32, #tpu.memory_space<hbm>>
      %dma_start3A_239 = tpu.memref_slice %arg5[%add3A] : memref<322560xi32, #tpu.memory_space<hbm>> -> memref<10080xi32, #tpu.memory_space<hbm>>
      tpu.enqueue_dma source(%dma_start3A_239 : memref<10080xi32, #tpu.memory_space<hbm>>) target(%arg24 : memref<10080xi32, #tpu.memory_space<vmem>>) target_semaphore(%run_scoped3A : memref<!tpu.dma_semaphore, #tpu.memory_space<semaphore_mem>>)
      %dma_wait3A_240 = tpu.memref_slice %arg5[%add3A] : memref<322560xi32, #tpu.memory_space<hbm>> -> memref<10080xi32, #tpu.memory_space<hbm>>
      %dma_wait3A_241 = tpu.memref_slice %arg5[%add3A] : memref<322560xi32, #tpu.memory_space<hbm>> -> memref<10080xi32, #tpu.memory_space<hbm>>
      tpu.wait_dma2 semaphore(%run_scoped3A : memref<!tpu.dma_semaphore, #tpu.memory_space<semaphore_mem>>) src(%dma_wait3A_241 : memref<10080xi32, #tpu.memory_space<hbm>>) dst(%arg24 : memref<10080xi32, #tpu.memory_space<vmem>>)
      tpu.yield
    }) : () -> ()
    %dma_start3A = arith.constant 0 : i32
    %dma_start3A_3 = tpu.memref_slice %arg24[%dma_start3A] : memref<10080xi32, #tpu.memory_space<vmem>> -> memref<96xi32, #tpu.memory_space<vmem>>
    %dma_start3A_4 = arith.constant 0 : i32
    %dma_start3A_5 = arith.constant 0 : i32
    %dma_start3A_6 = tpu.memref_slice %arg2[%dma_start3A_4, %dma_start3A_5] : memref<20000x128xf32, #tpu.memory_space<hbm>> -> memref<20000x128xf32, #tpu.memory_space<hbm>>
    tpu.enqueue_indirect_dma source(%dma_start3A_6 : memref<20000x128xf32, #tpu.memory_space<hbm>>) target(%arg28 : memref<96x128xf32, #tpu.memory_space<vmem>>) offsets(%dma_start3A_3 : memref<96xi32, #tpu.memory_space<vmem>>) semaphore(%arg34 : memref<!tpu.dma_semaphore, #tpu.memory_space<semaphore_mem>>)
    %mul3A_7 = arith.constant 10080 : i32
    %mul3A_8 = arith.muli %arg1, %mul3A_7 : i32
    %add3A_9 = arith.constant 0 : i32
    %add3A_10 = arith.addi %mul3A_8, %add3A_9 : i32
    %dma_start3A_11 = tpu.memref_slice %arg9[%add3A_10] : memref<161280xi32, #tpu.memory_space<hbm>> -> memref<96xi32, #tpu.memory_space<hbm>>
    %dma_start3A_12 = tpu.memref_slice %arg9[%add3A_10] : memref<161280xi32, #tpu.memory_space<hbm>> -> memref<96xi32, #tpu.memory_space<hbm>>
    tpu.enqueue_dma source(%dma_start3A_12 : memref<96xi32, #tpu.memory_space<hbm>>) target(%arg25 : memref<96xi32, #tpu.memory_space<vmem>>) target_semaphore(%arg43 : memref<!tpu.dma_semaphore, #tpu.memory_space<semaphore_mem>>)
    %mul3A_13 = arith.constant 640 : i32
    %mul3A_14 = arith.muli %arg1, %mul3A_13 : i32
    "tpu.region"() ({
      %run_scoped3A = tpu.sem_alloc : memref<!tpu.dma_semaphore, #tpu.memory_space<semaphore_mem>>
      %dma_start3A_238 = arith.constant 0 : i32
      %dma_start3A_239 = tpu.memref_slice %arg32[%mul3A_14, %dma_start3A_238] : memref<10240x128xf32, #tpu.memory_space<vmem_shared>> -> memref<640x128xf32, #tpu.memory_space<vmem_shared>>
      tpu.enqueue_dma source(%arg13 : memref<640x128xf32, #tpu.memory_space<hbm>>) target(%dma_start3A_239 : memref<640x128xf32, #tpu.memory_space<vmem_shared>>) target_semaphore(%run_scoped3A : memref<!tpu.dma_semaphore, #tpu.memory_space<semaphore_mem>>)
      %dma_wait3A_240 = arith.constant 0 : i32
      %dma_wait3A_241 = tpu.memref_slice %arg32[%mul3A_14, %dma_wait3A_240] : memref<10240x128xf32, #tpu.memory_space<vmem_shared>> -> memref<640x128xf32, #tpu.memory_space<vmem_shared>>
      tpu.wait_dma2 semaphore(%run_scoped3A : memref<!tpu.dma_semaphore, #tpu.memory_space<semaphore_mem>>) src(%arg13 : memref<640x128xf32, #tpu.memory_space<hbm>>) dst(%dma_wait3A_241 : memref<640x128xf32, #tpu.memory_space<vmem_shared>>)
      tpu.yield
    }) : () -> ()
    %eq3A = arith.constant 0 : i32
    %eq3A_15 = arith.cmpi eq, %arg0, %eq3A : i32
    %convert_element_type3A = arith.extui %eq3A_15 : i1 to i32
    %cond3A = arith.constant 0 : i32
    %cond3A_16 = arith.cmpi ne, %convert_element_type3A, %cond3A : i32
    scf.if %cond3A_16 {
      %mul3A_238 = arith.constant 640 : i32
      %mul3A_239 = arith.muli %arg1, %mul3A_238 : i32
      %mul3A_240 = arith.constant 640 : i32
      %mul3A_241 = arith.muli %arg1, %mul3A_240 : i32
      "tpu.region"() ({
        %run_scoped3A = tpu.sem_alloc : memref<!tpu.dma_semaphore, #tpu.memory_space<semaphore_mem>>
        %dma_start3A_242 = tpu.memref_slice %arg33[%mul3A_241] : memref<10240xf32, #tpu.memory_space<vmem_shared>> -> memref<640xf32, #tpu.memory_space<vmem_shared>>
        %dma_start3A_243 = tpu.memref_slice %arg14[%mul3A_239] : memref<10240xf32, #tpu.memory_space<hbm>> -> memref<640xf32, #tpu.memory_space<hbm>>
        tpu.enqueue_dma source(%dma_start3A_243 : memref<640xf32, #tpu.memory_space<hbm>>) target(%dma_start3A_242 : memref<640xf32, #tpu.memory_space<vmem_shared>>) target_semaphore(%run_scoped3A : memref<!tpu.dma_semaphore, #tpu.memory_space<semaphore_mem>>)
        %dma_wait3A_244 = tpu.memref_slice %arg33[%mul3A_241] : memref<10240xf32, #tpu.memory_space<vmem_shared>> -> memref<640xf32, #tpu.memory_space<vmem_shared>>
        %dma_wait3A_245 = tpu.memref_slice %arg14[%mul3A_239] : memref<10240xf32, #tpu.memory_space<hbm>> -> memref<640xf32, #tpu.memory_space<hbm>>
        tpu.wait_dma2 semaphore(%run_scoped3A : memref<!tpu.dma_semaphore, #tpu.memory_space<semaphore_mem>>) src(%dma_wait3A_245 : memref<640xf32, #tpu.memory_space<hbm>>) dst(%dma_wait3A_244 : memref<640xf32, #tpu.memory_space<vmem_shared>>)
        tpu.yield
      }) : () -> ()
    } else {
    }
    %barrier3A = arith.constant 0 : index
    tpu.barrier barrier_id(%barrier3A)
    %scan3A = arith.constant 0 : i32
    %scan3A_17 = arith.constant 0 : i32
    %scan3A_18 = arith.constant 35 : i32
    %scan3A_19 = arith.addi %scan3A_17, %scan3A_18 : i32
    %scan3A_20 = arith.constant 1 : i32
    scf.for %scan3A_238 = %scan3A_17 to %scan3A_19 step %scan3A_20  : i32 {
      %mul3A_239 = arith.constant 3 : i32
      %mul3A_240 = arith.muli %mul3A_239, %scan3A_238 : i32
      %gt3A = arith.constant 0 : i32
      %gt3A_241 = arith.cmpi sgt, %scan3A_238, %gt3A : i32
      %convert_element_type3A_242 = arith.extui %gt3A_241 : i1 to i32
      %cond3A_243 = arith.constant 0 : i32
      %cond3A_244 = arith.cmpi ne, %convert_element_type3A_242, %cond3A_243 : i32
      scf.if %cond3A_244 {
        %dma_wait3A_373 = arith.constant 0 : i32
        %dma_wait3A_374 = arith.constant 0 : i32
        %dma_wait3A_375 = tpu.memref_slice %arg32[%dma_wait3A_373, %dma_wait3A_374] : memref<10240x128xf32, #tpu.memory_space<vmem_shared>> -> memref<10240x128xf32, #tpu.memory_space<vmem_shared>>
        tpu.wait_indirect_dma semaphore(%arg38 : memref<!tpu.dma_semaphore, #tpu.memory_space<semaphore_mem>>) src(%arg29 : memref<96x128xf32, #tpu.memory_space<vmem>>) dst(%dma_wait3A_375 : memref<10240x128xf32, #tpu.memory_space<vmem_shared>>)
      } else {
      }
      %eq3A_245 = arith.constant 0 : i32
      %eq3A_246 = arith.cmpi eq, %arg0, %eq3A_245 : i32
      %and3A = arith.andi %gt3A_241, %eq3A_246 : i1
      %convert_element_type3A_247 = arith.extui %and3A : i1 to i32
      %cond3A_248 = arith.constant 0 : i32
      %cond3A_249 = arith.cmpi ne, %convert_element_type3A_247, %cond3A_248 : i32
      scf.if %cond3A_249 {
        %dma_wait3A_373 = arith.constant 0 : i32
        %dma_wait3A_374 = tpu.memref_slice %arg33[%dma_wait3A_373] : memref<10240xf32, #tpu.memory_space<vmem_shared>> -> memref<10240xf32, #tpu.memory_space<vmem_shared>>
        tpu.wait_indirect_dma semaphore(%arg41 : memref<!tpu.dma_semaphore, #tpu.memory_space<semaphore_mem>>) src(%arg31 : memref<96xf32, #tpu.memory_space<vmem>>) dst(%dma_wait3A_374 : memref<10240xf32, #tpu.memory_space<vmem_shared>>)
      } else {
      }
      %add3A_250 = arith.constant 1 : i32
      %add3A_251 = arith.addi %mul3A_240, %add3A_250 : i32
      %mul3A_252 = arith.constant 96 : i32
      %mul3A_253 = arith.muli %add3A_251, %mul3A_252 : i32
      %dma_start3A_254 = tpu.memref_slice %arg24[%mul3A_253] : memref<10080xi32, #tpu.memory_space<vmem>> -> memref<96xi32, #tpu.memory_space<vmem>>
      %dma_start3A_255 = arith.constant 0 : i32
      %dma_start3A_256 = arith.constant 0 : i32
      %dma_start3A_257 = tpu.memref_slice %arg2[%dma_start3A_255, %dma_start3A_256] : memref<20000x128xf32, #tpu.memory_space<hbm>> -> memref<20000x128xf32, #tpu.memory_space<hbm>>
      tpu.enqueue_indirect_dma source(%dma_start3A_257 : memref<20000x128xf32, #tpu.memory_space<hbm>>) target(%arg29 : memref<96x128xf32, #tpu.memory_space<vmem>>) offsets(%dma_start3A_254 : memref<96xi32, #tpu.memory_space<vmem>>) semaphore(%arg35 : memref<!tpu.dma_semaphore, #tpu.memory_space<semaphore_mem>>)
      %mul3A_258 = arith.constant 10080 : i32
      %mul3A_259 = arith.muli %arg1, %mul3A_258 : i32
      %mul3A_260 = arith.constant 96 : i32
      %mul3A_261 = arith.muli %add3A_251, %mul3A_260 : i32
      %add3A_262 = arith.addi %mul3A_259, %mul3A_261 : i32
      %dma_start3A_263 = tpu.memref_slice %arg9[%add3A_262] : memref<161280xi32, #tpu.memory_space<hbm>> -> memref<96xi32, #tpu.memory_space<hbm>>
      %dma_start3A_264 = tpu.memref_slice %arg9[%add3A_262] : memref<161280xi32, #tpu.memory_space<hbm>> -> memref<96xi32, #tpu.memory_space<hbm>>
      tpu.enqueue_dma source(%dma_start3A_264 : memref<96xi32, #tpu.memory_space<hbm>>) target(%arg26 : memref<96xi32, #tpu.memory_space<vmem>>) target_semaphore(%arg44 : memref<!tpu.dma_semaphore, #tpu.memory_space<semaphore_mem>>)
      %mul3A_265 = arith.constant 10080 : i32
      %mul3A_266 = arith.muli %arg1, %mul3A_265 : i32
      %mul3A_267 = arith.constant 96 : i32
      %mul3A_268 = arith.muli %mul3A_240, %mul3A_267 : i32
      %add3A_269 = arith.addi %mul3A_266, %mul3A_268 : i32
      %dma_wait3A_270 = tpu.memref_slice %arg9[%add3A_269] : memref<161280xi32, #tpu.memory_space<hbm>> -> memref<96xi32, #tpu.memory_space<hbm>>
      %dma_wait3A_271 = tpu.memref_slice %arg9[%add3A_269] : memref<161280xi32, #tpu.memory_space<hbm>> -> memref<96xi32, #tpu.memory_space<hbm>>
      tpu.wait_dma2 semaphore(%arg43 : memref<!tpu.dma_semaphore, #tpu.memory_space<semaphore_mem>>) src(%dma_wait3A_271 : memref<96xi32, #tpu.memory_space<hbm>>) dst(%arg25 : memref<96xi32, #tpu.memory_space<vmem>>)
      %mul3A_272 = arith.constant 96 : i32
      %mul3A_273 = arith.muli %mul3A_240, %mul3A_272 : i32
      %dma_wait3A_274 = tpu.memref_slice %arg24[%mul3A_273] : memref<10080xi32, #tpu.memory_space<vmem>> -> memref<96xi32, #tpu.memory_space<vmem>>
      %dma_wait3A_275 = arith.constant 0 : i32
      %dma_wait3A_276 = arith.constant 0 : i32
      %dma_wait3A_277 = tpu.memref_slice %arg2[%dma_wait3A_275, %dma_wait3A_276] : memref<20000x128xf32, #tpu.memory_space<hbm>> -> memref<20000x128xf32, #tpu.memory_space<hbm>>
      tpu.wait_indirect_dma semaphore(%arg34 : memref<!tpu.dma_semaphore, #tpu.memory_space<semaphore_mem>>) src(%dma_wait3A_277 : memref<20000x128xf32, #tpu.memory_space<hbm>>) dst(%arg28 : memref<96x128xf32, #tpu.memory_space<vmem>>)
      %dma_start3A_278 = arith.constant 0 : i32
      %dma_start3A_279 = arith.constant 0 : i32
      %dma_start3A_280 = tpu.memref_slice %arg32[%dma_start3A_278, %dma_start3A_279] : memref<10240x128xf32, #tpu.memory_space<vmem_shared>> -> memref<10240x128xf32, #tpu.memory_space<vmem_shared>>
      tpu.enqueue_indirect_dma source(%arg28 : memref<96x128xf32, #tpu.memory_space<vmem>>) target(%dma_start3A_280 : memref<10240x128xf32, #tpu.memory_space<vmem_shared>>) offsets(%arg25 : memref<96xi32, #tpu.memory_space<vmem>>) semaphore(%arg37 : memref<!tpu.dma_semaphore, #tpu.memory_space<semaphore_mem>>) {add = true}
      %eq3A_281 = arith.constant 0 : i32
      %eq3A_282 = arith.cmpi eq, %arg0, %eq3A_281 : i32
      %convert_element_type3A_283 = arith.extui %eq3A_282 : i1 to i32
      %cond3A_284 = arith.constant 0 : i32
      %cond3A_285 = arith.cmpi ne, %convert_element_type3A_283, %cond3A_284 : i32
      scf.if %cond3A_285 {
        %dma_start3A_373 = arith.constant 0 : i32
        %dma_start3A_374 = tpu.memref_slice %arg33[%dma_start3A_373] : memref<10240xf32, #tpu.memory_space<vmem_shared>> -> memref<10240xf32, #tpu.memory_space<vmem_shared>>
        tpu.enqueue_indirect_dma source(%arg31 : memref<96xf32, #tpu.memory_space<vmem>>) target(%dma_start3A_374 : memref<10240xf32, #tpu.memory_space<vmem_shared>>) offsets(%arg25 : memref<96xi32, #tpu.memory_space<vmem>>) semaphore(%arg40 : memref<!tpu.dma_semaphore, #tpu.memory_space<semaphore_mem>>) {add = true}
      } else {
      }
      %gt3A_286 = arith.constant 0 : i32
      %gt3A_287 = arith.cmpi sgt, %scan3A_238, %gt3A_286 : i32
      %convert_element_type3A_288 = arith.extui %gt3A_287 : i1 to i32
      %cond3A_289 = arith.constant 0 : i32
      %cond3A_290 = arith.cmpi ne, %convert_element_type3A_288, %cond3A_289 : i32
      scf.if %cond3A_290 {
        %dma_wait3A_373 = arith.constant 0 : i32
        %dma_wait3A_374 = arith.constant 0 : i32
        %dma_wait3A_375 = tpu.memref_slice %arg32[%dma_wait3A_373, %dma_wait3A_374] : memref<10240x128xf32, #tpu.memory_space<vmem_shared>> -> memref<10240x128xf32, #tpu.memory_space<vmem_shared>>
        tpu.wait_indirect_dma semaphore(%arg39 : memref<!tpu.dma_semaphore, #tpu.memory_space<semaphore_mem>>) src(%arg30 : memref<96x128xf32, #tpu.memory_space<vmem>>) dst(%dma_wait3A_375 : memref<10240x128xf32, #tpu.memory_space<vmem_shared>>)
      } else {
      }
      %eq3A_291 = arith.constant 0 : i32
      %eq3A_292 = arith.cmpi eq, %arg0, %eq3A_291 : i32
      %and3A_293 = arith.andi %gt3A_287, %eq3A_292 : i1
      %convert_element_type3A_294 = arith.extui %and3A_293 : i1 to i32
      %cond3A_295 = arith.constant 0 : i32
      %cond3A_296 = arith.cmpi ne, %convert_element_type3A_294, %cond3A_295 : i32
      scf.if %cond3A_296 {
        %dma_wait3A_373 = arith.constant 0 : i32
        %dma_wait3A_374 = tpu.memref_slice %arg33[%dma_wait3A_373] : memref<10240xf32, #tpu.memory_space<vmem_shared>> -> memref<10240xf32, #tpu.memory_space<vmem_shared>>
        tpu.wait_indirect_dma semaphore(%arg42 : memref<!tpu.dma_semaphore, #tpu.memory_space<semaphore_mem>>) src(%arg31 : memref<96xf32, #tpu.memory_space<vmem>>) dst(%dma_wait3A_374 : memref<10240xf32, #tpu.memory_space<vmem_shared>>)
      } else {
      }
      %add3A_297 = arith.constant 2 : i32
      %add3A_298 = arith.addi %mul3A_240, %add3A_297 : i32
      %mul3A_299 = arith.constant 96 : i32
      %mul3A_300 = arith.muli %add3A_298, %mul3A_299 : i32
      %dma_start3A_301 = tpu.memref_slice %arg24[%mul3A_300] : memref<10080xi32, #tpu.memory_space<vmem>> -> memref<96xi32, #tpu.memory_space<vmem>>
      %dma_start3A_302 = arith.constant 0 : i32
      %dma_start3A_303 = arith.constant 0 : i32
      %dma_start3A_304 = tpu.memref_slice %arg2[%dma_start3A_302, %dma_start3A_303] : memref<20000x128xf32, #tpu.memory_space<hbm>> -> memref<20000x128xf32, #tpu.memory_space<hbm>>
      tpu.enqueue_indirect_dma source(%dma_start3A_304 : memref<20000x128xf32, #tpu.memory_space<hbm>>) target(%arg30 : memref<96x128xf32, #tpu.memory_space<vmem>>) offsets(%dma_start3A_301 : memref<96xi32, #tpu.memory_space<vmem>>) semaphore(%arg36 : memref<!tpu.dma_semaphore, #tpu.memory_space<semaphore_mem>>)
      %mul3A_305 = arith.constant 10080 : i32
      %mul3A_306 = arith.muli %arg1, %mul3A_305 : i32
      %mul3A_307 = arith.constant 96 : i32
      %mul3A_308 = arith.muli %add3A_298, %mul3A_307 : i32
      %add3A_309 = arith.addi %mul3A_306, %mul3A_308 : i32
      %dma_start3A_310 = tpu.memref_slice %arg9[%add3A_309] : memref<161280xi32, #tpu.memory_space<hbm>> -> memref<96xi32, #tpu.memory_space<hbm>>
      %dma_start3A_311 = tpu.memref_slice %arg9[%add3A_309] : memref<161280xi32, #tpu.memory_space<hbm>> -> memref<96xi32, #tpu.memory_space<hbm>>
      tpu.enqueue_dma source(%dma_start3A_311 : memref<96xi32, #tpu.memory_space<hbm>>) target(%arg27 : memref<96xi32, #tpu.memory_space<vmem>>) target_semaphore(%arg45 : memref<!tpu.dma_semaphore, #tpu.memory_space<semaphore_mem>>)
      %add3A_312 = arith.constant 1 : i32
      %add3A_313 = arith.addi %mul3A_240, %add3A_312 : i32
      %mul3A_314 = arith.constant 10080 : i32
      %mul3A_315 = arith.muli %arg1, %mul3A_314 : i32
      %mul3A_316 = arith.constant 96 : i32
      %mul3A_317 = arith.muli %add3A_313, %mul3A_316 : i32
      %add3A_318 = arith.addi %mul3A_315, %mul3A_317 : i32
      %dma_wait3A_319 = tpu.memref_slice %arg9[%add3A_318] : memref<161280xi32, #tpu.memory_space<hbm>> -> memref<96xi32, #tpu.memory_space<hbm>>
      %dma_wait3A_320 = tpu.memref_slice %arg9[%add3A_318] : memref<161280xi32, #tpu.memory_space<hbm>> -> memref<96xi32, #tpu.memory_space<hbm>>
      tpu.wait_dma2 semaphore(%arg44 : memref<!tpu.dma_semaphore, #tpu.memory_space<semaphore_mem>>) src(%dma_wait3A_320 : memref<96xi32, #tpu.memory_space<hbm>>) dst(%arg26 : memref<96xi32, #tpu.memory_space<vmem>>)
      %mul3A_321 = arith.constant 96 : i32
      %mul3A_322 = arith.muli %add3A_313, %mul3A_321 : i32
      %dma_wait3A_323 = tpu.memref_slice %arg24[%mul3A_322] : memref<10080xi32, #tpu.memory_space<vmem>> -> memref<96xi32, #tpu.memory_space<vmem>>
      %dma_wait3A_324 = arith.constant 0 : i32
      %dma_wait3A_325 = arith.constant 0 : i32
      %dma_wait3A_326 = tpu.memref_slice %arg2[%dma_wait3A_324, %dma_wait3A_325] : memref<20000x128xf32, #tpu.memory_space<hbm>> -> memref<20000x128xf32, #tpu.memory_space<hbm>>
      tpu.wait_indirect_dma semaphore(%arg35 : memref<!tpu.dma_semaphore, #tpu.memory_space<semaphore_mem>>) src(%dma_wait3A_326 : memref<20000x128xf32, #tpu.memory_space<hbm>>) dst(%arg29 : memref<96x128xf32, #tpu.memory_space<vmem>>)
      %dma_start3A_327 = arith.constant 0 : i32
      %dma_start3A_328 = arith.constant 0 : i32
      %dma_start3A_329 = tpu.memref_slice %arg32[%dma_start3A_327, %dma_start3A_328] : memref<10240x128xf32, #tpu.memory_space<vmem_shared>> -> memref<10240x128xf32, #tpu.memory_space<vmem_shared>>
      tpu.enqueue_indirect_dma source(%arg29 : memref<96x128xf32, #tpu.memory_space<vmem>>) target(%dma_start3A_329 : memref<10240x128xf32, #tpu.memory_space<vmem_shared>>) offsets(%arg26 : memref<96xi32, #tpu.memory_space<vmem>>) semaphore(%arg38 : memref<!tpu.dma_semaphore, #tpu.memory_space<semaphore_mem>>) {add = true}
      %eq3A_330 = arith.constant 0 : i32
      %eq3A_331 = arith.cmpi eq, %arg0, %eq3A_330 : i32
      %convert_element_type3A_332 = arith.extui %eq3A_331 : i1 to i32
      %cond3A_333 = arith.constant 0 : i32
      %cond3A_334 = arith.cmpi ne, %convert_element_type3A_332, %cond3A_333 : i32
      scf.if %cond3A_334 {
        %dma_start3A_373 = arith.constant 0 : i32
        %dma_start3A_374 = tpu.memref_slice %arg33[%dma_start3A_373] : memref<10240xf32, #tpu.memory_space<vmem_shared>> -> memref<10240xf32, #tpu.memory_space<vmem_shared>>
        tpu.enqueue_indirect_dma source(%arg31 : memref<96xf32, #tpu.memory_space<vmem>>) target(%dma_start3A_374 : memref<10240xf32, #tpu.memory_space<vmem_shared>>) offsets(%arg26 : memref<96xi32, #tpu.memory_space<vmem>>) semaphore(%arg41 : memref<!tpu.dma_semaphore, #tpu.memory_space<semaphore_mem>>) {add = true}
      } else {
      }
      %dma_wait3A_335 = arith.constant 0 : i32
      %dma_wait3A_336 = arith.constant 0 : i32
      %dma_wait3A_337 = tpu.memref_slice %arg32[%dma_wait3A_335, %dma_wait3A_336] : memref<10240x128xf32, #tpu.memory_space<vmem_shared>> -> memref<10240x128xf32, #tpu.memory_space<vmem_shared>>
      tpu.wait_indirect_dma semaphore(%arg37 : memref<!tpu.dma_semaphore, #tpu.memory_space<semaphore_mem>>) src(%arg28 : memref<96x128xf32, #tpu.memory_space<vmem>>) dst(%dma_wait3A_337 : memref<10240x128xf32, #tpu.memory_space<vmem_shared>>)
      %eq3A_338 = arith.constant 0 : i32
      %eq3A_339 = arith.cmpi eq, %arg0, %eq3A_338 : i32
      %convert_element_type3A_340 = arith.extui %eq3A_339 : i1 to i32
      %cond3A_341 = arith.constant 0 : i32
      %cond3A_342 = arith.cmpi ne, %convert_element_type3A_340, %cond3A_341 : i32
      scf.if %cond3A_342 {
        %dma_wait3A_373 = arith.constant 0 : i32
        %dma_wait3A_374 = tpu.memref_slice %arg33[%dma_wait3A_373] : memref<10240xf32, #tpu.memory_space<vmem_shared>> -> memref<10240xf32, #tpu.memory_space<vmem_shared>>
        tpu.wait_indirect_dma semaphore(%arg40 : memref<!tpu.dma_semaphore, #tpu.memory_space<semaphore_mem>>) src(%arg31 : memref<96xf32, #tpu.memory_space<vmem>>) dst(%dma_wait3A_374 : memref<10240xf32, #tpu.memory_space<vmem_shared>>)
      } else {
      }
      %add3A_343 = arith.constant 3 : i32
      %add3A_344 = arith.addi %mul3A_240, %add3A_343 : i32
      %lt3A_345 = arith.constant 105 : i32
      %lt3A_346 = arith.cmpi slt, %add3A_344, %lt3A_345 : i32
      %convert_element_type3A_347 = arith.extui %lt3A_346 : i1 to i32
      %cond3A_348 = arith.constant 0 : i32
      %cond3A_349 = arith.cmpi ne, %convert_element_type3A_347, %cond3A_348 : i32
      scf.if %cond3A_349 {
        %add3A_373 = arith.constant 3 : i32
        %add3A_374 = arith.addi %mul3A_240, %add3A_373 : i32
        %mul3A_375 = arith.constant 96 : i32
        %mul3A_376 = arith.muli %add3A_374, %mul3A_375 : i32
        %dma_start3A_377 = tpu.memref_slice %arg24[%mul3A_376] : memref<10080xi32, #tpu.memory_space<vmem>> -> memref<96xi32, #tpu.memory_space<vmem>>
        %dma_start3A_378 = arith.constant 0 : i32
        %dma_start3A_379 = arith.constant 0 : i32
        %dma_start3A_380 = tpu.memref_slice %arg2[%dma_start3A_378, %dma_start3A_379] : memref<20000x128xf32, #tpu.memory_space<hbm>> -> memref<20000x128xf32, #tpu.memory_space<hbm>>
        tpu.enqueue_indirect_dma source(%dma_start3A_380 : memref<20000x128xf32, #tpu.memory_space<hbm>>) target(%arg28 : memref<96x128xf32, #tpu.memory_space<vmem>>) offsets(%dma_start3A_377 : memref<96xi32, #tpu.memory_space<vmem>>) semaphore(%arg34 : memref<!tpu.dma_semaphore, #tpu.memory_space<semaphore_mem>>)
        %mul3A_381 = arith.constant 10080 : i32
        %mul3A_382 = arith.muli %arg1, %mul3A_381 : i32
        %mul3A_383 = arith.constant 96 : i32
        %mul3A_384 = arith.muli %add3A_374, %mul3A_383 : i32
        %add3A_385 = arith.addi %mul3A_382, %mul3A_384 : i32
        %dma_start3A_386 = tpu.memref_slice %arg9[%add3A_385] : memref<161280xi32, #tpu.memory_space<hbm>> -> memref<96xi32, #tpu.memory_space<hbm>>
        %dma_start3A_387 = tpu.memref_slice %arg9[%add3A_385] : memref<161280xi32, #tpu.memory_space<hbm>> -> memref<96xi32, #tpu.memory_space<hbm>>
        tpu.enqueue_dma source(%dma_start3A_387 : memref<96xi32, #tpu.memory_space<hbm>>) target(%arg25 : memref<96xi32, #tpu.memory_space<vmem>>) target_semaphore(%arg43 : memref<!tpu.dma_semaphore, #tpu.memory_space<semaphore_mem>>)
      } else {
      }
      %add3A_350 = arith.constant 2 : i32
      %add3A_351 = arith.addi %mul3A_240, %add3A_350 : i32
      %mul3A_352 = arith.constant 10080 : i32
      %mul3A_353 = arith.muli %arg1, %mul3A_352 : i32
      %mul3A_354 = arith.constant 96 : i32
      %mul3A_355 = arith.muli %add3A_351, %mul3A_354 : i32
      %add3A_356 = arith.addi %mul3A_353, %mul3A_355 : i32
      %dma_wait3A_357 = tpu.memref_slice %arg9[%add3A_356] : memref<161280xi32, #tpu.memory_space<hbm>> -> memref<96xi32, #tpu.memory_space<hbm>>
      %dma_wait3A_358 = tpu.memref_slice %arg9[%add3A_356] : memref<161280xi32, #tpu.memory_space<hbm>> -> memref<96xi32, #tpu.memory_space<hbm>>
      tpu.wait_dma2 semaphore(%arg45 : memref<!tpu.dma_semaphore, #tpu.memory_space<semaphore_mem>>) src(%dma_wait3A_358 : memref<96xi32, #tpu.memory_space<hbm>>) dst(%arg27 : memref<96xi32, #tpu.memory_space<vmem>>)
      %mul3A_359 = arith.constant 96 : i32
      %mul3A_360 = arith.muli %add3A_351, %mul3A_359 : i32
      %dma_wait3A_361 = tpu.memref_slice %arg24[%mul3A_360] : memref<10080xi32, #tpu.memory_space<vmem>> -> memref<96xi32, #tpu.memory_space<vmem>>
      %dma_wait3A_362 = arith.constant 0 : i32
      %dma_wait3A_363 = arith.constant 0 : i32
      %dma_wait3A_364 = tpu.memref_slice %arg2[%dma_wait3A_362, %dma_wait3A_363] : memref<20000x128xf32, #tpu.memory_space<hbm>> -> memref<20000x128xf32, #tpu.memory_space<hbm>>
      tpu.wait_indirect_dma semaphore(%arg36 : memref<!tpu.dma_semaphore, #tpu.memory_space<semaphore_mem>>) src(%dma_wait3A_364 : memref<20000x128xf32, #tpu.memory_space<hbm>>) dst(%arg30 : memref<96x128xf32, #tpu.memory_space<vmem>>)
      %dma_start3A_365 = arith.constant 0 : i32
      %dma_start3A_366 = arith.constant 0 : i32
      %dma_start3A_367 = tpu.memref_slice %arg32[%dma_start3A_365, %dma_start3A_366] : memref<10240x128xf32, #tpu.memory_space<vmem_shared>> -> memref<10240x128xf32, #tpu.memory_space<vmem_shared>>
      tpu.enqueue_indirect_dma source(%arg30 : memref<96x128xf32, #tpu.memory_space<vmem>>) target(%dma_start3A_367 : memref<10240x128xf32, #tpu.memory_space<vmem_shared>>) offsets(%arg27 : memref<96xi32, #tpu.memory_space<vmem>>) semaphore(%arg39 : memref<!tpu.dma_semaphore, #tpu.memory_space<semaphore_mem>>) {add = true}
      %eq3A_368 = arith.constant 0 : i32
      %eq3A_369 = arith.cmpi eq, %arg0, %eq3A_368 : i32
      %convert_element_type3A_370 = arith.extui %eq3A_369 : i1 to i32
      %cond3A_371 = arith.constant 0 : i32
      %cond3A_372 = arith.cmpi ne, %convert_element_type3A_370, %cond3A_371 : i32
      scf.if %cond3A_372 {
        %dma_start3A_373 = arith.constant 0 : i32
        %dma_start3A_374 = tpu.memref_slice %arg33[%dma_start3A_373] : memref<10240xf32, #tpu.memory_space<vmem_shared>> -> memref<10240xf32, #tpu.memory_space<vmem_shared>>
        tpu.enqueue_indirect_dma source(%arg31 : memref<96xf32, #tpu.memory_space<vmem>>) target(%dma_start3A_374 : memref<10240xf32, #tpu.memory_space<vmem_shared>>) offsets(%arg27 : memref<96xi32, #tpu.memory_space<vmem>>) semaphore(%arg42 : memref<!tpu.dma_semaphore, #tpu.memory_space<semaphore_mem>>) {add = true}
      } else {
      }
    }
    %scan3A_21 = arith.constant 35 : i32
    %dma_wait3A = arith.constant 0 : i32
    %dma_wait3A_22 = arith.constant 0 : i32
    %dma_wait3A_23 = tpu.memref_slice %arg32[%dma_wait3A, %dma_wait3A_22] : memref<10240x128xf32, #tpu.memory_space<vmem_shared>> -> memref<10240x128xf32, #tpu.memory_space<vmem_shared>>
    tpu.wait_indirect_dma semaphore(%arg38 : memref<!tpu.dma_semaphore, #tpu.memory_space<semaphore_mem>>) src(%arg29 : memref<96x128xf32, #tpu.memory_space<vmem>>) dst(%dma_wait3A_23 : memref<10240x128xf32, #tpu.memory_space<vmem_shared>>)
    %eq3A_24 = arith.constant 0 : i32
    %eq3A_25 = arith.cmpi eq, %arg0, %eq3A_24 : i32
    %convert_element_type3A_26 = arith.extui %eq3A_25 : i1 to i32
    %cond3A_27 = arith.constant 0 : i32
    %cond3A_28 = arith.cmpi ne, %convert_element_type3A_26, %cond3A_27 : i32
    scf.if %cond3A_28 {
      %dma_wait3A_238 = arith.constant 0 : i32
      %dma_wait3A_239 = tpu.memref_slice %arg33[%dma_wait3A_238] : memref<10240xf32, #tpu.memory_space<vmem_shared>> -> memref<10240xf32, #tpu.memory_space<vmem_shared>>
      tpu.wait_indirect_dma semaphore(%arg41 : memref<!tpu.dma_semaphore, #tpu.memory_space<semaphore_mem>>) src(%arg31 : memref<96xf32, #tpu.memory_space<vmem>>) dst(%dma_wait3A_239 : memref<10240xf32, #tpu.memory_space<vmem_shared>>)
    } else {
    }
    %dma_wait3A_29 = arith.constant 0 : i32
    %dma_wait3A_30 = arith.constant 0 : i32
    %dma_wait3A_31 = tpu.memref_slice %arg32[%dma_wait3A_29, %dma_wait3A_30] : memref<10240x128xf32, #tpu.memory_space<vmem_shared>> -> memref<10240x128xf32, #tpu.memory_space<vmem_shared>>
    tpu.wait_indirect_dma semaphore(%arg39 : memref<!tpu.dma_semaphore, #tpu.memory_space<semaphore_mem>>) src(%arg30 : memref<96x128xf32, #tpu.memory_space<vmem>>) dst(%dma_wait3A_31 : memref<10240x128xf32, #tpu.memory_space<vmem_shared>>)
    %eq3A_32 = arith.constant 0 : i32
    %eq3A_33 = arith.cmpi eq, %arg0, %eq3A_32 : i32
    %convert_element_type3A_34 = arith.extui %eq3A_33 : i1 to i32
    %cond3A_35 = arith.constant 0 : i32
    %cond3A_36 = arith.cmpi ne, %convert_element_type3A_34, %cond3A_35 : i32
    scf.if %cond3A_36 {
      %dma_wait3A_238 = arith.constant 0 : i32
      %dma_wait3A_239 = tpu.memref_slice %arg33[%dma_wait3A_238] : memref<10240xf32, #tpu.memory_space<vmem_shared>> -> memref<10240xf32, #tpu.memory_space<vmem_shared>>
      tpu.wait_indirect_dma semaphore(%arg42 : memref<!tpu.dma_semaphore, #tpu.memory_space<semaphore_mem>>) src(%arg31 : memref<96xf32, #tpu.memory_space<vmem>>) dst(%dma_wait3A_239 : memref<10240xf32, #tpu.memory_space<vmem_shared>>)
    } else {
    }
    %barrier3A_37 = arith.constant 0 : index
    tpu.barrier barrier_id(%barrier3A_37)
    %lt3A = arith.constant 15 : i32
    %lt3A_38 = arith.cmpi slt, %arg1, %lt3A : i32
    %convert_element_type3A_39 = arith.extui %lt3A_38 : i1 to i32
    %cond3A_40 = arith.constant 0 : i32
    %cond3A_41 = arith.cmpi ne, %convert_element_type3A_39, %cond3A_40 : i32
    scf.if %cond3A_41 {
      %mul3A_238 = arith.constant 640 : i32
      %mul3A_239 = arith.muli %arg1, %mul3A_238 : i32
      %mul3A_240 = arith.constant 10000 : i32
      %mul3A_241 = arith.muli %arg0, %mul3A_240 : i32
      %mul3A_242 = arith.constant 640 : i32
      %mul3A_243 = arith.muli %arg1, %mul3A_242 : i32
      %add3A_244 = arith.addi %mul3A_241, %mul3A_243 : i32
      "tpu.region"() ({
        %run_scoped3A = tpu.sem_alloc : memref<!tpu.dma_semaphore, #tpu.memory_space<semaphore_mem>>
        %dma_start3A_245 = arith.constant 0 : i32
        %dma_start3A_246 = tpu.memref_slice %arg16[%add3A_244, %dma_start3A_245] : memref<20000x128xf32, #tpu.memory_space<hbm>> -> memref<640x128xf32, #tpu.memory_space<hbm>>
        %dma_start3A_247 = arith.constant 0 : i32
        %dma_start3A_248 = tpu.memref_slice %arg32[%mul3A_239, %dma_start3A_247] : memref<10240x128xf32, #tpu.memory_space<vmem_shared>> -> memref<640x128xf32, #tpu.memory_space<vmem_shared>>
        tpu.enqueue_dma source(%dma_start3A_248 : memref<640x128xf32, #tpu.memory_space<vmem_shared>>) target(%dma_start3A_246 : memref<640x128xf32, #tpu.memory_space<hbm>>) target_semaphore(%run_scoped3A : memref<!tpu.dma_semaphore, #tpu.memory_space<semaphore_mem>>)
        %dma_wait3A_249 = arith.constant 0 : i32
        %dma_wait3A_250 = tpu.memref_slice %arg16[%add3A_244, %dma_wait3A_249] : memref<20000x128xf32, #tpu.memory_space<hbm>> -> memref<640x128xf32, #tpu.memory_space<hbm>>
        %dma_wait3A_251 = arith.constant 0 : i32
        %dma_wait3A_252 = tpu.memref_slice %arg32[%mul3A_239, %dma_wait3A_251] : memref<10240x128xf32, #tpu.memory_space<vmem_shared>> -> memref<640x128xf32, #tpu.memory_space<vmem_shared>>
        tpu.wait_dma2 semaphore(%run_scoped3A : memref<!tpu.dma_semaphore, #tpu.memory_space<semaphore_mem>>) src(%dma_wait3A_252 : memref<640x128xf32, #tpu.memory_space<vmem_shared>>) dst(%dma_wait3A_250 : memref<640x128xf32, #tpu.memory_space<hbm>>)
        tpu.yield
      }) : () -> ()
    } else {
    }
    %eq3A_42 = arith.constant 15 : i32
    %eq3A_43 = arith.cmpi eq, %arg1, %eq3A_42 : i32
    %convert_element_type3A_44 = arith.extui %eq3A_43 : i1 to i32
    %cond3A_45 = arith.constant 0 : i32
    %cond3A_46 = arith.cmpi ne, %convert_element_type3A_44, %cond3A_45 : i32
    scf.if %cond3A_46 {
      %mul3A_238 = arith.constant 10000 : i32
      %mul3A_239 = arith.muli %arg0, %mul3A_238 : i32
      %add3A_240 = arith.constant 9600 : i32
      %add3A_241 = arith.addi %mul3A_239, %add3A_240 : i32
      "tpu.region"() ({
        %run_scoped3A = tpu.sem_alloc : memref<!tpu.dma_semaphore, #tpu.memory_space<semaphore_mem>>
        %dma_start3A_242 = arith.constant 0 : i32
        %dma_start3A_243 = tpu.memref_slice %arg16[%add3A_241, %dma_start3A_242] : memref<20000x128xf32, #tpu.memory_space<hbm>> -> memref<400x128xf32, #tpu.memory_space<hbm>>
        %dma_start3A_244 = arith.constant 9600 : i32
        %dma_start3A_245 = arith.constant 0 : i32
        %dma_start3A_246 = tpu.memref_slice %arg32[%dma_start3A_244, %dma_start3A_245] : memref<10240x128xf32, #tpu.memory_space<vmem_shared>> -> memref<400x128xf32, #tpu.memory_space<vmem_shared>>
        tpu.enqueue_dma source(%dma_start3A_246 : memref<400x128xf32, #tpu.memory_space<vmem_shared>>) target(%dma_start3A_243 : memref<400x128xf32, #tpu.memory_space<hbm>>) target_semaphore(%run_scoped3A : memref<!tpu.dma_semaphore, #tpu.memory_space<semaphore_mem>>)
        %dma_wait3A_247 = arith.constant 0 : i32
        %dma_wait3A_248 = tpu.memref_slice %arg16[%add3A_241, %dma_wait3A_247] : memref<20000x128xf32, #tpu.memory_space<hbm>> -> memref<400x128xf32, #tpu.memory_space<hbm>>
        %dma_wait3A_249 = arith.constant 9600 : i32
        %dma_wait3A_250 = arith.constant 0 : i32
        %dma_wait3A_251 = tpu.memref_slice %arg32[%dma_wait3A_249, %dma_wait3A_250] : memref<10240x128xf32, #tpu.memory_space<vmem_shared>> -> memref<400x128xf32, #tpu.memory_space<vmem_shared>>
        tpu.wait_dma2 semaphore(%run_scoped3A : memref<!tpu.dma_semaphore, #tpu.memory_space<semaphore_mem>>) src(%dma_wait3A_251 : memref<400x128xf32, #tpu.memory_space<vmem_shared>>) dst(%dma_wait3A_248 : memref<400x128xf32, #tpu.memory_space<hbm>>)
        tpu.yield
      }) : () -> ()
    } else {
    }
    %eq3A_47 = arith.constant 0 : i32
    %eq3A_48 = arith.cmpi eq, %arg0, %eq3A_47 : i32
    %convert_element_type3A_49 = arith.extui %eq3A_48 : i1 to i32
    %cond3A_50 = arith.constant 0 : i32
    %cond3A_51 = arith.cmpi ne, %convert_element_type3A_49, %cond3A_50 : i32
    scf.if %cond3A_51 {
      %mul3A_238 = arith.constant 640 : i32
      %mul3A_239 = arith.muli %arg1, %mul3A_238 : i32
      %mul3A_240 = arith.constant 640 : i32
      %mul3A_241 = arith.muli %arg1, %mul3A_240 : i32
      "tpu.region"() ({
        %run_scoped3A = tpu.sem_alloc : memref<!tpu.dma_semaphore, #tpu.memory_space<semaphore_mem>>
        %dma_start3A_242 = tpu.memref_slice %arg20[%mul3A_241] : memref<10240xf32, #tpu.memory_space<hbm>> -> memref<640xf32, #tpu.memory_space<hbm>>
        %dma_start3A_243 = tpu.memref_slice %arg33[%mul3A_239] : memref<10240xf32, #tpu.memory_space<vmem_shared>> -> memref<640xf32, #tpu.memory_space<vmem_shared>>
        tpu.enqueue_dma source(%dma_start3A_243 : memref<640xf32, #tpu.memory_space<vmem_shared>>) target(%dma_start3A_242 : memref<640xf32, #tpu.memory_space<hbm>>) target_semaphore(%run_scoped3A : memref<!tpu.dma_semaphore, #tpu.memory_space<semaphore_mem>>)
        %dma_wait3A_244 = tpu.memref_slice %arg20[%mul3A_241] : memref<10240xf32, #tpu.memory_space<hbm>> -> memref<640xf32, #tpu.memory_space<hbm>>
        %dma_wait3A_245 = tpu.memref_slice %arg33[%mul3A_239] : memref<10240xf32, #tpu.memory_space<vmem_shared>> -> memref<640xf32, #tpu.memory_space<vmem_shared>>
        tpu.wait_dma2 semaphore(%run_scoped3A : memref<!tpu.dma_semaphore, #tpu.memory_space<semaphore_mem>>) src(%dma_wait3A_245 : memref<640xf32, #tpu.memory_space<vmem_shared>>) dst(%dma_wait3A_244 : memref<640xf32, #tpu.memory_space<hbm>>)
        tpu.yield
      }) : () -> ()
    } else {
    }
    %mul3A_52 = arith.constant 161280 : i32
    %mul3A_53 = arith.muli %arg0, %mul3A_52 : i32
    %mul3A_54 = arith.constant 10080 : i32
    %mul3A_55 = arith.muli %arg1, %mul3A_54 : i32
    %add3A_56 = arith.addi %mul3A_53, %mul3A_55 : i32
    "tpu.region"() ({
      %run_scoped3A = tpu.sem_alloc : memref<!tpu.dma_semaphore, #tpu.memory_space<semaphore_mem>>
      %dma_start3A_238 = tpu.memref_slice %arg6[%add3A_56] : memref<322560xi32, #tpu.memory_space<hbm>> -> memref<10080xi32, #tpu.memory_space<hbm>>
      %dma_start3A_239 = tpu.memref_slice %arg6[%add3A_56] : memref<322560xi32, #tpu.memory_space<hbm>> -> memref<10080xi32, #tpu.memory_space<hbm>>
      tpu.enqueue_dma source(%dma_start3A_239 : memref<10080xi32, #tpu.memory_space<hbm>>) target(%arg24 : memref<10080xi32, #tpu.memory_space<vmem>>) target_semaphore(%run_scoped3A : memref<!tpu.dma_semaphore, #tpu.memory_space<semaphore_mem>>)
      %dma_wait3A_240 = tpu.memref_slice %arg6[%add3A_56] : memref<322560xi32, #tpu.memory_space<hbm>> -> memref<10080xi32, #tpu.memory_space<hbm>>
      %dma_wait3A_241 = tpu.memref_slice %arg6[%add3A_56] : memref<322560xi32, #tpu.memory_space<hbm>> -> memref<10080xi32, #tpu.memory_space<hbm>>
      tpu.wait_dma2 semaphore(%run_scoped3A : memref<!tpu.dma_semaphore, #tpu.memory_space<semaphore_mem>>) src(%dma_wait3A_241 : memref<10080xi32, #tpu.memory_space<hbm>>) dst(%arg24 : memref<10080xi32, #tpu.memory_space<vmem>>)
      tpu.yield
    }) : () -> ()
    %dma_start3A_57 = arith.constant 0 : i32
    %dma_start3A_58 = tpu.memref_slice %arg24[%dma_start3A_57] : memref<10080xi32, #tpu.memory_space<vmem>> -> memref<96xi32, #tpu.memory_space<vmem>>
    %dma_start3A_59 = arith.constant 0 : i32
    %dma_start3A_60 = arith.constant 0 : i32
    %dma_start3A_61 = tpu.memref_slice %arg3[%dma_start3A_59, %dma_start3A_60] : memref<20000x128xf32, #tpu.memory_space<hbm>> -> memref<20000x128xf32, #tpu.memory_space<hbm>>
    tpu.enqueue_indirect_dma source(%dma_start3A_61 : memref<20000x128xf32, #tpu.memory_space<hbm>>) target(%arg28 : memref<96x128xf32, #tpu.memory_space<vmem>>) offsets(%dma_start3A_58 : memref<96xi32, #tpu.memory_space<vmem>>) semaphore(%arg34 : memref<!tpu.dma_semaphore, #tpu.memory_space<semaphore_mem>>)
    %mul3A_62 = arith.constant 10080 : i32
    %mul3A_63 = arith.muli %arg1, %mul3A_62 : i32
    %add3A_64 = arith.constant 0 : i32
    %add3A_65 = arith.addi %mul3A_63, %add3A_64 : i32
    %dma_start3A_66 = tpu.memref_slice %arg10[%add3A_65] : memref<161280xi32, #tpu.memory_space<hbm>> -> memref<96xi32, #tpu.memory_space<hbm>>
    %dma_start3A_67 = tpu.memref_slice %arg10[%add3A_65] : memref<161280xi32, #tpu.memory_space<hbm>> -> memref<96xi32, #tpu.memory_space<hbm>>
    tpu.enqueue_dma source(%dma_start3A_67 : memref<96xi32, #tpu.memory_space<hbm>>) target(%arg25 : memref<96xi32, #tpu.memory_space<vmem>>) target_semaphore(%arg43 : memref<!tpu.dma_semaphore, #tpu.memory_space<semaphore_mem>>)
    %mul3A_68 = arith.constant 640 : i32
    %mul3A_69 = arith.muli %arg1, %mul3A_68 : i32
    "tpu.region"() ({
      %run_scoped3A = tpu.sem_alloc : memref<!tpu.dma_semaphore, #tpu.memory_space<semaphore_mem>>
      %dma_start3A_238 = arith.constant 0 : i32
      %dma_start3A_239 = tpu.memref_slice %arg32[%mul3A_69, %dma_start3A_238] : memref<10240x128xf32, #tpu.memory_space<vmem_shared>> -> memref<640x128xf32, #tpu.memory_space<vmem_shared>>
      tpu.enqueue_dma source(%arg13 : memref<640x128xf32, #tpu.memory_space<hbm>>) target(%dma_start3A_239 : memref<640x128xf32, #tpu.memory_space<vmem_shared>>) target_semaphore(%run_scoped3A : memref<!tpu.dma_semaphore, #tpu.memory_space<semaphore_mem>>)
      %dma_wait3A_240 = arith.constant 0 : i32
      %dma_wait3A_241 = tpu.memref_slice %arg32[%mul3A_69, %dma_wait3A_240] : memref<10240x128xf32, #tpu.memory_space<vmem_shared>> -> memref<640x128xf32, #tpu.memory_space<vmem_shared>>
      tpu.wait_dma2 semaphore(%run_scoped3A : memref<!tpu.dma_semaphore, #tpu.memory_space<semaphore_mem>>) src(%arg13 : memref<640x128xf32, #tpu.memory_space<hbm>>) dst(%dma_wait3A_241 : memref<640x128xf32, #tpu.memory_space<vmem_shared>>)
      tpu.yield
    }) : () -> ()
    %eq3A_70 = arith.constant 0 : i32
    %eq3A_71 = arith.cmpi eq, %arg0, %eq3A_70 : i32
    %convert_element_type3A_72 = arith.extui %eq3A_71 : i1 to i32
    %cond3A_73 = arith.constant 0 : i32
    %cond3A_74 = arith.cmpi ne, %convert_element_type3A_72, %cond3A_73 : i32
    scf.if %cond3A_74 {
      %mul3A_238 = arith.constant 640 : i32
      %mul3A_239 = arith.muli %arg1, %mul3A_238 : i32
      %mul3A_240 = arith.constant 640 : i32
      %mul3A_241 = arith.muli %arg1, %mul3A_240 : i32
      "tpu.region"() ({
        %run_scoped3A = tpu.sem_alloc : memref<!tpu.dma_semaphore, #tpu.memory_space<semaphore_mem>>
        %dma_start3A_242 = tpu.memref_slice %arg33[%mul3A_241] : memref<10240xf32, #tpu.memory_space<vmem_shared>> -> memref<640xf32, #tpu.memory_space<vmem_shared>>
        %dma_start3A_243 = tpu.memref_slice %arg14[%mul3A_239] : memref<10240xf32, #tpu.memory_space<hbm>> -> memref<640xf32, #tpu.memory_space<hbm>>
        tpu.enqueue_dma source(%dma_start3A_243 : memref<640xf32, #tpu.memory_space<hbm>>) target(%dma_start3A_242 : memref<640xf32, #tpu.memory_space<vmem_shared>>) target_semaphore(%run_scoped3A : memref<!tpu.dma_semaphore, #tpu.memory_space<semaphore_mem>>)
        %dma_wait3A_244 = tpu.memref_slice %arg33[%mul3A_241] : memref<10240xf32, #tpu.memory_space<vmem_shared>> -> memref<640xf32, #tpu.memory_space<vmem_shared>>
        %dma_wait3A_245 = tpu.memref_slice %arg14[%mul3A_239] : memref<10240xf32, #tpu.memory_space<hbm>> -> memref<640xf32, #tpu.memory_space<hbm>>
        tpu.wait_dma2 semaphore(%run_scoped3A : memref<!tpu.dma_semaphore, #tpu.memory_space<semaphore_mem>>) src(%dma_wait3A_245 : memref<640xf32, #tpu.memory_space<hbm>>) dst(%dma_wait3A_244 : memref<640xf32, #tpu.memory_space<vmem_shared>>)
        tpu.yield
      }) : () -> ()
    } else {
    }
    %barrier3A_75 = arith.constant 0 : index
    tpu.barrier barrier_id(%barrier3A_75)
    %scan3A_76 = arith.constant 0 : i32
    %scan3A_77 = arith.constant 0 : i32
    %scan3A_78 = arith.constant 35 : i32
    %scan3A_79 = arith.addi %scan3A_77, %scan3A_78 : i32
    %scan3A_80 = arith.constant 1 : i32
    scf.for %scan3A_238 = %scan3A_77 to %scan3A_79 step %scan3A_80  : i32 {
      %mul3A_239 = arith.constant 3 : i32
      %mul3A_240 = arith.muli %mul3A_239, %scan3A_238 : i32
      %gt3A = arith.constant 0 : i32
      %gt3A_241 = arith.cmpi sgt, %scan3A_238, %gt3A : i32
      %convert_element_type3A_242 = arith.extui %gt3A_241 : i1 to i32
      %cond3A_243 = arith.constant 0 : i32
      %cond3A_244 = arith.cmpi ne, %convert_element_type3A_242, %cond3A_243 : i32
      scf.if %cond3A_244 {
        %dma_wait3A_373 = arith.constant 0 : i32
        %dma_wait3A_374 = arith.constant 0 : i32
        %dma_wait3A_375 = tpu.memref_slice %arg32[%dma_wait3A_373, %dma_wait3A_374] : memref<10240x128xf32, #tpu.memory_space<vmem_shared>> -> memref<10240x128xf32, #tpu.memory_space<vmem_shared>>
        tpu.wait_indirect_dma semaphore(%arg38 : memref<!tpu.dma_semaphore, #tpu.memory_space<semaphore_mem>>) src(%arg29 : memref<96x128xf32, #tpu.memory_space<vmem>>) dst(%dma_wait3A_375 : memref<10240x128xf32, #tpu.memory_space<vmem_shared>>)
      } else {
      }
      %eq3A_245 = arith.constant 0 : i32
      %eq3A_246 = arith.cmpi eq, %arg0, %eq3A_245 : i32
      %and3A = arith.andi %gt3A_241, %eq3A_246 : i1
      %convert_element_type3A_247 = arith.extui %and3A : i1 to i32
      %cond3A_248 = arith.constant 0 : i32
      %cond3A_249 = arith.cmpi ne, %convert_element_type3A_247, %cond3A_248 : i32
      scf.if %cond3A_249 {
        %dma_wait3A_373 = arith.constant 0 : i32
        %dma_wait3A_374 = tpu.memref_slice %arg33[%dma_wait3A_373] : memref<10240xf32, #tpu.memory_space<vmem_shared>> -> memref<10240xf32, #tpu.memory_space<vmem_shared>>
        tpu.wait_indirect_dma semaphore(%arg41 : memref<!tpu.dma_semaphore, #tpu.memory_space<semaphore_mem>>) src(%arg31 : memref<96xf32, #tpu.memory_space<vmem>>) dst(%dma_wait3A_374 : memref<10240xf32, #tpu.memory_space<vmem_shared>>)
      } else {
      }
      %add3A_250 = arith.constant 1 : i32
      %add3A_251 = arith.addi %mul3A_240, %add3A_250 : i32
      %mul3A_252 = arith.constant 96 : i32
      %mul3A_253 = arith.muli %add3A_251, %mul3A_252 : i32
      %dma_start3A_254 = tpu.memref_slice %arg24[%mul3A_253] : memref<10080xi32, #tpu.memory_space<vmem>> -> memref<96xi32, #tpu.memory_space<vmem>>
      %dma_start3A_255 = arith.constant 0 : i32
      %dma_start3A_256 = arith.constant 0 : i32
      %dma_start3A_257 = tpu.memref_slice %arg3[%dma_start3A_255, %dma_start3A_256] : memref<20000x128xf32, #tpu.memory_space<hbm>> -> memref<20000x128xf32, #tpu.memory_space<hbm>>
      tpu.enqueue_indirect_dma source(%dma_start3A_257 : memref<20000x128xf32, #tpu.memory_space<hbm>>) target(%arg29 : memref<96x128xf32, #tpu.memory_space<vmem>>) offsets(%dma_start3A_254 : memref<96xi32, #tpu.memory_space<vmem>>) semaphore(%arg35 : memref<!tpu.dma_semaphore, #tpu.memory_space<semaphore_mem>>)
      %mul3A_258 = arith.constant 10080 : i32
      %mul3A_259 = arith.muli %arg1, %mul3A_258 : i32
      %mul3A_260 = arith.constant 96 : i32
      %mul3A_261 = arith.muli %add3A_251, %mul3A_260 : i32
      %add3A_262 = arith.addi %mul3A_259, %mul3A_261 : i32
      %dma_start3A_263 = tpu.memref_slice %arg10[%add3A_262] : memref<161280xi32, #tpu.memory_space<hbm>> -> memref<96xi32, #tpu.memory_space<hbm>>
      %dma_start3A_264 = tpu.memref_slice %arg10[%add3A_262] : memref<161280xi32, #tpu.memory_space<hbm>> -> memref<96xi32, #tpu.memory_space<hbm>>
      tpu.enqueue_dma source(%dma_start3A_264 : memref<96xi32, #tpu.memory_space<hbm>>) target(%arg26 : memref<96xi32, #tpu.memory_space<vmem>>) target_semaphore(%arg44 : memref<!tpu.dma_semaphore, #tpu.memory_space<semaphore_mem>>)
      %mul3A_265 = arith.constant 10080 : i32
      %mul3A_266 = arith.muli %arg1, %mul3A_265 : i32
      %mul3A_267 = arith.constant 96 : i32
      %mul3A_268 = arith.muli %mul3A_240, %mul3A_267 : i32
      %add3A_269 = arith.addi %mul3A_266, %mul3A_268 : i32
      %dma_wait3A_270 = tpu.memref_slice %arg10[%add3A_269] : memref<161280xi32, #tpu.memory_space<hbm>> -> memref<96xi32, #tpu.memory_space<hbm>>
      %dma_wait3A_271 = tpu.memref_slice %arg10[%add3A_269] : memref<161280xi32, #tpu.memory_space<hbm>> -> memref<96xi32, #tpu.memory_space<hbm>>
      tpu.wait_dma2 semaphore(%arg43 : memref<!tpu.dma_semaphore, #tpu.memory_space<semaphore_mem>>) src(%dma_wait3A_271 : memref<96xi32, #tpu.memory_space<hbm>>) dst(%arg25 : memref<96xi32, #tpu.memory_space<vmem>>)
      %mul3A_272 = arith.constant 96 : i32
      %mul3A_273 = arith.muli %mul3A_240, %mul3A_272 : i32
      %dma_wait3A_274 = tpu.memref_slice %arg24[%mul3A_273] : memref<10080xi32, #tpu.memory_space<vmem>> -> memref<96xi32, #tpu.memory_space<vmem>>
      %dma_wait3A_275 = arith.constant 0 : i32
      %dma_wait3A_276 = arith.constant 0 : i32
      %dma_wait3A_277 = tpu.memref_slice %arg3[%dma_wait3A_275, %dma_wait3A_276] : memref<20000x128xf32, #tpu.memory_space<hbm>> -> memref<20000x128xf32, #tpu.memory_space<hbm>>
      tpu.wait_indirect_dma semaphore(%arg34 : memref<!tpu.dma_semaphore, #tpu.memory_space<semaphore_mem>>) src(%dma_wait3A_277 : memref<20000x128xf32, #tpu.memory_space<hbm>>) dst(%arg28 : memref<96x128xf32, #tpu.memory_space<vmem>>)
      %dma_start3A_278 = arith.constant 0 : i32
      %dma_start3A_279 = arith.constant 0 : i32
      %dma_start3A_280 = tpu.memref_slice %arg32[%dma_start3A_278, %dma_start3A_279] : memref<10240x128xf32, #tpu.memory_space<vmem_shared>> -> memref<10240x128xf32, #tpu.memory_space<vmem_shared>>
      tpu.enqueue_indirect_dma source(%arg28 : memref<96x128xf32, #tpu.memory_space<vmem>>) target(%dma_start3A_280 : memref<10240x128xf32, #tpu.memory_space<vmem_shared>>) offsets(%arg25 : memref<96xi32, #tpu.memory_space<vmem>>) semaphore(%arg37 : memref<!tpu.dma_semaphore, #tpu.memory_space<semaphore_mem>>) {add = true}
      %eq3A_281 = arith.constant 0 : i32
      %eq3A_282 = arith.cmpi eq, %arg0, %eq3A_281 : i32
      %convert_element_type3A_283 = arith.extui %eq3A_282 : i1 to i32
      %cond3A_284 = arith.constant 0 : i32
      %cond3A_285 = arith.cmpi ne, %convert_element_type3A_283, %cond3A_284 : i32
      scf.if %cond3A_285 {
        %dma_start3A_373 = arith.constant 0 : i32
        %dma_start3A_374 = tpu.memref_slice %arg33[%dma_start3A_373] : memref<10240xf32, #tpu.memory_space<vmem_shared>> -> memref<10240xf32, #tpu.memory_space<vmem_shared>>
        tpu.enqueue_indirect_dma source(%arg31 : memref<96xf32, #tpu.memory_space<vmem>>) target(%dma_start3A_374 : memref<10240xf32, #tpu.memory_space<vmem_shared>>) offsets(%arg25 : memref<96xi32, #tpu.memory_space<vmem>>) semaphore(%arg40 : memref<!tpu.dma_semaphore, #tpu.memory_space<semaphore_mem>>) {add = true}
      } else {
      }
      %gt3A_286 = arith.constant 0 : i32
      %gt3A_287 = arith.cmpi sgt, %scan3A_238, %gt3A_286 : i32
      %convert_element_type3A_288 = arith.extui %gt3A_287 : i1 to i32
      %cond3A_289 = arith.constant 0 : i32
      %cond3A_290 = arith.cmpi ne, %convert_element_type3A_288, %cond3A_289 : i32
      scf.if %cond3A_290 {
        %dma_wait3A_373 = arith.constant 0 : i32
        %dma_wait3A_374 = arith.constant 0 : i32
        %dma_wait3A_375 = tpu.memref_slice %arg32[%dma_wait3A_373, %dma_wait3A_374] : memref<10240x128xf32, #tpu.memory_space<vmem_shared>> -> memref<10240x128xf32, #tpu.memory_space<vmem_shared>>
        tpu.wait_indirect_dma semaphore(%arg39 : memref<!tpu.dma_semaphore, #tpu.memory_space<semaphore_mem>>) src(%arg30 : memref<96x128xf32, #tpu.memory_space<vmem>>) dst(%dma_wait3A_375 : memref<10240x128xf32, #tpu.memory_space<vmem_shared>>)
      } else {
      }
      %eq3A_291 = arith.constant 0 : i32
      %eq3A_292 = arith.cmpi eq, %arg0, %eq3A_291 : i32
      %and3A_293 = arith.andi %gt3A_287, %eq3A_292 : i1
      %convert_element_type3A_294 = arith.extui %and3A_293 : i1 to i32
      %cond3A_295 = arith.constant 0 : i32
      %cond3A_296 = arith.cmpi ne, %convert_element_type3A_294, %cond3A_295 : i32
      scf.if %cond3A_296 {
        %dma_wait3A_373 = arith.constant 0 : i32
        %dma_wait3A_374 = tpu.memref_slice %arg33[%dma_wait3A_373] : memref<10240xf32, #tpu.memory_space<vmem_shared>> -> memref<10240xf32, #tpu.memory_space<vmem_shared>>
        tpu.wait_indirect_dma semaphore(%arg42 : memref<!tpu.dma_semaphore, #tpu.memory_space<semaphore_mem>>) src(%arg31 : memref<96xf32, #tpu.memory_space<vmem>>) dst(%dma_wait3A_374 : memref<10240xf32, #tpu.memory_space<vmem_shared>>)
      } else {
      }
      %add3A_297 = arith.constant 2 : i32
      %add3A_298 = arith.addi %mul3A_240, %add3A_297 : i32
      %mul3A_299 = arith.constant 96 : i32
      %mul3A_300 = arith.muli %add3A_298, %mul3A_299 : i32
      %dma_start3A_301 = tpu.memref_slice %arg24[%mul3A_300] : memref<10080xi32, #tpu.memory_space<vmem>> -> memref<96xi32, #tpu.memory_space<vmem>>
      %dma_start3A_302 = arith.constant 0 : i32
      %dma_start3A_303 = arith.constant 0 : i32
      %dma_start3A_304 = tpu.memref_slice %arg3[%dma_start3A_302, %dma_start3A_303] : memref<20000x128xf32, #tpu.memory_space<hbm>> -> memref<20000x128xf32, #tpu.memory_space<hbm>>
      tpu.enqueue_indirect_dma source(%dma_start3A_304 : memref<20000x128xf32, #tpu.memory_space<hbm>>) target(%arg30 : memref<96x128xf32, #tpu.memory_space<vmem>>) offsets(%dma_start3A_301 : memref<96xi32, #tpu.memory_space<vmem>>) semaphore(%arg36 : memref<!tpu.dma_semaphore, #tpu.memory_space<semaphore_mem>>)
      %mul3A_305 = arith.constant 10080 : i32
      %mul3A_306 = arith.muli %arg1, %mul3A_305 : i32
      %mul3A_307 = arith.constant 96 : i32
      %mul3A_308 = arith.muli %add3A_298, %mul3A_307 : i32
      %add3A_309 = arith.addi %mul3A_306, %mul3A_308 : i32
      %dma_start3A_310 = tpu.memref_slice %arg10[%add3A_309] : memref<161280xi32, #tpu.memory_space<hbm>> -> memref<96xi32, #tpu.memory_space<hbm>>
      %dma_start3A_311 = tpu.memref_slice %arg10[%add3A_309] : memref<161280xi32, #tpu.memory_space<hbm>> -> memref<96xi32, #tpu.memory_space<hbm>>
      tpu.enqueue_dma source(%dma_start3A_311 : memref<96xi32, #tpu.memory_space<hbm>>) target(%arg27 : memref<96xi32, #tpu.memory_space<vmem>>) target_semaphore(%arg45 : memref<!tpu.dma_semaphore, #tpu.memory_space<semaphore_mem>>)
      %add3A_312 = arith.constant 1 : i32
      %add3A_313 = arith.addi %mul3A_240, %add3A_312 : i32
      %mul3A_314 = arith.constant 10080 : i32
      %mul3A_315 = arith.muli %arg1, %mul3A_314 : i32
      %mul3A_316 = arith.constant 96 : i32
      %mul3A_317 = arith.muli %add3A_313, %mul3A_316 : i32
      %add3A_318 = arith.addi %mul3A_315, %mul3A_317 : i32
      %dma_wait3A_319 = tpu.memref_slice %arg10[%add3A_318] : memref<161280xi32, #tpu.memory_space<hbm>> -> memref<96xi32, #tpu.memory_space<hbm>>
      %dma_wait3A_320 = tpu.memref_slice %arg10[%add3A_318] : memref<161280xi32, #tpu.memory_space<hbm>> -> memref<96xi32, #tpu.memory_space<hbm>>
      tpu.wait_dma2 semaphore(%arg44 : memref<!tpu.dma_semaphore, #tpu.memory_space<semaphore_mem>>) src(%dma_wait3A_320 : memref<96xi32, #tpu.memory_space<hbm>>) dst(%arg26 : memref<96xi32, #tpu.memory_space<vmem>>)
      %mul3A_321 = arith.constant 96 : i32
      %mul3A_322 = arith.muli %add3A_313, %mul3A_321 : i32
      %dma_wait3A_323 = tpu.memref_slice %arg24[%mul3A_322] : memref<10080xi32, #tpu.memory_space<vmem>> -> memref<96xi32, #tpu.memory_space<vmem>>
      %dma_wait3A_324 = arith.constant 0 : i32
      %dma_wait3A_325 = arith.constant 0 : i32
      %dma_wait3A_326 = tpu.memref_slice %arg3[%dma_wait3A_324, %dma_wait3A_325] : memref<20000x128xf32, #tpu.memory_space<hbm>> -> memref<20000x128xf32, #tpu.memory_space<hbm>>
      tpu.wait_indirect_dma semaphore(%arg35 : memref<!tpu.dma_semaphore, #tpu.memory_space<semaphore_mem>>) src(%dma_wait3A_326 : memref<20000x128xf32, #tpu.memory_space<hbm>>) dst(%arg29 : memref<96x128xf32, #tpu.memory_space<vmem>>)
      %dma_start3A_327 = arith.constant 0 : i32
      %dma_start3A_328 = arith.constant 0 : i32
      %dma_start3A_329 = tpu.memref_slice %arg32[%dma_start3A_327, %dma_start3A_328] : memref<10240x128xf32, #tpu.memory_space<vmem_shared>> -> memref<10240x128xf32, #tpu.memory_space<vmem_shared>>
      tpu.enqueue_indirect_dma source(%arg29 : memref<96x128xf32, #tpu.memory_space<vmem>>) target(%dma_start3A_329 : memref<10240x128xf32, #tpu.memory_space<vmem_shared>>) offsets(%arg26 : memref<96xi32, #tpu.memory_space<vmem>>) semaphore(%arg38 : memref<!tpu.dma_semaphore, #tpu.memory_space<semaphore_mem>>) {add = true}
      %eq3A_330 = arith.constant 0 : i32
      %eq3A_331 = arith.cmpi eq, %arg0, %eq3A_330 : i32
      %convert_element_type3A_332 = arith.extui %eq3A_331 : i1 to i32
      %cond3A_333 = arith.constant 0 : i32
      %cond3A_334 = arith.cmpi ne, %convert_element_type3A_332, %cond3A_333 : i32
      scf.if %cond3A_334 {
        %dma_start3A_373 = arith.constant 0 : i32
        %dma_start3A_374 = tpu.memref_slice %arg33[%dma_start3A_373] : memref<10240xf32, #tpu.memory_space<vmem_shared>> -> memref<10240xf32, #tpu.memory_space<vmem_shared>>
        tpu.enqueue_indirect_dma source(%arg31 : memref<96xf32, #tpu.memory_space<vmem>>) target(%dma_start3A_374 : memref<10240xf32, #tpu.memory_space<vmem_shared>>) offsets(%arg26 : memref<96xi32, #tpu.memory_space<vmem>>) semaphore(%arg41 : memref<!tpu.dma_semaphore, #tpu.memory_space<semaphore_mem>>) {add = true}
      } else {
      }
      %dma_wait3A_335 = arith.constant 0 : i32
      %dma_wait3A_336 = arith.constant 0 : i32
      %dma_wait3A_337 = tpu.memref_slice %arg32[%dma_wait3A_335, %dma_wait3A_336] : memref<10240x128xf32, #tpu.memory_space<vmem_shared>> -> memref<10240x128xf32, #tpu.memory_space<vmem_shared>>
      tpu.wait_indirect_dma semaphore(%arg37 : memref<!tpu.dma_semaphore, #tpu.memory_space<semaphore_mem>>) src(%arg28 : memref<96x128xf32, #tpu.memory_space<vmem>>) dst(%dma_wait3A_337 : memref<10240x128xf32, #tpu.memory_space<vmem_shared>>)
      %eq3A_338 = arith.constant 0 : i32
      %eq3A_339 = arith.cmpi eq, %arg0, %eq3A_338 : i32
      %convert_element_type3A_340 = arith.extui %eq3A_339 : i1 to i32
      %cond3A_341 = arith.constant 0 : i32
      %cond3A_342 = arith.cmpi ne, %convert_element_type3A_340, %cond3A_341 : i32
      scf.if %cond3A_342 {
        %dma_wait3A_373 = arith.constant 0 : i32
        %dma_wait3A_374 = tpu.memref_slice %arg33[%dma_wait3A_373] : memref<10240xf32, #tpu.memory_space<vmem_shared>> -> memref<10240xf32, #tpu.memory_space<vmem_shared>>
        tpu.wait_indirect_dma semaphore(%arg40 : memref<!tpu.dma_semaphore, #tpu.memory_space<semaphore_mem>>) src(%arg31 : memref<96xf32, #tpu.memory_space<vmem>>) dst(%dma_wait3A_374 : memref<10240xf32, #tpu.memory_space<vmem_shared>>)
      } else {
      }
      %add3A_343 = arith.constant 3 : i32
      %add3A_344 = arith.addi %mul3A_240, %add3A_343 : i32
      %lt3A_345 = arith.constant 105 : i32
      %lt3A_346 = arith.cmpi slt, %add3A_344, %lt3A_345 : i32
      %convert_element_type3A_347 = arith.extui %lt3A_346 : i1 to i32
      %cond3A_348 = arith.constant 0 : i32
      %cond3A_349 = arith.cmpi ne, %convert_element_type3A_347, %cond3A_348 : i32
      scf.if %cond3A_349 {
        %add3A_373 = arith.constant 3 : i32
        %add3A_374 = arith.addi %mul3A_240, %add3A_373 : i32
        %mul3A_375 = arith.constant 96 : i32
        %mul3A_376 = arith.muli %add3A_374, %mul3A_375 : i32
        %dma_start3A_377 = tpu.memref_slice %arg24[%mul3A_376] : memref<10080xi32, #tpu.memory_space<vmem>> -> memref<96xi32, #tpu.memory_space<vmem>>
        %dma_start3A_378 = arith.constant 0 : i32
        %dma_start3A_379 = arith.constant 0 : i32
        %dma_start3A_380 = tpu.memref_slice %arg3[%dma_start3A_378, %dma_start3A_379] : memref<20000x128xf32, #tpu.memory_space<hbm>> -> memref<20000x128xf32, #tpu.memory_space<hbm>>
        tpu.enqueue_indirect_dma source(%dma_start3A_380 : memref<20000x128xf32, #tpu.memory_space<hbm>>) target(%arg28 : memref<96x128xf32, #tpu.memory_space<vmem>>) offsets(%dma_start3A_377 : memref<96xi32, #tpu.memory_space<vmem>>) semaphore(%arg34 : memref<!tpu.dma_semaphore, #tpu.memory_space<semaphore_mem>>)
        %mul3A_381 = arith.constant 10080 : i32
        %mul3A_382 = arith.muli %arg1, %mul3A_381 : i32
        %mul3A_383 = arith.constant 96 : i32
        %mul3A_384 = arith.muli %add3A_374, %mul3A_383 : i32
        %add3A_385 = arith.addi %mul3A_382, %mul3A_384 : i32
        %dma_start3A_386 = tpu.memref_slice %arg10[%add3A_385] : memref<161280xi32, #tpu.memory_space<hbm>> -> memref<96xi32, #tpu.memory_space<hbm>>
        %dma_start3A_387 = tpu.memref_slice %arg10[%add3A_385] : memref<161280xi32, #tpu.memory_space<hbm>> -> memref<96xi32, #tpu.memory_space<hbm>>
        tpu.enqueue_dma source(%dma_start3A_387 : memref<96xi32, #tpu.memory_space<hbm>>) target(%arg25 : memref<96xi32, #tpu.memory_space<vmem>>) target_semaphore(%arg43 : memref<!tpu.dma_semaphore, #tpu.memory_space<semaphore_mem>>)
      } else {
      }
      %add3A_350 = arith.constant 2 : i32
      %add3A_351 = arith.addi %mul3A_240, %add3A_350 : i32
      %mul3A_352 = arith.constant 10080 : i32
      %mul3A_353 = arith.muli %arg1, %mul3A_352 : i32
      %mul3A_354 = arith.constant 96 : i32
      %mul3A_355 = arith.muli %add3A_351, %mul3A_354 : i32
      %add3A_356 = arith.addi %mul3A_353, %mul3A_355 : i32
      %dma_wait3A_357 = tpu.memref_slice %arg10[%add3A_356] : memref<161280xi32, #tpu.memory_space<hbm>> -> memref<96xi32, #tpu.memory_space<hbm>>
      %dma_wait3A_358 = tpu.memref_slice %arg10[%add3A_356] : memref<161280xi32, #tpu.memory_space<hbm>> -> memref<96xi32, #tpu.memory_space<hbm>>
      tpu.wait_dma2 semaphore(%arg45 : memref<!tpu.dma_semaphore, #tpu.memory_space<semaphore_mem>>) src(%dma_wait3A_358 : memref<96xi32, #tpu.memory_space<hbm>>) dst(%arg27 : memref<96xi32, #tpu.memory_space<vmem>>)
      %mul3A_359 = arith.constant 96 : i32
      %mul3A_360 = arith.muli %add3A_351, %mul3A_359 : i32
      %dma_wait3A_361 = tpu.memref_slice %arg24[%mul3A_360] : memref<10080xi32, #tpu.memory_space<vmem>> -> memref<96xi32, #tpu.memory_space<vmem>>
      %dma_wait3A_362 = arith.constant 0 : i32
      %dma_wait3A_363 = arith.constant 0 : i32
      %dma_wait3A_364 = tpu.memref_slice %arg3[%dma_wait3A_362, %dma_wait3A_363] : memref<20000x128xf32, #tpu.memory_space<hbm>> -> memref<20000x128xf32, #tpu.memory_space<hbm>>
      tpu.wait_indirect_dma semaphore(%arg36 : memref<!tpu.dma_semaphore, #tpu.memory_space<semaphore_mem>>) src(%dma_wait3A_364 : memref<20000x128xf32, #tpu.memory_space<hbm>>) dst(%arg30 : memref<96x128xf32, #tpu.memory_space<vmem>>)
      %dma_start3A_365 = arith.constant 0 : i32
      %dma_start3A_366 = arith.constant 0 : i32
      %dma_start3A_367 = tpu.memref_slice %arg32[%dma_start3A_365, %dma_start3A_366] : memref<10240x128xf32, #tpu.memory_space<vmem_shared>> -> memref<10240x128xf32, #tpu.memory_space<vmem_shared>>
      tpu.enqueue_indirect_dma source(%arg30 : memref<96x128xf32, #tpu.memory_space<vmem>>) target(%dma_start3A_367 : memref<10240x128xf32, #tpu.memory_space<vmem_shared>>) offsets(%arg27 : memref<96xi32, #tpu.memory_space<vmem>>) semaphore(%arg39 : memref<!tpu.dma_semaphore, #tpu.memory_space<semaphore_mem>>) {add = true}
      %eq3A_368 = arith.constant 0 : i32
      %eq3A_369 = arith.cmpi eq, %arg0, %eq3A_368 : i32
      %convert_element_type3A_370 = arith.extui %eq3A_369 : i1 to i32
      %cond3A_371 = arith.constant 0 : i32
      %cond3A_372 = arith.cmpi ne, %convert_element_type3A_370, %cond3A_371 : i32
      scf.if %cond3A_372 {
        %dma_start3A_373 = arith.constant 0 : i32
        %dma_start3A_374 = tpu.memref_slice %arg33[%dma_start3A_373] : memref<10240xf32, #tpu.memory_space<vmem_shared>> -> memref<10240xf32, #tpu.memory_space<vmem_shared>>
        tpu.enqueue_indirect_dma source(%arg31 : memref<96xf32, #tpu.memory_space<vmem>>) target(%dma_start3A_374 : memref<10240xf32, #tpu.memory_space<vmem_shared>>) offsets(%arg27 : memref<96xi32, #tpu.memory_space<vmem>>) semaphore(%arg42 : memref<!tpu.dma_semaphore, #tpu.memory_space<semaphore_mem>>) {add = true}
      } else {
      }
    }
    %scan3A_81 = arith.constant 35 : i32
    %dma_wait3A_82 = arith.constant 0 : i32
    %dma_wait3A_83 = arith.constant 0 : i32
    %dma_wait3A_84 = tpu.memref_slice %arg32[%dma_wait3A_82, %dma_wait3A_83] : memref<10240x128xf32, #tpu.memory_space<vmem_shared>> -> memref<10240x128xf32, #tpu.memory_space<vmem_shared>>
    tpu.wait_indirect_dma semaphore(%arg38 : memref<!tpu.dma_semaphore, #tpu.memory_space<semaphore_mem>>) src(%arg29 : memref<96x128xf32, #tpu.memory_space<vmem>>) dst(%dma_wait3A_84 : memref<10240x128xf32, #tpu.memory_space<vmem_shared>>)
    %eq3A_85 = arith.constant 0 : i32
    %eq3A_86 = arith.cmpi eq, %arg0, %eq3A_85 : i32
    %convert_element_type3A_87 = arith.extui %eq3A_86 : i1 to i32
    %cond3A_88 = arith.constant 0 : i32
    %cond3A_89 = arith.cmpi ne, %convert_element_type3A_87, %cond3A_88 : i32
    scf.if %cond3A_89 {
      %dma_wait3A_238 = arith.constant 0 : i32
      %dma_wait3A_239 = tpu.memref_slice %arg33[%dma_wait3A_238] : memref<10240xf32, #tpu.memory_space<vmem_shared>> -> memref<10240xf32, #tpu.memory_space<vmem_shared>>
      tpu.wait_indirect_dma semaphore(%arg41 : memref<!tpu.dma_semaphore, #tpu.memory_space<semaphore_mem>>) src(%arg31 : memref<96xf32, #tpu.memory_space<vmem>>) dst(%dma_wait3A_239 : memref<10240xf32, #tpu.memory_space<vmem_shared>>)
    } else {
    }
    %dma_wait3A_90 = arith.constant 0 : i32
    %dma_wait3A_91 = arith.constant 0 : i32
    %dma_wait3A_92 = tpu.memref_slice %arg32[%dma_wait3A_90, %dma_wait3A_91] : memref<10240x128xf32, #tpu.memory_space<vmem_shared>> -> memref<10240x128xf32, #tpu.memory_space<vmem_shared>>
    tpu.wait_indirect_dma semaphore(%arg39 : memref<!tpu.dma_semaphore, #tpu.memory_space<semaphore_mem>>) src(%arg30 : memref<96x128xf32, #tpu.memory_space<vmem>>) dst(%dma_wait3A_92 : memref<10240x128xf32, #tpu.memory_space<vmem_shared>>)
    %eq3A_93 = arith.constant 0 : i32
    %eq3A_94 = arith.cmpi eq, %arg0, %eq3A_93 : i32
    %convert_element_type3A_95 = arith.extui %eq3A_94 : i1 to i32
    %cond3A_96 = arith.constant 0 : i32
    %cond3A_97 = arith.cmpi ne, %convert_element_type3A_95, %cond3A_96 : i32
    scf.if %cond3A_97 {
      %dma_wait3A_238 = arith.constant 0 : i32
      %dma_wait3A_239 = tpu.memref_slice %arg33[%dma_wait3A_238] : memref<10240xf32, #tpu.memory_space<vmem_shared>> -> memref<10240xf32, #tpu.memory_space<vmem_shared>>
      tpu.wait_indirect_dma semaphore(%arg42 : memref<!tpu.dma_semaphore, #tpu.memory_space<semaphore_mem>>) src(%arg31 : memref<96xf32, #tpu.memory_space<vmem>>) dst(%dma_wait3A_239 : memref<10240xf32, #tpu.memory_space<vmem_shared>>)
    } else {
    }
    %barrier3A_98 = arith.constant 0 : index
    tpu.barrier barrier_id(%barrier3A_98)
    %lt3A_99 = arith.constant 15 : i32
    %lt3A_100 = arith.cmpi slt, %arg1, %lt3A_99 : i32
    %convert_element_type3A_101 = arith.extui %lt3A_100 : i1 to i32
    %cond3A_102 = arith.constant 0 : i32
    %cond3A_103 = arith.cmpi ne, %convert_element_type3A_101, %cond3A_102 : i32
    scf.if %cond3A_103 {
      %mul3A_238 = arith.constant 640 : i32
      %mul3A_239 = arith.muli %arg1, %mul3A_238 : i32
      %mul3A_240 = arith.constant 10000 : i32
      %mul3A_241 = arith.muli %arg0, %mul3A_240 : i32
      %mul3A_242 = arith.constant 640 : i32
      %mul3A_243 = arith.muli %arg1, %mul3A_242 : i32
      %add3A_244 = arith.addi %mul3A_241, %mul3A_243 : i32
      "tpu.region"() ({
        %run_scoped3A = tpu.sem_alloc : memref<!tpu.dma_semaphore, #tpu.memory_space<semaphore_mem>>
        %dma_start3A_245 = arith.constant 0 : i32
        %dma_start3A_246 = tpu.memref_slice %arg17[%add3A_244, %dma_start3A_245] : memref<20000x128xf32, #tpu.memory_space<hbm>> -> memref<640x128xf32, #tpu.memory_space<hbm>>
        %dma_start3A_247 = arith.constant 0 : i32
        %dma_start3A_248 = tpu.memref_slice %arg32[%mul3A_239, %dma_start3A_247] : memref<10240x128xf32, #tpu.memory_space<vmem_shared>> -> memref<640x128xf32, #tpu.memory_space<vmem_shared>>
        tpu.enqueue_dma source(%dma_start3A_248 : memref<640x128xf32, #tpu.memory_space<vmem_shared>>) target(%dma_start3A_246 : memref<640x128xf32, #tpu.memory_space<hbm>>) target_semaphore(%run_scoped3A : memref<!tpu.dma_semaphore, #tpu.memory_space<semaphore_mem>>)
        %dma_wait3A_249 = arith.constant 0 : i32
        %dma_wait3A_250 = tpu.memref_slice %arg17[%add3A_244, %dma_wait3A_249] : memref<20000x128xf32, #tpu.memory_space<hbm>> -> memref<640x128xf32, #tpu.memory_space<hbm>>
        %dma_wait3A_251 = arith.constant 0 : i32
        %dma_wait3A_252 = tpu.memref_slice %arg32[%mul3A_239, %dma_wait3A_251] : memref<10240x128xf32, #tpu.memory_space<vmem_shared>> -> memref<640x128xf32, #tpu.memory_space<vmem_shared>>
        tpu.wait_dma2 semaphore(%run_scoped3A : memref<!tpu.dma_semaphore, #tpu.memory_space<semaphore_mem>>) src(%dma_wait3A_252 : memref<640x128xf32, #tpu.memory_space<vmem_shared>>) dst(%dma_wait3A_250 : memref<640x128xf32, #tpu.memory_space<hbm>>)
        tpu.yield
      }) : () -> ()
    } else {
    }
    %eq3A_104 = arith.constant 15 : i32
    %eq3A_105 = arith.cmpi eq, %arg1, %eq3A_104 : i32
    %convert_element_type3A_106 = arith.extui %eq3A_105 : i1 to i32
    %cond3A_107 = arith.constant 0 : i32
    %cond3A_108 = arith.cmpi ne, %convert_element_type3A_106, %cond3A_107 : i32
    scf.if %cond3A_108 {
      %mul3A_238 = arith.constant 10000 : i32
      %mul3A_239 = arith.muli %arg0, %mul3A_238 : i32
      %add3A_240 = arith.constant 9600 : i32
      %add3A_241 = arith.addi %mul3A_239, %add3A_240 : i32
      "tpu.region"() ({
        %run_scoped3A = tpu.sem_alloc : memref<!tpu.dma_semaphore, #tpu.memory_space<semaphore_mem>>
        %dma_start3A_242 = arith.constant 0 : i32
        %dma_start3A_243 = tpu.memref_slice %arg17[%add3A_241, %dma_start3A_242] : memref<20000x128xf32, #tpu.memory_space<hbm>> -> memref<400x128xf32, #tpu.memory_space<hbm>>
        %dma_start3A_244 = arith.constant 9600 : i32
        %dma_start3A_245 = arith.constant 0 : i32
        %dma_start3A_246 = tpu.memref_slice %arg32[%dma_start3A_244, %dma_start3A_245] : memref<10240x128xf32, #tpu.memory_space<vmem_shared>> -> memref<400x128xf32, #tpu.memory_space<vmem_shared>>
        tpu.enqueue_dma source(%dma_start3A_246 : memref<400x128xf32, #tpu.memory_space<vmem_shared>>) target(%dma_start3A_243 : memref<400x128xf32, #tpu.memory_space<hbm>>) target_semaphore(%run_scoped3A : memref<!tpu.dma_semaphore, #tpu.memory_space<semaphore_mem>>)
        %dma_wait3A_247 = arith.constant 0 : i32
        %dma_wait3A_248 = tpu.memref_slice %arg17[%add3A_241, %dma_wait3A_247] : memref<20000x128xf32, #tpu.memory_space<hbm>> -> memref<400x128xf32, #tpu.memory_space<hbm>>
        %dma_wait3A_249 = arith.constant 9600 : i32
        %dma_wait3A_250 = arith.constant 0 : i32
        %dma_wait3A_251 = tpu.memref_slice %arg32[%dma_wait3A_249, %dma_wait3A_250] : memref<10240x128xf32, #tpu.memory_space<vmem_shared>> -> memref<400x128xf32, #tpu.memory_space<vmem_shared>>
        tpu.wait_dma2 semaphore(%run_scoped3A : memref<!tpu.dma_semaphore, #tpu.memory_space<semaphore_mem>>) src(%dma_wait3A_251 : memref<400x128xf32, #tpu.memory_space<vmem_shared>>) dst(%dma_wait3A_248 : memref<400x128xf32, #tpu.memory_space<hbm>>)
        tpu.yield
      }) : () -> ()
    } else {
    }
    %eq3A_109 = arith.constant 0 : i32
    %eq3A_110 = arith.cmpi eq, %arg0, %eq3A_109 : i32
    %convert_element_type3A_111 = arith.extui %eq3A_110 : i1 to i32
    %cond3A_112 = arith.constant 0 : i32
    %cond3A_113 = arith.cmpi ne, %convert_element_type3A_111, %cond3A_112 : i32
    scf.if %cond3A_113 {
      %mul3A_238 = arith.constant 640 : i32
      %mul3A_239 = arith.muli %arg1, %mul3A_238 : i32
      %mul3A_240 = arith.constant 640 : i32
      %mul3A_241 = arith.muli %arg1, %mul3A_240 : i32
      "tpu.region"() ({
        %run_scoped3A = tpu.sem_alloc : memref<!tpu.dma_semaphore, #tpu.memory_space<semaphore_mem>>
        %dma_start3A_242 = tpu.memref_slice %arg21[%mul3A_241] : memref<10240xf32, #tpu.memory_space<hbm>> -> memref<640xf32, #tpu.memory_space<hbm>>
        %dma_start3A_243 = tpu.memref_slice %arg33[%mul3A_239] : memref<10240xf32, #tpu.memory_space<vmem_shared>> -> memref<640xf32, #tpu.memory_space<vmem_shared>>
        tpu.enqueue_dma source(%dma_start3A_243 : memref<640xf32, #tpu.memory_space<vmem_shared>>) target(%dma_start3A_242 : memref<640xf32, #tpu.memory_space<hbm>>) target_semaphore(%run_scoped3A : memref<!tpu.dma_semaphore, #tpu.memory_space<semaphore_mem>>)
        %dma_wait3A_244 = tpu.memref_slice %arg21[%mul3A_241] : memref<10240xf32, #tpu.memory_space<hbm>> -> memref<640xf32, #tpu.memory_space<hbm>>
        %dma_wait3A_245 = tpu.memref_slice %arg33[%mul3A_239] : memref<10240xf32, #tpu.memory_space<vmem_shared>> -> memref<640xf32, #tpu.memory_space<vmem_shared>>
        tpu.wait_dma2 semaphore(%run_scoped3A : memref<!tpu.dma_semaphore, #tpu.memory_space<semaphore_mem>>) src(%dma_wait3A_245 : memref<640xf32, #tpu.memory_space<vmem_shared>>) dst(%dma_wait3A_244 : memref<640xf32, #tpu.memory_space<hbm>>)
        tpu.yield
      }) : () -> ()
    } else {
    }
    %mul3A_114 = arith.constant 161280 : i32
    %mul3A_115 = arith.muli %arg0, %mul3A_114 : i32
    %mul3A_116 = arith.constant 10080 : i32
    %mul3A_117 = arith.muli %arg1, %mul3A_116 : i32
    %add3A_118 = arith.addi %mul3A_115, %mul3A_117 : i32
    "tpu.region"() ({
      %run_scoped3A = tpu.sem_alloc : memref<!tpu.dma_semaphore, #tpu.memory_space<semaphore_mem>>
      %dma_start3A_238 = tpu.memref_slice %arg7[%add3A_118] : memref<322560xi32, #tpu.memory_space<hbm>> -> memref<10080xi32, #tpu.memory_space<hbm>>
      %dma_start3A_239 = tpu.memref_slice %arg7[%add3A_118] : memref<322560xi32, #tpu.memory_space<hbm>> -> memref<10080xi32, #tpu.memory_space<hbm>>
      tpu.enqueue_dma source(%dma_start3A_239 : memref<10080xi32, #tpu.memory_space<hbm>>) target(%arg24 : memref<10080xi32, #tpu.memory_space<vmem>>) target_semaphore(%run_scoped3A : memref<!tpu.dma_semaphore, #tpu.memory_space<semaphore_mem>>)
      %dma_wait3A_240 = tpu.memref_slice %arg7[%add3A_118] : memref<322560xi32, #tpu.memory_space<hbm>> -> memref<10080xi32, #tpu.memory_space<hbm>>
      %dma_wait3A_241 = tpu.memref_slice %arg7[%add3A_118] : memref<322560xi32, #tpu.memory_space<hbm>> -> memref<10080xi32, #tpu.memory_space<hbm>>
      tpu.wait_dma2 semaphore(%run_scoped3A : memref<!tpu.dma_semaphore, #tpu.memory_space<semaphore_mem>>) src(%dma_wait3A_241 : memref<10080xi32, #tpu.memory_space<hbm>>) dst(%arg24 : memref<10080xi32, #tpu.memory_space<vmem>>)
      tpu.yield
    }) : () -> ()
    %dma_start3A_119 = arith.constant 0 : i32
    %dma_start3A_120 = tpu.memref_slice %arg24[%dma_start3A_119] : memref<10080xi32, #tpu.memory_space<vmem>> -> memref<96xi32, #tpu.memory_space<vmem>>
    %dma_start3A_121 = arith.constant 0 : i32
    %dma_start3A_122 = arith.constant 0 : i32
    %dma_start3A_123 = tpu.memref_slice %arg2[%dma_start3A_121, %dma_start3A_122] : memref<20000x128xf32, #tpu.memory_space<hbm>> -> memref<20000x128xf32, #tpu.memory_space<hbm>>
    tpu.enqueue_indirect_dma source(%dma_start3A_123 : memref<20000x128xf32, #tpu.memory_space<hbm>>) target(%arg28 : memref<96x128xf32, #tpu.memory_space<vmem>>) offsets(%dma_start3A_120 : memref<96xi32, #tpu.memory_space<vmem>>) semaphore(%arg34 : memref<!tpu.dma_semaphore, #tpu.memory_space<semaphore_mem>>)
    %mul3A_124 = arith.constant 10080 : i32
    %mul3A_125 = arith.muli %arg1, %mul3A_124 : i32
    %add3A_126 = arith.constant 0 : i32
    %add3A_127 = arith.addi %mul3A_125, %add3A_126 : i32
    %dma_start3A_128 = tpu.memref_slice %arg11[%add3A_127] : memref<161280xi32, #tpu.memory_space<hbm>> -> memref<96xi32, #tpu.memory_space<hbm>>
    %dma_start3A_129 = tpu.memref_slice %arg11[%add3A_127] : memref<161280xi32, #tpu.memory_space<hbm>> -> memref<96xi32, #tpu.memory_space<hbm>>
    tpu.enqueue_dma source(%dma_start3A_129 : memref<96xi32, #tpu.memory_space<hbm>>) target(%arg25 : memref<96xi32, #tpu.memory_space<vmem>>) target_semaphore(%arg43 : memref<!tpu.dma_semaphore, #tpu.memory_space<semaphore_mem>>)
    %mul3A_130 = arith.constant 640 : i32
    %mul3A_131 = arith.muli %arg1, %mul3A_130 : i32
    "tpu.region"() ({
      %run_scoped3A = tpu.sem_alloc : memref<!tpu.dma_semaphore, #tpu.memory_space<semaphore_mem>>
      %dma_start3A_238 = arith.constant 0 : i32
      %dma_start3A_239 = tpu.memref_slice %arg32[%mul3A_131, %dma_start3A_238] : memref<10240x128xf32, #tpu.memory_space<vmem_shared>> -> memref<640x128xf32, #tpu.memory_space<vmem_shared>>
      tpu.enqueue_dma source(%arg13 : memref<640x128xf32, #tpu.memory_space<hbm>>) target(%dma_start3A_239 : memref<640x128xf32, #tpu.memory_space<vmem_shared>>) target_semaphore(%run_scoped3A : memref<!tpu.dma_semaphore, #tpu.memory_space<semaphore_mem>>)
      %dma_wait3A_240 = arith.constant 0 : i32
      %dma_wait3A_241 = tpu.memref_slice %arg32[%mul3A_131, %dma_wait3A_240] : memref<10240x128xf32, #tpu.memory_space<vmem_shared>> -> memref<640x128xf32, #tpu.memory_space<vmem_shared>>
      tpu.wait_dma2 semaphore(%run_scoped3A : memref<!tpu.dma_semaphore, #tpu.memory_space<semaphore_mem>>) src(%arg13 : memref<640x128xf32, #tpu.memory_space<hbm>>) dst(%dma_wait3A_241 : memref<640x128xf32, #tpu.memory_space<vmem_shared>>)
      tpu.yield
    }) : () -> ()
    %eq3A_132 = arith.constant 1 : i32
    %eq3A_133 = arith.cmpi eq, %arg0, %eq3A_132 : i32
    %convert_element_type3A_134 = arith.extui %eq3A_133 : i1 to i32
    %cond3A_135 = arith.constant 0 : i32
    %cond3A_136 = arith.cmpi ne, %convert_element_type3A_134, %cond3A_135 : i32
    scf.if %cond3A_136 {
      %mul3A_238 = arith.constant 640 : i32
      %mul3A_239 = arith.muli %arg1, %mul3A_238 : i32
      %mul3A_240 = arith.constant 640 : i32
      %mul3A_241 = arith.muli %arg1, %mul3A_240 : i32
      "tpu.region"() ({
        %run_scoped3A = tpu.sem_alloc : memref<!tpu.dma_semaphore, #tpu.memory_space<semaphore_mem>>
        %dma_start3A_242 = tpu.memref_slice %arg33[%mul3A_241] : memref<10240xf32, #tpu.memory_space<vmem_shared>> -> memref<640xf32, #tpu.memory_space<vmem_shared>>
        %dma_start3A_243 = tpu.memref_slice %arg14[%mul3A_239] : memref<10240xf32, #tpu.memory_space<hbm>> -> memref<640xf32, #tpu.memory_space<hbm>>
        tpu.enqueue_dma source(%dma_start3A_243 : memref<640xf32, #tpu.memory_space<hbm>>) target(%dma_start3A_242 : memref<640xf32, #tpu.memory_space<vmem_shared>>) target_semaphore(%run_scoped3A : memref<!tpu.dma_semaphore, #tpu.memory_space<semaphore_mem>>)
        %dma_wait3A_244 = tpu.memref_slice %arg33[%mul3A_241] : memref<10240xf32, #tpu.memory_space<vmem_shared>> -> memref<640xf32, #tpu.memory_space<vmem_shared>>
        %dma_wait3A_245 = tpu.memref_slice %arg14[%mul3A_239] : memref<10240xf32, #tpu.memory_space<hbm>> -> memref<640xf32, #tpu.memory_space<hbm>>
        tpu.wait_dma2 semaphore(%run_scoped3A : memref<!tpu.dma_semaphore, #tpu.memory_space<semaphore_mem>>) src(%dma_wait3A_245 : memref<640xf32, #tpu.memory_space<hbm>>) dst(%dma_wait3A_244 : memref<640xf32, #tpu.memory_space<vmem_shared>>)
        tpu.yield
      }) : () -> ()
    } else {
    }
    %barrier3A_137 = arith.constant 0 : index
    tpu.barrier barrier_id(%barrier3A_137)
    %scan3A_138 = arith.constant 0 : i32
    %scan3A_139 = arith.constant 0 : i32
    %scan3A_140 = arith.constant 35 : i32
    %scan3A_141 = arith.addi %scan3A_139, %scan3A_140 : i32
    %scan3A_142 = arith.constant 1 : i32
    scf.for %scan3A_238 = %scan3A_139 to %scan3A_141 step %scan3A_142  : i32 {
      %mul3A_239 = arith.constant 3 : i32
      %mul3A_240 = arith.muli %mul3A_239, %scan3A_238 : i32
      %gt3A = arith.constant 0 : i32
      %gt3A_241 = arith.cmpi sgt, %scan3A_238, %gt3A : i32
      %convert_element_type3A_242 = arith.extui %gt3A_241 : i1 to i32
      %cond3A_243 = arith.constant 0 : i32
      %cond3A_244 = arith.cmpi ne, %convert_element_type3A_242, %cond3A_243 : i32
      scf.if %cond3A_244 {
        %dma_wait3A_373 = arith.constant 0 : i32
        %dma_wait3A_374 = arith.constant 0 : i32
        %dma_wait3A_375 = tpu.memref_slice %arg32[%dma_wait3A_373, %dma_wait3A_374] : memref<10240x128xf32, #tpu.memory_space<vmem_shared>> -> memref<10240x128xf32, #tpu.memory_space<vmem_shared>>
        tpu.wait_indirect_dma semaphore(%arg38 : memref<!tpu.dma_semaphore, #tpu.memory_space<semaphore_mem>>) src(%arg29 : memref<96x128xf32, #tpu.memory_space<vmem>>) dst(%dma_wait3A_375 : memref<10240x128xf32, #tpu.memory_space<vmem_shared>>)
      } else {
      }
      %eq3A_245 = arith.constant 1 : i32
      %eq3A_246 = arith.cmpi eq, %arg0, %eq3A_245 : i32
      %and3A = arith.andi %gt3A_241, %eq3A_246 : i1
      %convert_element_type3A_247 = arith.extui %and3A : i1 to i32
      %cond3A_248 = arith.constant 0 : i32
      %cond3A_249 = arith.cmpi ne, %convert_element_type3A_247, %cond3A_248 : i32
      scf.if %cond3A_249 {
        %dma_wait3A_373 = arith.constant 0 : i32
        %dma_wait3A_374 = tpu.memref_slice %arg33[%dma_wait3A_373] : memref<10240xf32, #tpu.memory_space<vmem_shared>> -> memref<10240xf32, #tpu.memory_space<vmem_shared>>
        tpu.wait_indirect_dma semaphore(%arg41 : memref<!tpu.dma_semaphore, #tpu.memory_space<semaphore_mem>>) src(%arg31 : memref<96xf32, #tpu.memory_space<vmem>>) dst(%dma_wait3A_374 : memref<10240xf32, #tpu.memory_space<vmem_shared>>)
      } else {
      }
      %add3A_250 = arith.constant 1 : i32
      %add3A_251 = arith.addi %mul3A_240, %add3A_250 : i32
      %mul3A_252 = arith.constant 96 : i32
      %mul3A_253 = arith.muli %add3A_251, %mul3A_252 : i32
      %dma_start3A_254 = tpu.memref_slice %arg24[%mul3A_253] : memref<10080xi32, #tpu.memory_space<vmem>> -> memref<96xi32, #tpu.memory_space<vmem>>
      %dma_start3A_255 = arith.constant 0 : i32
      %dma_start3A_256 = arith.constant 0 : i32
      %dma_start3A_257 = tpu.memref_slice %arg2[%dma_start3A_255, %dma_start3A_256] : memref<20000x128xf32, #tpu.memory_space<hbm>> -> memref<20000x128xf32, #tpu.memory_space<hbm>>
      tpu.enqueue_indirect_dma source(%dma_start3A_257 : memref<20000x128xf32, #tpu.memory_space<hbm>>) target(%arg29 : memref<96x128xf32, #tpu.memory_space<vmem>>) offsets(%dma_start3A_254 : memref<96xi32, #tpu.memory_space<vmem>>) semaphore(%arg35 : memref<!tpu.dma_semaphore, #tpu.memory_space<semaphore_mem>>)
      %mul3A_258 = arith.constant 10080 : i32
      %mul3A_259 = arith.muli %arg1, %mul3A_258 : i32
      %mul3A_260 = arith.constant 96 : i32
      %mul3A_261 = arith.muli %add3A_251, %mul3A_260 : i32
      %add3A_262 = arith.addi %mul3A_259, %mul3A_261 : i32
      %dma_start3A_263 = tpu.memref_slice %arg11[%add3A_262] : memref<161280xi32, #tpu.memory_space<hbm>> -> memref<96xi32, #tpu.memory_space<hbm>>
      %dma_start3A_264 = tpu.memref_slice %arg11[%add3A_262] : memref<161280xi32, #tpu.memory_space<hbm>> -> memref<96xi32, #tpu.memory_space<hbm>>
      tpu.enqueue_dma source(%dma_start3A_264 : memref<96xi32, #tpu.memory_space<hbm>>) target(%arg26 : memref<96xi32, #tpu.memory_space<vmem>>) target_semaphore(%arg44 : memref<!tpu.dma_semaphore, #tpu.memory_space<semaphore_mem>>)
      %mul3A_265 = arith.constant 10080 : i32
      %mul3A_266 = arith.muli %arg1, %mul3A_265 : i32
      %mul3A_267 = arith.constant 96 : i32
      %mul3A_268 = arith.muli %mul3A_240, %mul3A_267 : i32
      %add3A_269 = arith.addi %mul3A_266, %mul3A_268 : i32
      %dma_wait3A_270 = tpu.memref_slice %arg11[%add3A_269] : memref<161280xi32, #tpu.memory_space<hbm>> -> memref<96xi32, #tpu.memory_space<hbm>>
      %dma_wait3A_271 = tpu.memref_slice %arg11[%add3A_269] : memref<161280xi32, #tpu.memory_space<hbm>> -> memref<96xi32, #tpu.memory_space<hbm>>
      tpu.wait_dma2 semaphore(%arg43 : memref<!tpu.dma_semaphore, #tpu.memory_space<semaphore_mem>>) src(%dma_wait3A_271 : memref<96xi32, #tpu.memory_space<hbm>>) dst(%arg25 : memref<96xi32, #tpu.memory_space<vmem>>)
      %mul3A_272 = arith.constant 96 : i32
      %mul3A_273 = arith.muli %mul3A_240, %mul3A_272 : i32
      %dma_wait3A_274 = tpu.memref_slice %arg24[%mul3A_273] : memref<10080xi32, #tpu.memory_space<vmem>> -> memref<96xi32, #tpu.memory_space<vmem>>
      %dma_wait3A_275 = arith.constant 0 : i32
      %dma_wait3A_276 = arith.constant 0 : i32
      %dma_wait3A_277 = tpu.memref_slice %arg2[%dma_wait3A_275, %dma_wait3A_276] : memref<20000x128xf32, #tpu.memory_space<hbm>> -> memref<20000x128xf32, #tpu.memory_space<hbm>>
      tpu.wait_indirect_dma semaphore(%arg34 : memref<!tpu.dma_semaphore, #tpu.memory_space<semaphore_mem>>) src(%dma_wait3A_277 : memref<20000x128xf32, #tpu.memory_space<hbm>>) dst(%arg28 : memref<96x128xf32, #tpu.memory_space<vmem>>)
      %dma_start3A_278 = arith.constant 0 : i32
      %dma_start3A_279 = arith.constant 0 : i32
      %dma_start3A_280 = tpu.memref_slice %arg32[%dma_start3A_278, %dma_start3A_279] : memref<10240x128xf32, #tpu.memory_space<vmem_shared>> -> memref<10240x128xf32, #tpu.memory_space<vmem_shared>>
      tpu.enqueue_indirect_dma source(%arg28 : memref<96x128xf32, #tpu.memory_space<vmem>>) target(%dma_start3A_280 : memref<10240x128xf32, #tpu.memory_space<vmem_shared>>) offsets(%arg25 : memref<96xi32, #tpu.memory_space<vmem>>) semaphore(%arg37 : memref<!tpu.dma_semaphore, #tpu.memory_space<semaphore_mem>>) {add = true}
      %eq3A_281 = arith.constant 1 : i32
      %eq3A_282 = arith.cmpi eq, %arg0, %eq3A_281 : i32
      %convert_element_type3A_283 = arith.extui %eq3A_282 : i1 to i32
      %cond3A_284 = arith.constant 0 : i32
      %cond3A_285 = arith.cmpi ne, %convert_element_type3A_283, %cond3A_284 : i32
      scf.if %cond3A_285 {
        %dma_start3A_373 = arith.constant 0 : i32
        %dma_start3A_374 = tpu.memref_slice %arg33[%dma_start3A_373] : memref<10240xf32, #tpu.memory_space<vmem_shared>> -> memref<10240xf32, #tpu.memory_space<vmem_shared>>
        tpu.enqueue_indirect_dma source(%arg31 : memref<96xf32, #tpu.memory_space<vmem>>) target(%dma_start3A_374 : memref<10240xf32, #tpu.memory_space<vmem_shared>>) offsets(%arg25 : memref<96xi32, #tpu.memory_space<vmem>>) semaphore(%arg40 : memref<!tpu.dma_semaphore, #tpu.memory_space<semaphore_mem>>) {add = true}
      } else {
      }
      %gt3A_286 = arith.constant 0 : i32
      %gt3A_287 = arith.cmpi sgt, %scan3A_238, %gt3A_286 : i32
      %convert_element_type3A_288 = arith.extui %gt3A_287 : i1 to i32
      %cond3A_289 = arith.constant 0 : i32
      %cond3A_290 = arith.cmpi ne, %convert_element_type3A_288, %cond3A_289 : i32
      scf.if %cond3A_290 {
        %dma_wait3A_373 = arith.constant 0 : i32
        %dma_wait3A_374 = arith.constant 0 : i32
        %dma_wait3A_375 = tpu.memref_slice %arg32[%dma_wait3A_373, %dma_wait3A_374] : memref<10240x128xf32, #tpu.memory_space<vmem_shared>> -> memref<10240x128xf32, #tpu.memory_space<vmem_shared>>
        tpu.wait_indirect_dma semaphore(%arg39 : memref<!tpu.dma_semaphore, #tpu.memory_space<semaphore_mem>>) src(%arg30 : memref<96x128xf32, #tpu.memory_space<vmem>>) dst(%dma_wait3A_375 : memref<10240x128xf32, #tpu.memory_space<vmem_shared>>)
      } else {
      }
      %eq3A_291 = arith.constant 1 : i32
      %eq3A_292 = arith.cmpi eq, %arg0, %eq3A_291 : i32
      %and3A_293 = arith.andi %gt3A_287, %eq3A_292 : i1
      %convert_element_type3A_294 = arith.extui %and3A_293 : i1 to i32
      %cond3A_295 = arith.constant 0 : i32
      %cond3A_296 = arith.cmpi ne, %convert_element_type3A_294, %cond3A_295 : i32
      scf.if %cond3A_296 {
        %dma_wait3A_373 = arith.constant 0 : i32
        %dma_wait3A_374 = tpu.memref_slice %arg33[%dma_wait3A_373] : memref<10240xf32, #tpu.memory_space<vmem_shared>> -> memref<10240xf32, #tpu.memory_space<vmem_shared>>
        tpu.wait_indirect_dma semaphore(%arg42 : memref<!tpu.dma_semaphore, #tpu.memory_space<semaphore_mem>>) src(%arg31 : memref<96xf32, #tpu.memory_space<vmem>>) dst(%dma_wait3A_374 : memref<10240xf32, #tpu.memory_space<vmem_shared>>)
      } else {
      }
      %add3A_297 = arith.constant 2 : i32
      %add3A_298 = arith.addi %mul3A_240, %add3A_297 : i32
      %mul3A_299 = arith.constant 96 : i32
      %mul3A_300 = arith.muli %add3A_298, %mul3A_299 : i32
      %dma_start3A_301 = tpu.memref_slice %arg24[%mul3A_300] : memref<10080xi32, #tpu.memory_space<vmem>> -> memref<96xi32, #tpu.memory_space<vmem>>
      %dma_start3A_302 = arith.constant 0 : i32
      %dma_start3A_303 = arith.constant 0 : i32
      %dma_start3A_304 = tpu.memref_slice %arg2[%dma_start3A_302, %dma_start3A_303] : memref<20000x128xf32, #tpu.memory_space<hbm>> -> memref<20000x128xf32, #tpu.memory_space<hbm>>
      tpu.enqueue_indirect_dma source(%dma_start3A_304 : memref<20000x128xf32, #tpu.memory_space<hbm>>) target(%arg30 : memref<96x128xf32, #tpu.memory_space<vmem>>) offsets(%dma_start3A_301 : memref<96xi32, #tpu.memory_space<vmem>>) semaphore(%arg36 : memref<!tpu.dma_semaphore, #tpu.memory_space<semaphore_mem>>)
      %mul3A_305 = arith.constant 10080 : i32
      %mul3A_306 = arith.muli %arg1, %mul3A_305 : i32
      %mul3A_307 = arith.constant 96 : i32
      %mul3A_308 = arith.muli %add3A_298, %mul3A_307 : i32
      %add3A_309 = arith.addi %mul3A_306, %mul3A_308 : i32
      %dma_start3A_310 = tpu.memref_slice %arg11[%add3A_309] : memref<161280xi32, #tpu.memory_space<hbm>> -> memref<96xi32, #tpu.memory_space<hbm>>
      %dma_start3A_311 = tpu.memref_slice %arg11[%add3A_309] : memref<161280xi32, #tpu.memory_space<hbm>> -> memref<96xi32, #tpu.memory_space<hbm>>
      tpu.enqueue_dma source(%dma_start3A_311 : memref<96xi32, #tpu.memory_space<hbm>>) target(%arg27 : memref<96xi32, #tpu.memory_space<vmem>>) target_semaphore(%arg45 : memref<!tpu.dma_semaphore, #tpu.memory_space<semaphore_mem>>)
      %add3A_312 = arith.constant 1 : i32
      %add3A_313 = arith.addi %mul3A_240, %add3A_312 : i32
      %mul3A_314 = arith.constant 10080 : i32
      %mul3A_315 = arith.muli %arg1, %mul3A_314 : i32
      %mul3A_316 = arith.constant 96 : i32
      %mul3A_317 = arith.muli %add3A_313, %mul3A_316 : i32
      %add3A_318 = arith.addi %mul3A_315, %mul3A_317 : i32
      %dma_wait3A_319 = tpu.memref_slice %arg11[%add3A_318] : memref<161280xi32, #tpu.memory_space<hbm>> -> memref<96xi32, #tpu.memory_space<hbm>>
      %dma_wait3A_320 = tpu.memref_slice %arg11[%add3A_318] : memref<161280xi32, #tpu.memory_space<hbm>> -> memref<96xi32, #tpu.memory_space<hbm>>
      tpu.wait_dma2 semaphore(%arg44 : memref<!tpu.dma_semaphore, #tpu.memory_space<semaphore_mem>>) src(%dma_wait3A_320 : memref<96xi32, #tpu.memory_space<hbm>>) dst(%arg26 : memref<96xi32, #tpu.memory_space<vmem>>)
      %mul3A_321 = arith.constant 96 : i32
      %mul3A_322 = arith.muli %add3A_313, %mul3A_321 : i32
      %dma_wait3A_323 = tpu.memref_slice %arg24[%mul3A_322] : memref<10080xi32, #tpu.memory_space<vmem>> -> memref<96xi32, #tpu.memory_space<vmem>>
      %dma_wait3A_324 = arith.constant 0 : i32
      %dma_wait3A_325 = arith.constant 0 : i32
      %dma_wait3A_326 = tpu.memref_slice %arg2[%dma_wait3A_324, %dma_wait3A_325] : memref<20000x128xf32, #tpu.memory_space<hbm>> -> memref<20000x128xf32, #tpu.memory_space<hbm>>
      tpu.wait_indirect_dma semaphore(%arg35 : memref<!tpu.dma_semaphore, #tpu.memory_space<semaphore_mem>>) src(%dma_wait3A_326 : memref<20000x128xf32, #tpu.memory_space<hbm>>) dst(%arg29 : memref<96x128xf32, #tpu.memory_space<vmem>>)
      %dma_start3A_327 = arith.constant 0 : i32
      %dma_start3A_328 = arith.constant 0 : i32
      %dma_start3A_329 = tpu.memref_slice %arg32[%dma_start3A_327, %dma_start3A_328] : memref<10240x128xf32, #tpu.memory_space<vmem_shared>> -> memref<10240x128xf32, #tpu.memory_space<vmem_shared>>
      tpu.enqueue_indirect_dma source(%arg29 : memref<96x128xf32, #tpu.memory_space<vmem>>) target(%dma_start3A_329 : memref<10240x128xf32, #tpu.memory_space<vmem_shared>>) offsets(%arg26 : memref<96xi32, #tpu.memory_space<vmem>>) semaphore(%arg38 : memref<!tpu.dma_semaphore, #tpu.memory_space<semaphore_mem>>) {add = true}
      %eq3A_330 = arith.constant 1 : i32
      %eq3A_331 = arith.cmpi eq, %arg0, %eq3A_330 : i32
      %convert_element_type3A_332 = arith.extui %eq3A_331 : i1 to i32
      %cond3A_333 = arith.constant 0 : i32
      %cond3A_334 = arith.cmpi ne, %convert_element_type3A_332, %cond3A_333 : i32
      scf.if %cond3A_334 {
        %dma_start3A_373 = arith.constant 0 : i32
        %dma_start3A_374 = tpu.memref_slice %arg33[%dma_start3A_373] : memref<10240xf32, #tpu.memory_space<vmem_shared>> -> memref<10240xf32, #tpu.memory_space<vmem_shared>>
        tpu.enqueue_indirect_dma source(%arg31 : memref<96xf32, #tpu.memory_space<vmem>>) target(%dma_start3A_374 : memref<10240xf32, #tpu.memory_space<vmem_shared>>) offsets(%arg26 : memref<96xi32, #tpu.memory_space<vmem>>) semaphore(%arg41 : memref<!tpu.dma_semaphore, #tpu.memory_space<semaphore_mem>>) {add = true}
      } else {
      }
      %dma_wait3A_335 = arith.constant 0 : i32
      %dma_wait3A_336 = arith.constant 0 : i32
      %dma_wait3A_337 = tpu.memref_slice %arg32[%dma_wait3A_335, %dma_wait3A_336] : memref<10240x128xf32, #tpu.memory_space<vmem_shared>> -> memref<10240x128xf32, #tpu.memory_space<vmem_shared>>
      tpu.wait_indirect_dma semaphore(%arg37 : memref<!tpu.dma_semaphore, #tpu.memory_space<semaphore_mem>>) src(%arg28 : memref<96x128xf32, #tpu.memory_space<vmem>>) dst(%dma_wait3A_337 : memref<10240x128xf32, #tpu.memory_space<vmem_shared>>)
      %eq3A_338 = arith.constant 1 : i32
      %eq3A_339 = arith.cmpi eq, %arg0, %eq3A_338 : i32
      %convert_element_type3A_340 = arith.extui %eq3A_339 : i1 to i32
      %cond3A_341 = arith.constant 0 : i32
      %cond3A_342 = arith.cmpi ne, %convert_element_type3A_340, %cond3A_341 : i32
      scf.if %cond3A_342 {
        %dma_wait3A_373 = arith.constant 0 : i32
        %dma_wait3A_374 = tpu.memref_slice %arg33[%dma_wait3A_373] : memref<10240xf32, #tpu.memory_space<vmem_shared>> -> memref<10240xf32, #tpu.memory_space<vmem_shared>>
        tpu.wait_indirect_dma semaphore(%arg40 : memref<!tpu.dma_semaphore, #tpu.memory_space<semaphore_mem>>) src(%arg31 : memref<96xf32, #tpu.memory_space<vmem>>) dst(%dma_wait3A_374 : memref<10240xf32, #tpu.memory_space<vmem_shared>>)
      } else {
      }
      %add3A_343 = arith.constant 3 : i32
      %add3A_344 = arith.addi %mul3A_240, %add3A_343 : i32
      %lt3A_345 = arith.constant 105 : i32
      %lt3A_346 = arith.cmpi slt, %add3A_344, %lt3A_345 : i32
      %convert_element_type3A_347 = arith.extui %lt3A_346 : i1 to i32
      %cond3A_348 = arith.constant 0 : i32
      %cond3A_349 = arith.cmpi ne, %convert_element_type3A_347, %cond3A_348 : i32
      scf.if %cond3A_349 {
        %add3A_373 = arith.constant 3 : i32
        %add3A_374 = arith.addi %mul3A_240, %add3A_373 : i32
        %mul3A_375 = arith.constant 96 : i32
        %mul3A_376 = arith.muli %add3A_374, %mul3A_375 : i32
        %dma_start3A_377 = tpu.memref_slice %arg24[%mul3A_376] : memref<10080xi32, #tpu.memory_space<vmem>> -> memref<96xi32, #tpu.memory_space<vmem>>
        %dma_start3A_378 = arith.constant 0 : i32
        %dma_start3A_379 = arith.constant 0 : i32
        %dma_start3A_380 = tpu.memref_slice %arg2[%dma_start3A_378, %dma_start3A_379] : memref<20000x128xf32, #tpu.memory_space<hbm>> -> memref<20000x128xf32, #tpu.memory_space<hbm>>
        tpu.enqueue_indirect_dma source(%dma_start3A_380 : memref<20000x128xf32, #tpu.memory_space<hbm>>) target(%arg28 : memref<96x128xf32, #tpu.memory_space<vmem>>) offsets(%dma_start3A_377 : memref<96xi32, #tpu.memory_space<vmem>>) semaphore(%arg34 : memref<!tpu.dma_semaphore, #tpu.memory_space<semaphore_mem>>)
        %mul3A_381 = arith.constant 10080 : i32
        %mul3A_382 = arith.muli %arg1, %mul3A_381 : i32
        %mul3A_383 = arith.constant 96 : i32
        %mul3A_384 = arith.muli %add3A_374, %mul3A_383 : i32
        %add3A_385 = arith.addi %mul3A_382, %mul3A_384 : i32
        %dma_start3A_386 = tpu.memref_slice %arg11[%add3A_385] : memref<161280xi32, #tpu.memory_space<hbm>> -> memref<96xi32, #tpu.memory_space<hbm>>
        %dma_start3A_387 = tpu.memref_slice %arg11[%add3A_385] : memref<161280xi32, #tpu.memory_space<hbm>> -> memref<96xi32, #tpu.memory_space<hbm>>
        tpu.enqueue_dma source(%dma_start3A_387 : memref<96xi32, #tpu.memory_space<hbm>>) target(%arg25 : memref<96xi32, #tpu.memory_space<vmem>>) target_semaphore(%arg43 : memref<!tpu.dma_semaphore, #tpu.memory_space<semaphore_mem>>)
      } else {
      }
      %add3A_350 = arith.constant 2 : i32
      %add3A_351 = arith.addi %mul3A_240, %add3A_350 : i32
      %mul3A_352 = arith.constant 10080 : i32
      %mul3A_353 = arith.muli %arg1, %mul3A_352 : i32
      %mul3A_354 = arith.constant 96 : i32
      %mul3A_355 = arith.muli %add3A_351, %mul3A_354 : i32
      %add3A_356 = arith.addi %mul3A_353, %mul3A_355 : i32
      %dma_wait3A_357 = tpu.memref_slice %arg11[%add3A_356] : memref<161280xi32, #tpu.memory_space<hbm>> -> memref<96xi32, #tpu.memory_space<hbm>>
      %dma_wait3A_358 = tpu.memref_slice %arg11[%add3A_356] : memref<161280xi32, #tpu.memory_space<hbm>> -> memref<96xi32, #tpu.memory_space<hbm>>
      tpu.wait_dma2 semaphore(%arg45 : memref<!tpu.dma_semaphore, #tpu.memory_space<semaphore_mem>>) src(%dma_wait3A_358 : memref<96xi32, #tpu.memory_space<hbm>>) dst(%arg27 : memref<96xi32, #tpu.memory_space<vmem>>)
      %mul3A_359 = arith.constant 96 : i32
      %mul3A_360 = arith.muli %add3A_351, %mul3A_359 : i32
      %dma_wait3A_361 = tpu.memref_slice %arg24[%mul3A_360] : memref<10080xi32, #tpu.memory_space<vmem>> -> memref<96xi32, #tpu.memory_space<vmem>>
      %dma_wait3A_362 = arith.constant 0 : i32
      %dma_wait3A_363 = arith.constant 0 : i32
      %dma_wait3A_364 = tpu.memref_slice %arg2[%dma_wait3A_362, %dma_wait3A_363] : memref<20000x128xf32, #tpu.memory_space<hbm>> -> memref<20000x128xf32, #tpu.memory_space<hbm>>
      tpu.wait_indirect_dma semaphore(%arg36 : memref<!tpu.dma_semaphore, #tpu.memory_space<semaphore_mem>>) src(%dma_wait3A_364 : memref<20000x128xf32, #tpu.memory_space<hbm>>) dst(%arg30 : memref<96x128xf32, #tpu.memory_space<vmem>>)
      %dma_start3A_365 = arith.constant 0 : i32
      %dma_start3A_366 = arith.constant 0 : i32
      %dma_start3A_367 = tpu.memref_slice %arg32[%dma_start3A_365, %dma_start3A_366] : memref<10240x128xf32, #tpu.memory_space<vmem_shared>> -> memref<10240x128xf32, #tpu.memory_space<vmem_shared>>
      tpu.enqueue_indirect_dma source(%arg30 : memref<96x128xf32, #tpu.memory_space<vmem>>) target(%dma_start3A_367 : memref<10240x128xf32, #tpu.memory_space<vmem_shared>>) offsets(%arg27 : memref<96xi32, #tpu.memory_space<vmem>>) semaphore(%arg39 : memref<!tpu.dma_semaphore, #tpu.memory_space<semaphore_mem>>) {add = true}
      %eq3A_368 = arith.constant 1 : i32
      %eq3A_369 = arith.cmpi eq, %arg0, %eq3A_368 : i32
      %convert_element_type3A_370 = arith.extui %eq3A_369 : i1 to i32
      %cond3A_371 = arith.constant 0 : i32
      %cond3A_372 = arith.cmpi ne, %convert_element_type3A_370, %cond3A_371 : i32
      scf.if %cond3A_372 {
        %dma_start3A_373 = arith.constant 0 : i32
        %dma_start3A_374 = tpu.memref_slice %arg33[%dma_start3A_373] : memref<10240xf32, #tpu.memory_space<vmem_shared>> -> memref<10240xf32, #tpu.memory_space<vmem_shared>>
        tpu.enqueue_indirect_dma source(%arg31 : memref<96xf32, #tpu.memory_space<vmem>>) target(%dma_start3A_374 : memref<10240xf32, #tpu.memory_space<vmem_shared>>) offsets(%arg27 : memref<96xi32, #tpu.memory_space<vmem>>) semaphore(%arg42 : memref<!tpu.dma_semaphore, #tpu.memory_space<semaphore_mem>>) {add = true}
      } else {
      }
    }
    %scan3A_143 = arith.constant 35 : i32
    %dma_wait3A_144 = arith.constant 0 : i32
    %dma_wait3A_145 = arith.constant 0 : i32
    %dma_wait3A_146 = tpu.memref_slice %arg32[%dma_wait3A_144, %dma_wait3A_145] : memref<10240x128xf32, #tpu.memory_space<vmem_shared>> -> memref<10240x128xf32, #tpu.memory_space<vmem_shared>>
    tpu.wait_indirect_dma semaphore(%arg38 : memref<!tpu.dma_semaphore, #tpu.memory_space<semaphore_mem>>) src(%arg29 : memref<96x128xf32, #tpu.memory_space<vmem>>) dst(%dma_wait3A_146 : memref<10240x128xf32, #tpu.memory_space<vmem_shared>>)
    %eq3A_147 = arith.constant 1 : i32
    %eq3A_148 = arith.cmpi eq, %arg0, %eq3A_147 : i32
    %convert_element_type3A_149 = arith.extui %eq3A_148 : i1 to i32
    %cond3A_150 = arith.constant 0 : i32
    %cond3A_151 = arith.cmpi ne, %convert_element_type3A_149, %cond3A_150 : i32
    scf.if %cond3A_151 {
      %dma_wait3A_238 = arith.constant 0 : i32
      %dma_wait3A_239 = tpu.memref_slice %arg33[%dma_wait3A_238] : memref<10240xf32, #tpu.memory_space<vmem_shared>> -> memref<10240xf32, #tpu.memory_space<vmem_shared>>
      tpu.wait_indirect_dma semaphore(%arg41 : memref<!tpu.dma_semaphore, #tpu.memory_space<semaphore_mem>>) src(%arg31 : memref<96xf32, #tpu.memory_space<vmem>>) dst(%dma_wait3A_239 : memref<10240xf32, #tpu.memory_space<vmem_shared>>)
    } else {
    }
    %dma_wait3A_152 = arith.constant 0 : i32
    %dma_wait3A_153 = arith.constant 0 : i32
    %dma_wait3A_154 = tpu.memref_slice %arg32[%dma_wait3A_152, %dma_wait3A_153] : memref<10240x128xf32, #tpu.memory_space<vmem_shared>> -> memref<10240x128xf32, #tpu.memory_space<vmem_shared>>
    tpu.wait_indirect_dma semaphore(%arg39 : memref<!tpu.dma_semaphore, #tpu.memory_space<semaphore_mem>>) src(%arg30 : memref<96x128xf32, #tpu.memory_space<vmem>>) dst(%dma_wait3A_154 : memref<10240x128xf32, #tpu.memory_space<vmem_shared>>)
    %eq3A_155 = arith.constant 1 : i32
    %eq3A_156 = arith.cmpi eq, %arg0, %eq3A_155 : i32
    %convert_element_type3A_157 = arith.extui %eq3A_156 : i1 to i32
    %cond3A_158 = arith.constant 0 : i32
    %cond3A_159 = arith.cmpi ne, %convert_element_type3A_157, %cond3A_158 : i32
    scf.if %cond3A_159 {
      %dma_wait3A_238 = arith.constant 0 : i32
      %dma_wait3A_239 = tpu.memref_slice %arg33[%dma_wait3A_238] : memref<10240xf32, #tpu.memory_space<vmem_shared>> -> memref<10240xf32, #tpu.memory_space<vmem_shared>>
      tpu.wait_indirect_dma semaphore(%arg42 : memref<!tpu.dma_semaphore, #tpu.memory_space<semaphore_mem>>) src(%arg31 : memref<96xf32, #tpu.memory_space<vmem>>) dst(%dma_wait3A_239 : memref<10240xf32, #tpu.memory_space<vmem_shared>>)
    } else {
    }
    %barrier3A_160 = arith.constant 0 : index
    tpu.barrier barrier_id(%barrier3A_160)
    %lt3A_161 = arith.constant 15 : i32
    %lt3A_162 = arith.cmpi slt, %arg1, %lt3A_161 : i32
    %convert_element_type3A_163 = arith.extui %lt3A_162 : i1 to i32
    %cond3A_164 = arith.constant 0 : i32
    %cond3A_165 = arith.cmpi ne, %convert_element_type3A_163, %cond3A_164 : i32
    scf.if %cond3A_165 {
      %mul3A_238 = arith.constant 640 : i32
      %mul3A_239 = arith.muli %arg1, %mul3A_238 : i32
      %mul3A_240 = arith.constant 10000 : i32
      %mul3A_241 = arith.muli %arg0, %mul3A_240 : i32
      %mul3A_242 = arith.constant 640 : i32
      %mul3A_243 = arith.muli %arg1, %mul3A_242 : i32
      %add3A_244 = arith.addi %mul3A_241, %mul3A_243 : i32
      "tpu.region"() ({
        %run_scoped3A = tpu.sem_alloc : memref<!tpu.dma_semaphore, #tpu.memory_space<semaphore_mem>>
        %dma_start3A_245 = arith.constant 0 : i32
        %dma_start3A_246 = tpu.memref_slice %arg18[%add3A_244, %dma_start3A_245] : memref<20000x128xf32, #tpu.memory_space<hbm>> -> memref<640x128xf32, #tpu.memory_space<hbm>>
        %dma_start3A_247 = arith.constant 0 : i32
        %dma_start3A_248 = tpu.memref_slice %arg32[%mul3A_239, %dma_start3A_247] : memref<10240x128xf32, #tpu.memory_space<vmem_shared>> -> memref<640x128xf32, #tpu.memory_space<vmem_shared>>
        tpu.enqueue_dma source(%dma_start3A_248 : memref<640x128xf32, #tpu.memory_space<vmem_shared>>) target(%dma_start3A_246 : memref<640x128xf32, #tpu.memory_space<hbm>>) target_semaphore(%run_scoped3A : memref<!tpu.dma_semaphore, #tpu.memory_space<semaphore_mem>>)
        %dma_wait3A_249 = arith.constant 0 : i32
        %dma_wait3A_250 = tpu.memref_slice %arg18[%add3A_244, %dma_wait3A_249] : memref<20000x128xf32, #tpu.memory_space<hbm>> -> memref<640x128xf32, #tpu.memory_space<hbm>>
        %dma_wait3A_251 = arith.constant 0 : i32
        %dma_wait3A_252 = tpu.memref_slice %arg32[%mul3A_239, %dma_wait3A_251] : memref<10240x128xf32, #tpu.memory_space<vmem_shared>> -> memref<640x128xf32, #tpu.memory_space<vmem_shared>>
        tpu.wait_dma2 semaphore(%run_scoped3A : memref<!tpu.dma_semaphore, #tpu.memory_space<semaphore_mem>>) src(%dma_wait3A_252 : memref<640x128xf32, #tpu.memory_space<vmem_shared>>) dst(%dma_wait3A_250 : memref<640x128xf32, #tpu.memory_space<hbm>>)
        tpu.yield
      }) : () -> ()
    } else {
    }
    %eq3A_166 = arith.constant 15 : i32
    %eq3A_167 = arith.cmpi eq, %arg1, %eq3A_166 : i32
    %convert_element_type3A_168 = arith.extui %eq3A_167 : i1 to i32
    %cond3A_169 = arith.constant 0 : i32
    %cond3A_170 = arith.cmpi ne, %convert_element_type3A_168, %cond3A_169 : i32
    scf.if %cond3A_170 {
      %mul3A_238 = arith.constant 10000 : i32
      %mul3A_239 = arith.muli %arg0, %mul3A_238 : i32
      %add3A_240 = arith.constant 9600 : i32
      %add3A_241 = arith.addi %mul3A_239, %add3A_240 : i32
      "tpu.region"() ({
        %run_scoped3A = tpu.sem_alloc : memref<!tpu.dma_semaphore, #tpu.memory_space<semaphore_mem>>
        %dma_start3A_242 = arith.constant 0 : i32
        %dma_start3A_243 = tpu.memref_slice %arg18[%add3A_241, %dma_start3A_242] : memref<20000x128xf32, #tpu.memory_space<hbm>> -> memref<400x128xf32, #tpu.memory_space<hbm>>
        %dma_start3A_244 = arith.constant 9600 : i32
        %dma_start3A_245 = arith.constant 0 : i32
        %dma_start3A_246 = tpu.memref_slice %arg32[%dma_start3A_244, %dma_start3A_245] : memref<10240x128xf32, #tpu.memory_space<vmem_shared>> -> memref<400x128xf32, #tpu.memory_space<vmem_shared>>
        tpu.enqueue_dma source(%dma_start3A_246 : memref<400x128xf32, #tpu.memory_space<vmem_shared>>) target(%dma_start3A_243 : memref<400x128xf32, #tpu.memory_space<hbm>>) target_semaphore(%run_scoped3A : memref<!tpu.dma_semaphore, #tpu.memory_space<semaphore_mem>>)
        %dma_wait3A_247 = arith.constant 0 : i32
        %dma_wait3A_248 = tpu.memref_slice %arg18[%add3A_241, %dma_wait3A_247] : memref<20000x128xf32, #tpu.memory_space<hbm>> -> memref<400x128xf32, #tpu.memory_space<hbm>>
        %dma_wait3A_249 = arith.constant 9600 : i32
        %dma_wait3A_250 = arith.constant 0 : i32
        %dma_wait3A_251 = tpu.memref_slice %arg32[%dma_wait3A_249, %dma_wait3A_250] : memref<10240x128xf32, #tpu.memory_space<vmem_shared>> -> memref<400x128xf32, #tpu.memory_space<vmem_shared>>
        tpu.wait_dma2 semaphore(%run_scoped3A : memref<!tpu.dma_semaphore, #tpu.memory_space<semaphore_mem>>) src(%dma_wait3A_251 : memref<400x128xf32, #tpu.memory_space<vmem_shared>>) dst(%dma_wait3A_248 : memref<400x128xf32, #tpu.memory_space<hbm>>)
        tpu.yield
      }) : () -> ()
    } else {
    }
    %eq3A_171 = arith.constant 1 : i32
    %eq3A_172 = arith.cmpi eq, %arg0, %eq3A_171 : i32
    %convert_element_type3A_173 = arith.extui %eq3A_172 : i1 to i32
    %cond3A_174 = arith.constant 0 : i32
    %cond3A_175 = arith.cmpi ne, %convert_element_type3A_173, %cond3A_174 : i32
    scf.if %cond3A_175 {
      %mul3A_238 = arith.constant 640 : i32
      %mul3A_239 = arith.muli %arg1, %mul3A_238 : i32
      %mul3A_240 = arith.constant 640 : i32
      %mul3A_241 = arith.muli %arg1, %mul3A_240 : i32
      "tpu.region"() ({
        %run_scoped3A = tpu.sem_alloc : memref<!tpu.dma_semaphore, #tpu.memory_space<semaphore_mem>>
        %dma_start3A_242 = tpu.memref_slice %arg22[%mul3A_241] : memref<10240xf32, #tpu.memory_space<hbm>> -> memref<640xf32, #tpu.memory_space<hbm>>
        %dma_start3A_243 = tpu.memref_slice %arg33[%mul3A_239] : memref<10240xf32, #tpu.memory_space<vmem_shared>> -> memref<640xf32, #tpu.memory_space<vmem_shared>>
        tpu.enqueue_dma source(%dma_start3A_243 : memref<640xf32, #tpu.memory_space<vmem_shared>>) target(%dma_start3A_242 : memref<640xf32, #tpu.memory_space<hbm>>) target_semaphore(%run_scoped3A : memref<!tpu.dma_semaphore, #tpu.memory_space<semaphore_mem>>)
        %dma_wait3A_244 = tpu.memref_slice %arg22[%mul3A_241] : memref<10240xf32, #tpu.memory_space<hbm>> -> memref<640xf32, #tpu.memory_space<hbm>>
        %dma_wait3A_245 = tpu.memref_slice %arg33[%mul3A_239] : memref<10240xf32, #tpu.memory_space<vmem_shared>> -> memref<640xf32, #tpu.memory_space<vmem_shared>>
        tpu.wait_dma2 semaphore(%run_scoped3A : memref<!tpu.dma_semaphore, #tpu.memory_space<semaphore_mem>>) src(%dma_wait3A_245 : memref<640xf32, #tpu.memory_space<vmem_shared>>) dst(%dma_wait3A_244 : memref<640xf32, #tpu.memory_space<hbm>>)
        tpu.yield
      }) : () -> ()
    } else {
    }
    %mul3A_176 = arith.constant 161280 : i32
    %mul3A_177 = arith.muli %arg0, %mul3A_176 : i32
    %mul3A_178 = arith.constant 10080 : i32
    %mul3A_179 = arith.muli %arg1, %mul3A_178 : i32
    %add3A_180 = arith.addi %mul3A_177, %mul3A_179 : i32
    "tpu.region"() ({
      %run_scoped3A = tpu.sem_alloc : memref<!tpu.dma_semaphore, #tpu.memory_space<semaphore_mem>>
      %dma_start3A_238 = tpu.memref_slice %arg8[%add3A_180] : memref<322560xi32, #tpu.memory_space<hbm>> -> memref<10080xi32, #tpu.memory_space<hbm>>
      %dma_start3A_239 = tpu.memref_slice %arg8[%add3A_180] : memref<322560xi32, #tpu.memory_space<hbm>> -> memref<10080xi32, #tpu.memory_space<hbm>>
      tpu.enqueue_dma source(%dma_start3A_239 : memref<10080xi32, #tpu.memory_space<hbm>>) target(%arg24 : memref<10080xi32, #tpu.memory_space<vmem>>) target_semaphore(%run_scoped3A : memref<!tpu.dma_semaphore, #tpu.memory_space<semaphore_mem>>)
      %dma_wait3A_240 = tpu.memref_slice %arg8[%add3A_180] : memref<322560xi32, #tpu.memory_space<hbm>> -> memref<10080xi32, #tpu.memory_space<hbm>>
      %dma_wait3A_241 = tpu.memref_slice %arg8[%add3A_180] : memref<322560xi32, #tpu.memory_space<hbm>> -> memref<10080xi32, #tpu.memory_space<hbm>>
      tpu.wait_dma2 semaphore(%run_scoped3A : memref<!tpu.dma_semaphore, #tpu.memory_space<semaphore_mem>>) src(%dma_wait3A_241 : memref<10080xi32, #tpu.memory_space<hbm>>) dst(%arg24 : memref<10080xi32, #tpu.memory_space<vmem>>)
      tpu.yield
    }) : () -> ()
    %dma_start3A_181 = arith.constant 0 : i32
    %dma_start3A_182 = tpu.memref_slice %arg24[%dma_start3A_181] : memref<10080xi32, #tpu.memory_space<vmem>> -> memref<96xi32, #tpu.memory_space<vmem>>
    %dma_start3A_183 = arith.constant 0 : i32
    %dma_start3A_184 = arith.constant 0 : i32
    %dma_start3A_185 = tpu.memref_slice %arg4[%dma_start3A_183, %dma_start3A_184] : memref<20000x128xf32, #tpu.memory_space<hbm>> -> memref<20000x128xf32, #tpu.memory_space<hbm>>
    tpu.enqueue_indirect_dma source(%dma_start3A_185 : memref<20000x128xf32, #tpu.memory_space<hbm>>) target(%arg28 : memref<96x128xf32, #tpu.memory_space<vmem>>) offsets(%dma_start3A_182 : memref<96xi32, #tpu.memory_space<vmem>>) semaphore(%arg34 : memref<!tpu.dma_semaphore, #tpu.memory_space<semaphore_mem>>)
    %mul3A_186 = arith.constant 10080 : i32
    %mul3A_187 = arith.muli %arg1, %mul3A_186 : i32
    %add3A_188 = arith.constant 0 : i32
    %add3A_189 = arith.addi %mul3A_187, %add3A_188 : i32
    %dma_start3A_190 = tpu.memref_slice %arg12[%add3A_189] : memref<161280xi32, #tpu.memory_space<hbm>> -> memref<96xi32, #tpu.memory_space<hbm>>
    %dma_start3A_191 = tpu.memref_slice %arg12[%add3A_189] : memref<161280xi32, #tpu.memory_space<hbm>> -> memref<96xi32, #tpu.memory_space<hbm>>
    tpu.enqueue_dma source(%dma_start3A_191 : memref<96xi32, #tpu.memory_space<hbm>>) target(%arg25 : memref<96xi32, #tpu.memory_space<vmem>>) target_semaphore(%arg43 : memref<!tpu.dma_semaphore, #tpu.memory_space<semaphore_mem>>)
    %mul3A_192 = arith.constant 640 : i32
    %mul3A_193 = arith.muli %arg1, %mul3A_192 : i32
    "tpu.region"() ({
      %run_scoped3A = tpu.sem_alloc : memref<!tpu.dma_semaphore, #tpu.memory_space<semaphore_mem>>
      %dma_start3A_238 = arith.constant 0 : i32
      %dma_start3A_239 = tpu.memref_slice %arg32[%mul3A_193, %dma_start3A_238] : memref<10240x128xf32, #tpu.memory_space<vmem_shared>> -> memref<640x128xf32, #tpu.memory_space<vmem_shared>>
      tpu.enqueue_dma source(%arg13 : memref<640x128xf32, #tpu.memory_space<hbm>>) target(%dma_start3A_239 : memref<640x128xf32, #tpu.memory_space<vmem_shared>>) target_semaphore(%run_scoped3A : memref<!tpu.dma_semaphore, #tpu.memory_space<semaphore_mem>>)
      %dma_wait3A_240 = arith.constant 0 : i32
      %dma_wait3A_241 = tpu.memref_slice %arg32[%mul3A_193, %dma_wait3A_240] : memref<10240x128xf32, #tpu.memory_space<vmem_shared>> -> memref<640x128xf32, #tpu.memory_space<vmem_shared>>
      tpu.wait_dma2 semaphore(%run_scoped3A : memref<!tpu.dma_semaphore, #tpu.memory_space<semaphore_mem>>) src(%arg13 : memref<640x128xf32, #tpu.memory_space<hbm>>) dst(%dma_wait3A_241 : memref<640x128xf32, #tpu.memory_space<vmem_shared>>)
      tpu.yield
    }) : () -> ()
    %eq3A_194 = arith.constant 1 : i32
    %eq3A_195 = arith.cmpi eq, %arg0, %eq3A_194 : i32
    %convert_element_type3A_196 = arith.extui %eq3A_195 : i1 to i32
    %cond3A_197 = arith.constant 0 : i32
    %cond3A_198 = arith.cmpi ne, %convert_element_type3A_196, %cond3A_197 : i32
    scf.if %cond3A_198 {
      %mul3A_238 = arith.constant 640 : i32
      %mul3A_239 = arith.muli %arg1, %mul3A_238 : i32
      %mul3A_240 = arith.constant 640 : i32
      %mul3A_241 = arith.muli %arg1, %mul3A_240 : i32
      "tpu.region"() ({
        %run_scoped3A = tpu.sem_alloc : memref<!tpu.dma_semaphore, #tpu.memory_space<semaphore_mem>>
        %dma_start3A_242 = tpu.memref_slice %arg33[%mul3A_241] : memref<10240xf32, #tpu.memory_space<vmem_shared>> -> memref<640xf32, #tpu.memory_space<vmem_shared>>
        %dma_start3A_243 = tpu.memref_slice %arg14[%mul3A_239] : memref<10240xf32, #tpu.memory_space<hbm>> -> memref<640xf32, #tpu.memory_space<hbm>>
        tpu.enqueue_dma source(%dma_start3A_243 : memref<640xf32, #tpu.memory_space<hbm>>) target(%dma_start3A_242 : memref<640xf32, #tpu.memory_space<vmem_shared>>) target_semaphore(%run_scoped3A : memref<!tpu.dma_semaphore, #tpu.memory_space<semaphore_mem>>)
        %dma_wait3A_244 = tpu.memref_slice %arg33[%mul3A_241] : memref<10240xf32, #tpu.memory_space<vmem_shared>> -> memref<640xf32, #tpu.memory_space<vmem_shared>>
        %dma_wait3A_245 = tpu.memref_slice %arg14[%mul3A_239] : memref<10240xf32, #tpu.memory_space<hbm>> -> memref<640xf32, #tpu.memory_space<hbm>>
        tpu.wait_dma2 semaphore(%run_scoped3A : memref<!tpu.dma_semaphore, #tpu.memory_space<semaphore_mem>>) src(%dma_wait3A_245 : memref<640xf32, #tpu.memory_space<hbm>>) dst(%dma_wait3A_244 : memref<640xf32, #tpu.memory_space<vmem_shared>>)
        tpu.yield
      }) : () -> ()
    } else {
    }
    %barrier3A_199 = arith.constant 0 : index
    tpu.barrier barrier_id(%barrier3A_199)
    %scan3A_200 = arith.constant 0 : i32
    %scan3A_201 = arith.constant 0 : i32
    %scan3A_202 = arith.constant 35 : i32
    %scan3A_203 = arith.addi %scan3A_201, %scan3A_202 : i32
    %scan3A_204 = arith.constant 1 : i32
    scf.for %scan3A_238 = %scan3A_201 to %scan3A_203 step %scan3A_204  : i32 {
      %mul3A_239 = arith.constant 3 : i32
      %mul3A_240 = arith.muli %mul3A_239, %scan3A_238 : i32
      %gt3A = arith.constant 0 : i32
      %gt3A_241 = arith.cmpi sgt, %scan3A_238, %gt3A : i32
      %convert_element_type3A_242 = arith.extui %gt3A_241 : i1 to i32
      %cond3A_243 = arith.constant 0 : i32
      %cond3A_244 = arith.cmpi ne, %convert_element_type3A_242, %cond3A_243 : i32
      scf.if %cond3A_244 {
        %dma_wait3A_373 = arith.constant 0 : i32
        %dma_wait3A_374 = arith.constant 0 : i32
        %dma_wait3A_375 = tpu.memref_slice %arg32[%dma_wait3A_373, %dma_wait3A_374] : memref<10240x128xf32, #tpu.memory_space<vmem_shared>> -> memref<10240x128xf32, #tpu.memory_space<vmem_shared>>
        tpu.wait_indirect_dma semaphore(%arg38 : memref<!tpu.dma_semaphore, #tpu.memory_space<semaphore_mem>>) src(%arg29 : memref<96x128xf32, #tpu.memory_space<vmem>>) dst(%dma_wait3A_375 : memref<10240x128xf32, #tpu.memory_space<vmem_shared>>)
      } else {
      }
      %eq3A_245 = arith.constant 1 : i32
      %eq3A_246 = arith.cmpi eq, %arg0, %eq3A_245 : i32
      %and3A = arith.andi %gt3A_241, %eq3A_246 : i1
      %convert_element_type3A_247 = arith.extui %and3A : i1 to i32
      %cond3A_248 = arith.constant 0 : i32
      %cond3A_249 = arith.cmpi ne, %convert_element_type3A_247, %cond3A_248 : i32
      scf.if %cond3A_249 {
        %dma_wait3A_373 = arith.constant 0 : i32
        %dma_wait3A_374 = tpu.memref_slice %arg33[%dma_wait3A_373] : memref<10240xf32, #tpu.memory_space<vmem_shared>> -> memref<10240xf32, #tpu.memory_space<vmem_shared>>
        tpu.wait_indirect_dma semaphore(%arg41 : memref<!tpu.dma_semaphore, #tpu.memory_space<semaphore_mem>>) src(%arg31 : memref<96xf32, #tpu.memory_space<vmem>>) dst(%dma_wait3A_374 : memref<10240xf32, #tpu.memory_space<vmem_shared>>)
      } else {
      }
      %add3A_250 = arith.constant 1 : i32
      %add3A_251 = arith.addi %mul3A_240, %add3A_250 : i32
      %mul3A_252 = arith.constant 96 : i32
      %mul3A_253 = arith.muli %add3A_251, %mul3A_252 : i32
      %dma_start3A_254 = tpu.memref_slice %arg24[%mul3A_253] : memref<10080xi32, #tpu.memory_space<vmem>> -> memref<96xi32, #tpu.memory_space<vmem>>
      %dma_start3A_255 = arith.constant 0 : i32
      %dma_start3A_256 = arith.constant 0 : i32
      %dma_start3A_257 = tpu.memref_slice %arg4[%dma_start3A_255, %dma_start3A_256] : memref<20000x128xf32, #tpu.memory_space<hbm>> -> memref<20000x128xf32, #tpu.memory_space<hbm>>
      tpu.enqueue_indirect_dma source(%dma_start3A_257 : memref<20000x128xf32, #tpu.memory_space<hbm>>) target(%arg29 : memref<96x128xf32, #tpu.memory_space<vmem>>) offsets(%dma_start3A_254 : memref<96xi32, #tpu.memory_space<vmem>>) semaphore(%arg35 : memref<!tpu.dma_semaphore, #tpu.memory_space<semaphore_mem>>)
      %mul3A_258 = arith.constant 10080 : i32
      %mul3A_259 = arith.muli %arg1, %mul3A_258 : i32
      %mul3A_260 = arith.constant 96 : i32
      %mul3A_261 = arith.muli %add3A_251, %mul3A_260 : i32
      %add3A_262 = arith.addi %mul3A_259, %mul3A_261 : i32
      %dma_start3A_263 = tpu.memref_slice %arg12[%add3A_262] : memref<161280xi32, #tpu.memory_space<hbm>> -> memref<96xi32, #tpu.memory_space<hbm>>
      %dma_start3A_264 = tpu.memref_slice %arg12[%add3A_262] : memref<161280xi32, #tpu.memory_space<hbm>> -> memref<96xi32, #tpu.memory_space<hbm>>
      tpu.enqueue_dma source(%dma_start3A_264 : memref<96xi32, #tpu.memory_space<hbm>>) target(%arg26 : memref<96xi32, #tpu.memory_space<vmem>>) target_semaphore(%arg44 : memref<!tpu.dma_semaphore, #tpu.memory_space<semaphore_mem>>)
      %mul3A_265 = arith.constant 10080 : i32
      %mul3A_266 = arith.muli %arg1, %mul3A_265 : i32
      %mul3A_267 = arith.constant 96 : i32
      %mul3A_268 = arith.muli %mul3A_240, %mul3A_267 : i32
      %add3A_269 = arith.addi %mul3A_266, %mul3A_268 : i32
      %dma_wait3A_270 = tpu.memref_slice %arg12[%add3A_269] : memref<161280xi32, #tpu.memory_space<hbm>> -> memref<96xi32, #tpu.memory_space<hbm>>
      %dma_wait3A_271 = tpu.memref_slice %arg12[%add3A_269] : memref<161280xi32, #tpu.memory_space<hbm>> -> memref<96xi32, #tpu.memory_space<hbm>>
      tpu.wait_dma2 semaphore(%arg43 : memref<!tpu.dma_semaphore, #tpu.memory_space<semaphore_mem>>) src(%dma_wait3A_271 : memref<96xi32, #tpu.memory_space<hbm>>) dst(%arg25 : memref<96xi32, #tpu.memory_space<vmem>>)
      %mul3A_272 = arith.constant 96 : i32
      %mul3A_273 = arith.muli %mul3A_240, %mul3A_272 : i32
      %dma_wait3A_274 = tpu.memref_slice %arg24[%mul3A_273] : memref<10080xi32, #tpu.memory_space<vmem>> -> memref<96xi32, #tpu.memory_space<vmem>>
      %dma_wait3A_275 = arith.constant 0 : i32
      %dma_wait3A_276 = arith.constant 0 : i32
      %dma_wait3A_277 = tpu.memref_slice %arg4[%dma_wait3A_275, %dma_wait3A_276] : memref<20000x128xf32, #tpu.memory_space<hbm>> -> memref<20000x128xf32, #tpu.memory_space<hbm>>
      tpu.wait_indirect_dma semaphore(%arg34 : memref<!tpu.dma_semaphore, #tpu.memory_space<semaphore_mem>>) src(%dma_wait3A_277 : memref<20000x128xf32, #tpu.memory_space<hbm>>) dst(%arg28 : memref<96x128xf32, #tpu.memory_space<vmem>>)
      %dma_start3A_278 = arith.constant 0 : i32
      %dma_start3A_279 = arith.constant 0 : i32
      %dma_start3A_280 = tpu.memref_slice %arg32[%dma_start3A_278, %dma_start3A_279] : memref<10240x128xf32, #tpu.memory_space<vmem_shared>> -> memref<10240x128xf32, #tpu.memory_space<vmem_shared>>
      tpu.enqueue_indirect_dma source(%arg28 : memref<96x128xf32, #tpu.memory_space<vmem>>) target(%dma_start3A_280 : memref<10240x128xf32, #tpu.memory_space<vmem_shared>>) offsets(%arg25 : memref<96xi32, #tpu.memory_space<vmem>>) semaphore(%arg37 : memref<!tpu.dma_semaphore, #tpu.memory_space<semaphore_mem>>) {add = true}
      %eq3A_281 = arith.constant 1 : i32
      %eq3A_282 = arith.cmpi eq, %arg0, %eq3A_281 : i32
      %convert_element_type3A_283 = arith.extui %eq3A_282 : i1 to i32
      %cond3A_284 = arith.constant 0 : i32
      %cond3A_285 = arith.cmpi ne, %convert_element_type3A_283, %cond3A_284 : i32
      scf.if %cond3A_285 {
        %dma_start3A_373 = arith.constant 0 : i32
        %dma_start3A_374 = tpu.memref_slice %arg33[%dma_start3A_373] : memref<10240xf32, #tpu.memory_space<vmem_shared>> -> memref<10240xf32, #tpu.memory_space<vmem_shared>>
        tpu.enqueue_indirect_dma source(%arg31 : memref<96xf32, #tpu.memory_space<vmem>>) target(%dma_start3A_374 : memref<10240xf32, #tpu.memory_space<vmem_shared>>) offsets(%arg25 : memref<96xi32, #tpu.memory_space<vmem>>) semaphore(%arg40 : memref<!tpu.dma_semaphore, #tpu.memory_space<semaphore_mem>>) {add = true}
      } else {
      }
      %gt3A_286 = arith.constant 0 : i32
      %gt3A_287 = arith.cmpi sgt, %scan3A_238, %gt3A_286 : i32
      %convert_element_type3A_288 = arith.extui %gt3A_287 : i1 to i32
      %cond3A_289 = arith.constant 0 : i32
      %cond3A_290 = arith.cmpi ne, %convert_element_type3A_288, %cond3A_289 : i32
      scf.if %cond3A_290 {
        %dma_wait3A_373 = arith.constant 0 : i32
        %dma_wait3A_374 = arith.constant 0 : i32
        %dma_wait3A_375 = tpu.memref_slice %arg32[%dma_wait3A_373, %dma_wait3A_374] : memref<10240x128xf32, #tpu.memory_space<vmem_shared>> -> memref<10240x128xf32, #tpu.memory_space<vmem_shared>>
        tpu.wait_indirect_dma semaphore(%arg39 : memref<!tpu.dma_semaphore, #tpu.memory_space<semaphore_mem>>) src(%arg30 : memref<96x128xf32, #tpu.memory_space<vmem>>) dst(%dma_wait3A_375 : memref<10240x128xf32, #tpu.memory_space<vmem_shared>>)
      } else {
      }
      %eq3A_291 = arith.constant 1 : i32
      %eq3A_292 = arith.cmpi eq, %arg0, %eq3A_291 : i32
      %and3A_293 = arith.andi %gt3A_287, %eq3A_292 : i1
      %convert_element_type3A_294 = arith.extui %and3A_293 : i1 to i32
      %cond3A_295 = arith.constant 0 : i32
      %cond3A_296 = arith.cmpi ne, %convert_element_type3A_294, %cond3A_295 : i32
      scf.if %cond3A_296 {
        %dma_wait3A_373 = arith.constant 0 : i32
        %dma_wait3A_374 = tpu.memref_slice %arg33[%dma_wait3A_373] : memref<10240xf32, #tpu.memory_space<vmem_shared>> -> memref<10240xf32, #tpu.memory_space<vmem_shared>>
        tpu.wait_indirect_dma semaphore(%arg42 : memref<!tpu.dma_semaphore, #tpu.memory_space<semaphore_mem>>) src(%arg31 : memref<96xf32, #tpu.memory_space<vmem>>) dst(%dma_wait3A_374 : memref<10240xf32, #tpu.memory_space<vmem_shared>>)
      } else {
      }
      %add3A_297 = arith.constant 2 : i32
      %add3A_298 = arith.addi %mul3A_240, %add3A_297 : i32
      %mul3A_299 = arith.constant 96 : i32
      %mul3A_300 = arith.muli %add3A_298, %mul3A_299 : i32
      %dma_start3A_301 = tpu.memref_slice %arg24[%mul3A_300] : memref<10080xi32, #tpu.memory_space<vmem>> -> memref<96xi32, #tpu.memory_space<vmem>>
      %dma_start3A_302 = arith.constant 0 : i32
      %dma_start3A_303 = arith.constant 0 : i32
      %dma_start3A_304 = tpu.memref_slice %arg4[%dma_start3A_302, %dma_start3A_303] : memref<20000x128xf32, #tpu.memory_space<hbm>> -> memref<20000x128xf32, #tpu.memory_space<hbm>>
      tpu.enqueue_indirect_dma source(%dma_start3A_304 : memref<20000x128xf32, #tpu.memory_space<hbm>>) target(%arg30 : memref<96x128xf32, #tpu.memory_space<vmem>>) offsets(%dma_start3A_301 : memref<96xi32, #tpu.memory_space<vmem>>) semaphore(%arg36 : memref<!tpu.dma_semaphore, #tpu.memory_space<semaphore_mem>>)
      %mul3A_305 = arith.constant 10080 : i32
      %mul3A_306 = arith.muli %arg1, %mul3A_305 : i32
      %mul3A_307 = arith.constant 96 : i32
      %mul3A_308 = arith.muli %add3A_298, %mul3A_307 : i32
      %add3A_309 = arith.addi %mul3A_306, %mul3A_308 : i32
      %dma_start3A_310 = tpu.memref_slice %arg12[%add3A_309] : memref<161280xi32, #tpu.memory_space<hbm>> -> memref<96xi32, #tpu.memory_space<hbm>>
      %dma_start3A_311 = tpu.memref_slice %arg12[%add3A_309] : memref<161280xi32, #tpu.memory_space<hbm>> -> memref<96xi32, #tpu.memory_space<hbm>>
      tpu.enqueue_dma source(%dma_start3A_311 : memref<96xi32, #tpu.memory_space<hbm>>) target(%arg27 : memref<96xi32, #tpu.memory_space<vmem>>) target_semaphore(%arg45 : memref<!tpu.dma_semaphore, #tpu.memory_space<semaphore_mem>>)
      %add3A_312 = arith.constant 1 : i32
      %add3A_313 = arith.addi %mul3A_240, %add3A_312 : i32
      %mul3A_314 = arith.constant 10080 : i32
      %mul3A_315 = arith.muli %arg1, %mul3A_314 : i32
      %mul3A_316 = arith.constant 96 : i32
      %mul3A_317 = arith.muli %add3A_313, %mul3A_316 : i32
      %add3A_318 = arith.addi %mul3A_315, %mul3A_317 : i32
      %dma_wait3A_319 = tpu.memref_slice %arg12[%add3A_318] : memref<161280xi32, #tpu.memory_space<hbm>> -> memref<96xi32, #tpu.memory_space<hbm>>
      %dma_wait3A_320 = tpu.memref_slice %arg12[%add3A_318] : memref<161280xi32, #tpu.memory_space<hbm>> -> memref<96xi32, #tpu.memory_space<hbm>>
      tpu.wait_dma2 semaphore(%arg44 : memref<!tpu.dma_semaphore, #tpu.memory_space<semaphore_mem>>) src(%dma_wait3A_320 : memref<96xi32, #tpu.memory_space<hbm>>) dst(%arg26 : memref<96xi32, #tpu.memory_space<vmem>>)
      %mul3A_321 = arith.constant 96 : i32
      %mul3A_322 = arith.muli %add3A_313, %mul3A_321 : i32
      %dma_wait3A_323 = tpu.memref_slice %arg24[%mul3A_322] : memref<10080xi32, #tpu.memory_space<vmem>> -> memref<96xi32, #tpu.memory_space<vmem>>
      %dma_wait3A_324 = arith.constant 0 : i32
      %dma_wait3A_325 = arith.constant 0 : i32
      %dma_wait3A_326 = tpu.memref_slice %arg4[%dma_wait3A_324, %dma_wait3A_325] : memref<20000x128xf32, #tpu.memory_space<hbm>> -> memref<20000x128xf32, #tpu.memory_space<hbm>>
      tpu.wait_indirect_dma semaphore(%arg35 : memref<!tpu.dma_semaphore, #tpu.memory_space<semaphore_mem>>) src(%dma_wait3A_326 : memref<20000x128xf32, #tpu.memory_space<hbm>>) dst(%arg29 : memref<96x128xf32, #tpu.memory_space<vmem>>)
      %dma_start3A_327 = arith.constant 0 : i32
      %dma_start3A_328 = arith.constant 0 : i32
      %dma_start3A_329 = tpu.memref_slice %arg32[%dma_start3A_327, %dma_start3A_328] : memref<10240x128xf32, #tpu.memory_space<vmem_shared>> -> memref<10240x128xf32, #tpu.memory_space<vmem_shared>>
      tpu.enqueue_indirect_dma source(%arg29 : memref<96x128xf32, #tpu.memory_space<vmem>>) target(%dma_start3A_329 : memref<10240x128xf32, #tpu.memory_space<vmem_shared>>) offsets(%arg26 : memref<96xi32, #tpu.memory_space<vmem>>) semaphore(%arg38 : memref<!tpu.dma_semaphore, #tpu.memory_space<semaphore_mem>>) {add = true}
      %eq3A_330 = arith.constant 1 : i32
      %eq3A_331 = arith.cmpi eq, %arg0, %eq3A_330 : i32
      %convert_element_type3A_332 = arith.extui %eq3A_331 : i1 to i32
      %cond3A_333 = arith.constant 0 : i32
      %cond3A_334 = arith.cmpi ne, %convert_element_type3A_332, %cond3A_333 : i32
      scf.if %cond3A_334 {
        %dma_start3A_373 = arith.constant 0 : i32
        %dma_start3A_374 = tpu.memref_slice %arg33[%dma_start3A_373] : memref<10240xf32, #tpu.memory_space<vmem_shared>> -> memref<10240xf32, #tpu.memory_space<vmem_shared>>
        tpu.enqueue_indirect_dma source(%arg31 : memref<96xf32, #tpu.memory_space<vmem>>) target(%dma_start3A_374 : memref<10240xf32, #tpu.memory_space<vmem_shared>>) offsets(%arg26 : memref<96xi32, #tpu.memory_space<vmem>>) semaphore(%arg41 : memref<!tpu.dma_semaphore, #tpu.memory_space<semaphore_mem>>) {add = true}
      } else {
      }
      %dma_wait3A_335 = arith.constant 0 : i32
      %dma_wait3A_336 = arith.constant 0 : i32
      %dma_wait3A_337 = tpu.memref_slice %arg32[%dma_wait3A_335, %dma_wait3A_336] : memref<10240x128xf32, #tpu.memory_space<vmem_shared>> -> memref<10240x128xf32, #tpu.memory_space<vmem_shared>>
      tpu.wait_indirect_dma semaphore(%arg37 : memref<!tpu.dma_semaphore, #tpu.memory_space<semaphore_mem>>) src(%arg28 : memref<96x128xf32, #tpu.memory_space<vmem>>) dst(%dma_wait3A_337 : memref<10240x128xf32, #tpu.memory_space<vmem_shared>>)
      %eq3A_338 = arith.constant 1 : i32
      %eq3A_339 = arith.cmpi eq, %arg0, %eq3A_338 : i32
      %convert_element_type3A_340 = arith.extui %eq3A_339 : i1 to i32
      %cond3A_341 = arith.constant 0 : i32
      %cond3A_342 = arith.cmpi ne, %convert_element_type3A_340, %cond3A_341 : i32
      scf.if %cond3A_342 {
        %dma_wait3A_373 = arith.constant 0 : i32
        %dma_wait3A_374 = tpu.memref_slice %arg33[%dma_wait3A_373] : memref<10240xf32, #tpu.memory_space<vmem_shared>> -> memref<10240xf32, #tpu.memory_space<vmem_shared>>
        tpu.wait_indirect_dma semaphore(%arg40 : memref<!tpu.dma_semaphore, #tpu.memory_space<semaphore_mem>>) src(%arg31 : memref<96xf32, #tpu.memory_space<vmem>>) dst(%dma_wait3A_374 : memref<10240xf32, #tpu.memory_space<vmem_shared>>)
      } else {
      }
      %add3A_343 = arith.constant 3 : i32
      %add3A_344 = arith.addi %mul3A_240, %add3A_343 : i32
      %lt3A_345 = arith.constant 105 : i32
      %lt3A_346 = arith.cmpi slt, %add3A_344, %lt3A_345 : i32
      %convert_element_type3A_347 = arith.extui %lt3A_346 : i1 to i32
      %cond3A_348 = arith.constant 0 : i32
      %cond3A_349 = arith.cmpi ne, %convert_element_type3A_347, %cond3A_348 : i32
      scf.if %cond3A_349 {
        %add3A_373 = arith.constant 3 : i32
        %add3A_374 = arith.addi %mul3A_240, %add3A_373 : i32
        %mul3A_375 = arith.constant 96 : i32
        %mul3A_376 = arith.muli %add3A_374, %mul3A_375 : i32
        %dma_start3A_377 = tpu.memref_slice %arg24[%mul3A_376] : memref<10080xi32, #tpu.memory_space<vmem>> -> memref<96xi32, #tpu.memory_space<vmem>>
        %dma_start3A_378 = arith.constant 0 : i32
        %dma_start3A_379 = arith.constant 0 : i32
        %dma_start3A_380 = tpu.memref_slice %arg4[%dma_start3A_378, %dma_start3A_379] : memref<20000x128xf32, #tpu.memory_space<hbm>> -> memref<20000x128xf32, #tpu.memory_space<hbm>>
        tpu.enqueue_indirect_dma source(%dma_start3A_380 : memref<20000x128xf32, #tpu.memory_space<hbm>>) target(%arg28 : memref<96x128xf32, #tpu.memory_space<vmem>>) offsets(%dma_start3A_377 : memref<96xi32, #tpu.memory_space<vmem>>) semaphore(%arg34 : memref<!tpu.dma_semaphore, #tpu.memory_space<semaphore_mem>>)
        %mul3A_381 = arith.constant 10080 : i32
        %mul3A_382 = arith.muli %arg1, %mul3A_381 : i32
        %mul3A_383 = arith.constant 96 : i32
        %mul3A_384 = arith.muli %add3A_374, %mul3A_383 : i32
        %add3A_385 = arith.addi %mul3A_382, %mul3A_384 : i32
        %dma_start3A_386 = tpu.memref_slice %arg12[%add3A_385] : memref<161280xi32, #tpu.memory_space<hbm>> -> memref<96xi32, #tpu.memory_space<hbm>>
        %dma_start3A_387 = tpu.memref_slice %arg12[%add3A_385] : memref<161280xi32, #tpu.memory_space<hbm>> -> memref<96xi32, #tpu.memory_space<hbm>>
        tpu.enqueue_dma source(%dma_start3A_387 : memref<96xi32, #tpu.memory_space<hbm>>) target(%arg25 : memref<96xi32, #tpu.memory_space<vmem>>) target_semaphore(%arg43 : memref<!tpu.dma_semaphore, #tpu.memory_space<semaphore_mem>>)
      } else {
      }
      %add3A_350 = arith.constant 2 : i32
      %add3A_351 = arith.addi %mul3A_240, %add3A_350 : i32
      %mul3A_352 = arith.constant 10080 : i32
      %mul3A_353 = arith.muli %arg1, %mul3A_352 : i32
      %mul3A_354 = arith.constant 96 : i32
      %mul3A_355 = arith.muli %add3A_351, %mul3A_354 : i32
      %add3A_356 = arith.addi %mul3A_353, %mul3A_355 : i32
      %dma_wait3A_357 = tpu.memref_slice %arg12[%add3A_356] : memref<161280xi32, #tpu.memory_space<hbm>> -> memref<96xi32, #tpu.memory_space<hbm>>
      %dma_wait3A_358 = tpu.memref_slice %arg12[%add3A_356] : memref<161280xi32, #tpu.memory_space<hbm>> -> memref<96xi32, #tpu.memory_space<hbm>>
      tpu.wait_dma2 semaphore(%arg45 : memref<!tpu.dma_semaphore, #tpu.memory_space<semaphore_mem>>) src(%dma_wait3A_358 : memref<96xi32, #tpu.memory_space<hbm>>) dst(%arg27 : memref<96xi32, #tpu.memory_space<vmem>>)
      %mul3A_359 = arith.constant 96 : i32
      %mul3A_360 = arith.muli %add3A_351, %mul3A_359 : i32
      %dma_wait3A_361 = tpu.memref_slice %arg24[%mul3A_360] : memref<10080xi32, #tpu.memory_space<vmem>> -> memref<96xi32, #tpu.memory_space<vmem>>
      %dma_wait3A_362 = arith.constant 0 : i32
      %dma_wait3A_363 = arith.constant 0 : i32
      %dma_wait3A_364 = tpu.memref_slice %arg4[%dma_wait3A_362, %dma_wait3A_363] : memref<20000x128xf32, #tpu.memory_space<hbm>> -> memref<20000x128xf32, #tpu.memory_space<hbm>>
      tpu.wait_indirect_dma semaphore(%arg36 : memref<!tpu.dma_semaphore, #tpu.memory_space<semaphore_mem>>) src(%dma_wait3A_364 : memref<20000x128xf32, #tpu.memory_space<hbm>>) dst(%arg30 : memref<96x128xf32, #tpu.memory_space<vmem>>)
      %dma_start3A_365 = arith.constant 0 : i32
      %dma_start3A_366 = arith.constant 0 : i32
      %dma_start3A_367 = tpu.memref_slice %arg32[%dma_start3A_365, %dma_start3A_366] : memref<10240x128xf32, #tpu.memory_space<vmem_shared>> -> memref<10240x128xf32, #tpu.memory_space<vmem_shared>>
      tpu.enqueue_indirect_dma source(%arg30 : memref<96x128xf32, #tpu.memory_space<vmem>>) target(%dma_start3A_367 : memref<10240x128xf32, #tpu.memory_space<vmem_shared>>) offsets(%arg27 : memref<96xi32, #tpu.memory_space<vmem>>) semaphore(%arg39 : memref<!tpu.dma_semaphore, #tpu.memory_space<semaphore_mem>>) {add = true}
      %eq3A_368 = arith.constant 1 : i32
      %eq3A_369 = arith.cmpi eq, %arg0, %eq3A_368 : i32
      %convert_element_type3A_370 = arith.extui %eq3A_369 : i1 to i32
      %cond3A_371 = arith.constant 0 : i32
      %cond3A_372 = arith.cmpi ne, %convert_element_type3A_370, %cond3A_371 : i32
      scf.if %cond3A_372 {
        %dma_start3A_373 = arith.constant 0 : i32
        %dma_start3A_374 = tpu.memref_slice %arg33[%dma_start3A_373] : memref<10240xf32, #tpu.memory_space<vmem_shared>> -> memref<10240xf32, #tpu.memory_space<vmem_shared>>
        tpu.enqueue_indirect_dma source(%arg31 : memref<96xf32, #tpu.memory_space<vmem>>) target(%dma_start3A_374 : memref<10240xf32, #tpu.memory_space<vmem_shared>>) offsets(%arg27 : memref<96xi32, #tpu.memory_space<vmem>>) semaphore(%arg42 : memref<!tpu.dma_semaphore, #tpu.memory_space<semaphore_mem>>) {add = true}
      } else {
      }
    }
    %scan3A_205 = arith.constant 35 : i32
    %dma_wait3A_206 = arith.constant 0 : i32
    %dma_wait3A_207 = arith.constant 0 : i32
    %dma_wait3A_208 = tpu.memref_slice %arg32[%dma_wait3A_206, %dma_wait3A_207] : memref<10240x128xf32, #tpu.memory_space<vmem_shared>> -> memref<10240x128xf32, #tpu.memory_space<vmem_shared>>
    tpu.wait_indirect_dma semaphore(%arg38 : memref<!tpu.dma_semaphore, #tpu.memory_space<semaphore_mem>>) src(%arg29 : memref<96x128xf32, #tpu.memory_space<vmem>>) dst(%dma_wait3A_208 : memref<10240x128xf32, #tpu.memory_space<vmem_shared>>)
    %eq3A_209 = arith.constant 1 : i32
    %eq3A_210 = arith.cmpi eq, %arg0, %eq3A_209 : i32
    %convert_element_type3A_211 = arith.extui %eq3A_210 : i1 to i32
    %cond3A_212 = arith.constant 0 : i32
    %cond3A_213 = arith.cmpi ne, %convert_element_type3A_211, %cond3A_212 : i32
    scf.if %cond3A_213 {
      %dma_wait3A_238 = arith.constant 0 : i32
      %dma_wait3A_239 = tpu.memref_slice %arg33[%dma_wait3A_238] : memref<10240xf32, #tpu.memory_space<vmem_shared>> -> memref<10240xf32, #tpu.memory_space<vmem_shared>>
      tpu.wait_indirect_dma semaphore(%arg41 : memref<!tpu.dma_semaphore, #tpu.memory_space<semaphore_mem>>) src(%arg31 : memref<96xf32, #tpu.memory_space<vmem>>) dst(%dma_wait3A_239 : memref<10240xf32, #tpu.memory_space<vmem_shared>>)
    } else {
    }
    %dma_wait3A_214 = arith.constant 0 : i32
    %dma_wait3A_215 = arith.constant 0 : i32
    %dma_wait3A_216 = tpu.memref_slice %arg32[%dma_wait3A_214, %dma_wait3A_215] : memref<10240x128xf32, #tpu.memory_space<vmem_shared>> -> memref<10240x128xf32, #tpu.memory_space<vmem_shared>>
    tpu.wait_indirect_dma semaphore(%arg39 : memref<!tpu.dma_semaphore, #tpu.memory_space<semaphore_mem>>) src(%arg30 : memref<96x128xf32, #tpu.memory_space<vmem>>) dst(%dma_wait3A_216 : memref<10240x128xf32, #tpu.memory_space<vmem_shared>>)
    %eq3A_217 = arith.constant 1 : i32
    %eq3A_218 = arith.cmpi eq, %arg0, %eq3A_217 : i32
    %convert_element_type3A_219 = arith.extui %eq3A_218 : i1 to i32
    %cond3A_220 = arith.constant 0 : i32
    %cond3A_221 = arith.cmpi ne, %convert_element_type3A_219, %cond3A_220 : i32
    scf.if %cond3A_221 {
      %dma_wait3A_238 = arith.constant 0 : i32
      %dma_wait3A_239 = tpu.memref_slice %arg33[%dma_wait3A_238] : memref<10240xf32, #tpu.memory_space<vmem_shared>> -> memref<10240xf32, #tpu.memory_space<vmem_shared>>
      tpu.wait_indirect_dma semaphore(%arg42 : memref<!tpu.dma_semaphore, #tpu.memory_space<semaphore_mem>>) src(%arg31 : memref<96xf32, #tpu.memory_space<vmem>>) dst(%dma_wait3A_239 : memref<10240xf32, #tpu.memory_space<vmem_shared>>)
    } else {
    }
    %barrier3A_222 = arith.constant 0 : index
    tpu.barrier barrier_id(%barrier3A_222)
    %lt3A_223 = arith.constant 15 : i32
    %lt3A_224 = arith.cmpi slt, %arg1, %lt3A_223 : i32
    %convert_element_type3A_225 = arith.extui %lt3A_224 : i1 to i32
    %cond3A_226 = arith.constant 0 : i32
    %cond3A_227 = arith.cmpi ne, %convert_element_type3A_225, %cond3A_226 : i32
    scf.if %cond3A_227 {
      %mul3A_238 = arith.constant 640 : i32
      %mul3A_239 = arith.muli %arg1, %mul3A_238 : i32
      %mul3A_240 = arith.constant 10000 : i32
      %mul3A_241 = arith.muli %arg0, %mul3A_240 : i32
      %mul3A_242 = arith.constant 640 : i32
      %mul3A_243 = arith.muli %arg1, %mul3A_242 : i32
      %add3A_244 = arith.addi %mul3A_241, %mul3A_243 : i32
      "tpu.region"() ({
        %run_scoped3A = tpu.sem_alloc : memref<!tpu.dma_semaphore, #tpu.memory_space<semaphore_mem>>
        %dma_start3A_245 = arith.constant 0 : i32
        %dma_start3A_246 = tpu.memref_slice %arg19[%add3A_244, %dma_start3A_245] : memref<20000x128xf32, #tpu.memory_space<hbm>> -> memref<640x128xf32, #tpu.memory_space<hbm>>
        %dma_start3A_247 = arith.constant 0 : i32
        %dma_start3A_248 = tpu.memref_slice %arg32[%mul3A_239, %dma_start3A_247] : memref<10240x128xf32, #tpu.memory_space<vmem_shared>> -> memref<640x128xf32, #tpu.memory_space<vmem_shared>>
        tpu.enqueue_dma source(%dma_start3A_248 : memref<640x128xf32, #tpu.memory_space<vmem_shared>>) target(%dma_start3A_246 : memref<640x128xf32, #tpu.memory_space<hbm>>) target_semaphore(%run_scoped3A : memref<!tpu.dma_semaphore, #tpu.memory_space<semaphore_mem>>)
        %dma_wait3A_249 = arith.constant 0 : i32
        %dma_wait3A_250 = tpu.memref_slice %arg19[%add3A_244, %dma_wait3A_249] : memref<20000x128xf32, #tpu.memory_space<hbm>> -> memref<640x128xf32, #tpu.memory_space<hbm>>
        %dma_wait3A_251 = arith.constant 0 : i32
        %dma_wait3A_252 = tpu.memref_slice %arg32[%mul3A_239, %dma_wait3A_251] : memref<10240x128xf32, #tpu.memory_space<vmem_shared>> -> memref<640x128xf32, #tpu.memory_space<vmem_shared>>
        tpu.wait_dma2 semaphore(%run_scoped3A : memref<!tpu.dma_semaphore, #tpu.memory_space<semaphore_mem>>) src(%dma_wait3A_252 : memref<640x128xf32, #tpu.memory_space<vmem_shared>>) dst(%dma_wait3A_250 : memref<640x128xf32, #tpu.memory_space<hbm>>)
        tpu.yield
      }) : () -> ()
    } else {
    }
    %eq3A_228 = arith.constant 15 : i32
    %eq3A_229 = arith.cmpi eq, %arg1, %eq3A_228 : i32
    %convert_element_type3A_230 = arith.extui %eq3A_229 : i1 to i32
    %cond3A_231 = arith.constant 0 : i32
    %cond3A_232 = arith.cmpi ne, %convert_element_type3A_230, %cond3A_231 : i32
    scf.if %cond3A_232 {
      %mul3A_238 = arith.constant 10000 : i32
      %mul3A_239 = arith.muli %arg0, %mul3A_238 : i32
      %add3A_240 = arith.constant 9600 : i32
      %add3A_241 = arith.addi %mul3A_239, %add3A_240 : i32
      "tpu.region"() ({
        %run_scoped3A = tpu.sem_alloc : memref<!tpu.dma_semaphore, #tpu.memory_space<semaphore_mem>>
        %dma_start3A_242 = arith.constant 0 : i32
        %dma_start3A_243 = tpu.memref_slice %arg19[%add3A_241, %dma_start3A_242] : memref<20000x128xf32, #tpu.memory_space<hbm>> -> memref<400x128xf32, #tpu.memory_space<hbm>>
        %dma_start3A_244 = arith.constant 9600 : i32
        %dma_start3A_245 = arith.constant 0 : i32
        %dma_start3A_246 = tpu.memref_slice %arg32[%dma_start3A_244, %dma_start3A_245] : memref<10240x128xf32, #tpu.memory_space<vmem_shared>> -> memref<400x128xf32, #tpu.memory_space<vmem_shared>>
        tpu.enqueue_dma source(%dma_start3A_246 : memref<400x128xf32, #tpu.memory_space<vmem_shared>>) target(%dma_start3A_243 : memref<400x128xf32, #tpu.memory_space<hbm>>) target_semaphore(%run_scoped3A : memref<!tpu.dma_semaphore, #tpu.memory_space<semaphore_mem>>)
        %dma_wait3A_247 = arith.constant 0 : i32
        %dma_wait3A_248 = tpu.memref_slice %arg19[%add3A_241, %dma_wait3A_247] : memref<20000x128xf32, #tpu.memory_space<hbm>> -> memref<400x128xf32, #tpu.memory_space<hbm>>
        %dma_wait3A_249 = arith.constant 9600 : i32
        %dma_wait3A_250 = arith.constant 0 : i32
        %dma_wait3A_251 = tpu.memref_slice %arg32[%dma_wait3A_249, %dma_wait3A_250] : memref<10240x128xf32, #tpu.memory_space<vmem_shared>> -> memref<400x128xf32, #tpu.memory_space<vmem_shared>>
        tpu.wait_dma2 semaphore(%run_scoped3A : memref<!tpu.dma_semaphore, #tpu.memory_space<semaphore_mem>>) src(%dma_wait3A_251 : memref<400x128xf32, #tpu.memory_space<vmem_shared>>) dst(%dma_wait3A_248 : memref<400x128xf32, #tpu.memory_space<hbm>>)
        tpu.yield
      }) : () -> ()
    } else {
    }
    %eq3A_233 = arith.constant 1 : i32
    %eq3A_234 = arith.cmpi eq, %arg0, %eq3A_233 : i32
    %convert_element_type3A_235 = arith.extui %eq3A_234 : i1 to i32
    %cond3A_236 = arith.constant 0 : i32
    %cond3A_237 = arith.cmpi ne, %convert_element_type3A_235, %cond3A_236 : i32
    scf.if %cond3A_237 {
      %mul3A_238 = arith.constant 640 : i32
      %mul3A_239 = arith.muli %arg1, %mul3A_238 : i32
      %mul3A_240 = arith.constant 640 : i32
      %mul3A_241 = arith.muli %arg1, %mul3A_240 : i32
      "tpu.region"() ({
        %run_scoped3A = tpu.sem_alloc : memref<!tpu.dma_semaphore, #tpu.memory_space<semaphore_mem>>
        %dma_start3A_242 = tpu.memref_slice %arg23[%mul3A_241] : memref<10240xf32, #tpu.memory_space<hbm>> -> memref<640xf32, #tpu.memory_space<hbm>>
        %dma_start3A_243 = tpu.memref_slice %arg33[%mul3A_239] : memref<10240xf32, #tpu.memory_space<vmem_shared>> -> memref<640xf32, #tpu.memory_space<vmem_shared>>
        tpu.enqueue_dma source(%dma_start3A_243 : memref<640xf32, #tpu.memory_space<vmem_shared>>) target(%dma_start3A_242 : memref<640xf32, #tpu.memory_space<hbm>>) target_semaphore(%run_scoped3A : memref<!tpu.dma_semaphore, #tpu.memory_space<semaphore_mem>>)
        %dma_wait3A_244 = tpu.memref_slice %arg23[%mul3A_241] : memref<10240xf32, #tpu.memory_space<hbm>> -> memref<640xf32, #tpu.memory_space<hbm>>
        %dma_wait3A_245 = tpu.memref_slice %arg33[%mul3A_239] : memref<10240xf32, #tpu.memory_space<vmem_shared>> -> memref<640xf32, #tpu.memory_space<vmem_shared>>
        tpu.wait_dma2 semaphore(%run_scoped3A : memref<!tpu.dma_semaphore, #tpu.memory_space<semaphore_mem>>) src(%dma_wait3A_245 : memref<640xf32, #tpu.memory_space<vmem_shared>>) dst(%dma_wait3A_244 : memref<640xf32, #tpu.memory_space<hbm>>)
        tpu.yield
      }) : () -> ()
    } else {
    }
    return
  }
}

module attributes {stable_mosaic.version = 14 : i64} {
  func.func @_tc_body(%arg0: i32, %arg1: memref<1000x256xf32, #tpu.memory_space<vmem>>, %arg2: memref<1000x256xf32, #tpu.memory_space<vmem>>, %arg3: memref<1000x256xf32, #tpu.memory_space<vmem>>, %arg4: memref<1000x128xf32, #tpu.memory_space<vmem>>, %arg5: memref<1000x128xf32, #tpu.memory_space<vmem>>, %arg6: memref<1000x128xf32, #tpu.memory_space<vmem>>, %arg7: memref<1000x128xf32, #tpu.memory_space<vmem>>, %arg8: memref<1000x128xf32, #tpu.memory_space<vmem>>, %arg9: memref<1000x128xf32, #tpu.memory_space<vmem>>, %arg10: memref<1000x128xf32, #tpu.memory_space<vmem>>, %arg11: memref<1000x128xf32, #tpu.memory_space<vmem>>, %arg12: memref<1000x1xf32, #tpu.memory_space<vmem>>, %arg13: memref<1000x1xf32, #tpu.memory_space<vmem>>, %arg14: memref<1000x1xf32, #tpu.memory_space<vmem>>, %arg15: memref<1000x1xf32, #tpu.memory_space<vmem>>, %arg16: memref<128x256xf32, #tpu.memory_space<vmem>>, %arg17: memref<128x256xf32, #tpu.memory_space<vmem>>, %arg18: memref<128x256xf32, #tpu.memory_space<vmem>>, %arg19: memref<128x256xf32, #tpu.memory_space<vmem>>, %arg20: memref<128x256xf32, #tpu.memory_space<vmem>>, %arg21: memref<128x256xf32, #tpu.memory_space<vmem>>, %arg22: memref<128x256xf32, #tpu.memory_space<vmem>>, %arg23: memref<128x256xf32, #tpu.memory_space<vmem>>, %arg24: memref<256x256xf32, #tpu.memory_space<vmem>>, %arg25: memref<256x256xf32, #tpu.memory_space<vmem>>, %arg26: memref<256x256xf32, #tpu.memory_space<vmem>>, %arg27: memref<256x256xf32, #tpu.memory_space<vmem>>, %arg28: memref<1x256xf32, #tpu.memory_space<vmem>>, %arg29: memref<1x256xf32, #tpu.memory_space<vmem>>, %arg30: memref<1x256xf32, #tpu.memory_space<vmem>>, %arg31: memref<1x256xf32, #tpu.memory_space<vmem>>, %arg32: memref<256x1xf32, #tpu.memory_space<vmem>>, %arg33: memref<1x1xf32, #tpu.memory_space<vmem>>, %arg34: memref<256x1xf32, #tpu.memory_space<vmem>>, %arg35: memref<1x1xf32, #tpu.memory_space<vmem>>, %arg36: memref<1000x256xf32, #tpu.memory_space<vmem>>, %arg37: memref<1000x1xf32, #tpu.memory_space<vmem>>, %arg38: memref<1000x1xf32, #tpu.memory_space<vmem>>) attributes {dimension_semantics = [#tpu.dimension_semantics<arbitrary>], iteration_bounds = array<i64: 10>, scalar_prefetch = 0 : i64, scratch_operands = 0 : i64, tpu.core_type = #tpu.core_type<tc>, window_params = [{transform_indices = @transform_0, window_bounds = array<i64: 1000, 256>}, {transform_indices = @transform_1, window_bounds = array<i64: 1000, 256>}, {transform_indices = @transform_2, window_bounds = array<i64: 1000, 256>}, {transform_indices = @transform_3, window_bounds = array<i64: 1000, 128>}, {transform_indices = @transform_4, window_bounds = array<i64: 1000, 128>}, {transform_indices = @transform_5, window_bounds = array<i64: 1000, 128>}, {transform_indices = @transform_6, window_bounds = array<i64: 1000, 128>}, {transform_indices = @transform_7, window_bounds = array<i64: 1000, 128>}, {transform_indices = @transform_8, window_bounds = array<i64: 1000, 128>}, {transform_indices = @transform_9, window_bounds = array<i64: 1000, 128>}, {transform_indices = @transform_10, window_bounds = array<i64: 1000, 128>}, {transform_indices = @transform_11, window_bounds = array<i64: 1000, 1>}, {transform_indices = @transform_12, window_bounds = array<i64: 1000, 1>}, {transform_indices = @transform_13, window_bounds = array<i64: 1000, 1>}, {transform_indices = @transform_14, window_bounds = array<i64: 1000, 1>}, {pipeline_mode = #tpu.pipeline_mode<synchronous>, transform_indices = @transform_15, window_bounds = array<i64: 128, 256>}, {pipeline_mode = #tpu.pipeline_mode<synchronous>, transform_indices = @transform_16, window_bounds = array<i64: 128, 256>}, {pipeline_mode = #tpu.pipeline_mode<synchronous>, transform_indices = @transform_17, window_bounds = array<i64: 128, 256>}, {pipeline_mode = #tpu.pipeline_mode<synchronous>, transform_indices = @transform_18, window_bounds = array<i64: 128, 256>}, {pipeline_mode = #tpu.pipeline_mode<synchronous>, transform_indices = @transform_19, window_bounds = array<i64: 128, 256>}, {pipeline_mode = #tpu.pipeline_mode<synchronous>, transform_indices = @transform_20, window_bounds = array<i64: 128, 256>}, {pipeline_mode = #tpu.pipeline_mode<synchronous>, transform_indices = @transform_21, window_bounds = array<i64: 128, 256>}, {pipeline_mode = #tpu.pipeline_mode<synchronous>, transform_indices = @transform_22, window_bounds = array<i64: 128, 256>}, {pipeline_mode = #tpu.pipeline_mode<synchronous>, transform_indices = @transform_23, window_bounds = array<i64: 256, 256>}, {pipeline_mode = #tpu.pipeline_mode<synchronous>, transform_indices = @transform_24, window_bounds = array<i64: 256, 256>}, {pipeline_mode = #tpu.pipeline_mode<synchronous>, transform_indices = @transform_25, window_bounds = array<i64: 256, 256>}, {pipeline_mode = #tpu.pipeline_mode<synchronous>, transform_indices = @transform_26, window_bounds = array<i64: 256, 256>}, {pipeline_mode = #tpu.pipeline_mode<synchronous>, transform_indices = @transform_27, window_bounds = array<i64: 1, 256>}, {pipeline_mode = #tpu.pipeline_mode<synchronous>, transform_indices = @transform_28, window_bounds = array<i64: 1, 256>}, {pipeline_mode = #tpu.pipeline_mode<synchronous>, transform_indices = @transform_29, window_bounds = array<i64: 1, 256>}, {pipeline_mode = #tpu.pipeline_mode<synchronous>, transform_indices = @transform_30, window_bounds = array<i64: 1, 256>}, {pipeline_mode = #tpu.pipeline_mode<synchronous>, transform_indices = @transform_31, window_bounds = array<i64: 256, 1>}, {pipeline_mode = #tpu.pipeline_mode<synchronous>, transform_indices = @transform_32, window_bounds = array<i64: 1, 1>}, {pipeline_mode = #tpu.pipeline_mode<synchronous>, transform_indices = @transform_33, window_bounds = array<i64: 256, 1>}, {pipeline_mode = #tpu.pipeline_mode<synchronous>, transform_indices = @transform_34, window_bounds = array<i64: 1, 1>}, {transform_indices = @transform_35, window_bounds = array<i64: 1000, 256>}, {transform_indices = @transform_36, window_bounds = array<i64: 1000, 1>}, {transform_indices = @transform_37, window_bounds = array<i64: 1000, 1>}]} {
    %get3A = arith.constant 0 : index
    %get3A_0 = arith.constant 0 : index
    %get3A_1 = vector.load %arg12[%get3A, %get3A_0] : memref<1000x1xf32, #tpu.memory_space<vmem>>, vector<1000x1xf32>
    %max3A = arith.constant 1.000000e+00 : f32
    %max3A_2 = vector.broadcast %max3A : f32 to vector<1000x1xf32>
    %max3A_3 = arith.maximumf %get3A_1, %max3A_2 : vector<1000x1xf32>
    %div3A = arith.constant 1.000000e+00 : f32
    %div3A_4 = vector.broadcast %div3A : f32 to vector<1000x1xf32>
    %div3A_5 = arith.divf %div3A_4, %max3A_3 : vector<1000x1xf32>
    %get3A_6 = arith.constant 0 : index
    %get3A_7 = arith.constant 0 : index
    %get3A_8 = vector.load %arg13[%get3A_6, %get3A_7] : memref<1000x1xf32, #tpu.memory_space<vmem>>, vector<1000x1xf32>
    %max3A_9 = arith.constant 1.000000e+00 : f32
    %max3A_10 = vector.broadcast %max3A_9 : f32 to vector<1000x1xf32>
    %max3A_11 = arith.maximumf %get3A_8, %max3A_10 : vector<1000x1xf32>
    %div3A_12 = arith.constant 1.000000e+00 : f32
    %div3A_13 = vector.broadcast %div3A_12 : f32 to vector<1000x1xf32>
    %div3A_14 = arith.divf %div3A_13, %max3A_11 : vector<1000x1xf32>
    %get3A_15 = arith.constant 0 : index
    %get3A_16 = arith.constant 0 : index
    %get3A_17 = vector.load %arg14[%get3A_15, %get3A_16] : memref<1000x1xf32, #tpu.memory_space<vmem>>, vector<1000x1xf32>
    %max3A_18 = arith.constant 1.000000e+00 : f32
    %max3A_19 = vector.broadcast %max3A_18 : f32 to vector<1000x1xf32>
    %max3A_20 = arith.maximumf %get3A_17, %max3A_19 : vector<1000x1xf32>
    %div3A_21 = arith.constant 1.000000e+00 : f32
    %div3A_22 = vector.broadcast %div3A_21 : f32 to vector<1000x1xf32>
    %div3A_23 = arith.divf %div3A_22, %max3A_20 : vector<1000x1xf32>
    %get3A_24 = arith.constant 0 : index
    %get3A_25 = arith.constant 0 : index
    %get3A_26 = vector.load %arg15[%get3A_24, %get3A_25] : memref<1000x1xf32, #tpu.memory_space<vmem>>, vector<1000x1xf32>
    %max3A_27 = arith.constant 1.000000e+00 : f32
    %max3A_28 = vector.broadcast %max3A_27 : f32 to vector<1000x1xf32>
    %max3A_29 = arith.maximumf %get3A_26, %max3A_28 : vector<1000x1xf32>
    %div3A_30 = arith.constant 1.000000e+00 : f32
    %div3A_31 = vector.broadcast %div3A_30 : f32 to vector<1000x1xf32>
    %div3A_32 = arith.divf %div3A_31, %max3A_29 : vector<1000x1xf32>
    %get3A_33 = arith.constant 0 : index
    %get3A_34 = arith.constant 0 : index
    %get3A_35 = vector.load %arg4[%get3A_33, %get3A_34] : memref<1000x128xf32, #tpu.memory_space<vmem>>, vector<1000x128xf32>
    %mul3A = vector.broadcast %div3A_5 : vector<1000x1xf32> to vector<1000x128xf32>
    %mul3A_36 = arith.mulf %get3A_35, %mul3A : vector<1000x128xf32>
    %get3A_37 = arith.constant 0 : index
    %get3A_38 = arith.constant 0 : index
    %get3A_39 = vector.load %arg16[%get3A_37, %get3A_38] : memref<128x256xf32, #tpu.memory_space<vmem>>, vector<128x256xf32>
    %dot_general3A = arith.constant dense<0.000000e+00> : vector<1000x256xf32>
    %dot_general3A_40 = tpu.matmul %mul3A_36, %get3A_39, %dot_general3A {dimension_numbers = #tpu.dot_dimension_numbers<[1], [0], [0], [1], [0, 0, 1, 1], [], []>, transpose_lhs_hint = false} : vector<1000x128xf32>, vector<128x256xf32>, vector<1000x256xf32> -> vector<1000x256xf32>
    %get3A_41 = arith.constant 0 : index
    %get3A_42 = arith.constant 0 : index
    %get3A_43 = vector.load %arg5[%get3A_41, %get3A_42] : memref<1000x128xf32, #tpu.memory_space<vmem>>, vector<1000x128xf32>
    %mul3A_44 = vector.broadcast %div3A_5 : vector<1000x1xf32> to vector<1000x128xf32>
    %mul3A_45 = arith.mulf %get3A_43, %mul3A_44 : vector<1000x128xf32>
    %get3A_46 = arith.constant 0 : index
    %get3A_47 = arith.constant 0 : index
    %get3A_48 = vector.load %arg17[%get3A_46, %get3A_47] : memref<128x256xf32, #tpu.memory_space<vmem>>, vector<128x256xf32>
    %dot_general3A_49 = arith.constant dense<0.000000e+00> : vector<1000x256xf32>
    %dot_general3A_50 = tpu.matmul %mul3A_45, %get3A_48, %dot_general3A_49 {dimension_numbers = #tpu.dot_dimension_numbers<[1], [0], [0], [1], [0, 0, 1, 1], [], []>, transpose_lhs_hint = false} : vector<1000x128xf32>, vector<128x256xf32>, vector<1000x256xf32> -> vector<1000x256xf32>
    %add3A = arith.addf %dot_general3A_40, %dot_general3A_50 : vector<1000x256xf32>
    %get3A_51 = arith.constant 0 : index
    %get3A_52 = arith.constant 0 : index
    %get3A_53 = vector.load %arg6[%get3A_51, %get3A_52] : memref<1000x128xf32, #tpu.memory_space<vmem>>, vector<1000x128xf32>
    %mul3A_54 = vector.broadcast %div3A_14 : vector<1000x1xf32> to vector<1000x128xf32>
    %mul3A_55 = arith.mulf %get3A_53, %mul3A_54 : vector<1000x128xf32>
    %get3A_56 = arith.constant 0 : index
    %get3A_57 = arith.constant 0 : index
    %get3A_58 = vector.load %arg18[%get3A_56, %get3A_57] : memref<128x256xf32, #tpu.memory_space<vmem>>, vector<128x256xf32>
    %dot_general3A_59 = arith.constant dense<0.000000e+00> : vector<1000x256xf32>
    %dot_general3A_60 = tpu.matmul %mul3A_55, %get3A_58, %dot_general3A_59 {dimension_numbers = #tpu.dot_dimension_numbers<[1], [0], [0], [1], [0, 0, 1, 1], [], []>, transpose_lhs_hint = false} : vector<1000x128xf32>, vector<128x256xf32>, vector<1000x256xf32> -> vector<1000x256xf32>
    %add3A_61 = arith.addf %add3A, %dot_general3A_60 : vector<1000x256xf32>
    %get3A_62 = arith.constant 0 : index
    %get3A_63 = arith.constant 0 : index
    %get3A_64 = vector.load %arg7[%get3A_62, %get3A_63] : memref<1000x128xf32, #tpu.memory_space<vmem>>, vector<1000x128xf32>
    %mul3A_65 = vector.broadcast %div3A_14 : vector<1000x1xf32> to vector<1000x128xf32>
    %mul3A_66 = arith.mulf %get3A_64, %mul3A_65 : vector<1000x128xf32>
    %get3A_67 = arith.constant 0 : index
    %get3A_68 = arith.constant 0 : index
    %get3A_69 = vector.load %arg19[%get3A_67, %get3A_68] : memref<128x256xf32, #tpu.memory_space<vmem>>, vector<128x256xf32>
    %dot_general3A_70 = arith.constant dense<0.000000e+00> : vector<1000x256xf32>
    %dot_general3A_71 = tpu.matmul %mul3A_66, %get3A_69, %dot_general3A_70 {dimension_numbers = #tpu.dot_dimension_numbers<[1], [0], [0], [1], [0, 0, 1, 1], [], []>, transpose_lhs_hint = false} : vector<1000x128xf32>, vector<128x256xf32>, vector<1000x256xf32> -> vector<1000x256xf32>
    %add3A_72 = arith.addf %add3A_61, %dot_general3A_71 : vector<1000x256xf32>
    %get3A_73 = arith.constant 0 : index
    %get3A_74 = arith.constant 0 : index
    %get3A_75 = vector.load %arg1[%get3A_73, %get3A_74] : memref<1000x256xf32, #tpu.memory_space<vmem>>, vector<1000x256xf32>
    %get3A_76 = arith.constant 0 : index
    %get3A_77 = arith.constant 0 : index
    %get3A_78 = vector.load %arg24[%get3A_76, %get3A_77] : memref<256x256xf32, #tpu.memory_space<vmem>>, vector<256x256xf32>
    %get3A_79 = arith.constant 0 : index
    %get3A_80 = arith.constant 0 : index
    %get3A_81 = vector.load %arg25[%get3A_79, %get3A_80] : memref<256x256xf32, #tpu.memory_space<vmem>>, vector<256x256xf32>
    %add3A_82 = arith.addf %get3A_78, %get3A_81 : vector<256x256xf32>
    %dot_general3A_83 = arith.constant dense<0.000000e+00> : vector<1000x256xf32>
    %dot_general3A_84 = tpu.matmul %get3A_75, %add3A_82, %dot_general3A_83 {dimension_numbers = #tpu.dot_dimension_numbers<[1], [0], [0], [1], [0, 0, 1, 1], [], []>, transpose_lhs_hint = false} : vector<1000x256xf32>, vector<256x256xf32>, vector<1000x256xf32> -> vector<1000x256xf32>
    %add3A_85 = arith.addf %add3A_72, %dot_general3A_84 : vector<1000x256xf32>
    %get3A_86 = arith.constant 0 : index
    %get3A_87 = arith.constant 0 : index
    %get3A_88 = vector.load %arg28[%get3A_86, %get3A_87] : memref<1x256xf32, #tpu.memory_space<vmem>>, vector<1x256xf32>
    %add3A_89 = vector.broadcast %get3A_88 : vector<1x256xf32> to vector<1000x256xf32>
    %add3A_90 = arith.addf %add3A_85, %add3A_89 : vector<1000x256xf32>
    %get3A_91 = arith.constant 0 : index
    %get3A_92 = arith.constant 0 : index
    %get3A_93 = vector.load %arg29[%get3A_91, %get3A_92] : memref<1x256xf32, #tpu.memory_space<vmem>>, vector<1x256xf32>
    %add3A_94 = vector.broadcast %get3A_93 : vector<1x256xf32> to vector<1000x256xf32>
    %add3A_95 = arith.addf %add3A_90, %add3A_94 : vector<1000x256xf32>
    %max3A_96 = arith.constant 0.000000e+00 : f32
    %max3A_97 = vector.broadcast %max3A_96 : f32 to vector<1000x256xf32>
    %max3A_98 = arith.maximumf %add3A_95, %max3A_97 : vector<1000x256xf32>
    %swap3A = arith.constant 0 : index
    %swap3A_99 = arith.constant 0 : index
    %swap3A_100 = vector.load %arg36[%swap3A, %swap3A_99] : memref<1000x256xf32, #tpu.memory_space<vmem>>, vector<1000x256xf32>
    tpu.vector_store %arg36[%swap3A, %swap3A_99], %max3A_98 {strides = array<i32>} : memref<1000x256xf32, #tpu.memory_space<vmem>>, vector<1000x256xf32>,
    %get3A_101 = arith.constant 0 : index
    %get3A_102 = arith.constant 0 : index
    %get3A_103 = vector.load %arg8[%get3A_101, %get3A_102] : memref<1000x128xf32, #tpu.memory_space<vmem>>, vector<1000x128xf32>
    %mul3A_104 = vector.broadcast %div3A_23 : vector<1000x1xf32> to vector<1000x128xf32>
    %mul3A_105 = arith.mulf %get3A_103, %mul3A_104 : vector<1000x128xf32>
    %get3A_106 = arith.constant 0 : index
    %get3A_107 = arith.constant 0 : index
    %get3A_108 = vector.load %arg20[%get3A_106, %get3A_107] : memref<128x256xf32, #tpu.memory_space<vmem>>, vector<128x256xf32>
    %dot_general3A_109 = arith.constant dense<0.000000e+00> : vector<1000x256xf32>
    %dot_general3A_110 = tpu.matmul %mul3A_105, %get3A_108, %dot_general3A_109 {dimension_numbers = #tpu.dot_dimension_numbers<[1], [0], [0], [1], [0, 0, 1, 1], [], []>, transpose_lhs_hint = false} : vector<1000x128xf32>, vector<128x256xf32>, vector<1000x256xf32> -> vector<1000x256xf32>
    %get3A_111 = arith.constant 0 : index
    %get3A_112 = arith.constant 0 : index
    %get3A_113 = vector.load %arg9[%get3A_111, %get3A_112] : memref<1000x128xf32, #tpu.memory_space<vmem>>, vector<1000x128xf32>
    %mul3A_114 = vector.broadcast %div3A_23 : vector<1000x1xf32> to vector<1000x128xf32>
    %mul3A_115 = arith.mulf %get3A_113, %mul3A_114 : vector<1000x128xf32>
    %get3A_116 = arith.constant 0 : index
    %get3A_117 = arith.constant 0 : index
    %get3A_118 = vector.load %arg21[%get3A_116, %get3A_117] : memref<128x256xf32, #tpu.memory_space<vmem>>, vector<128x256xf32>
    %dot_general3A_119 = arith.constant dense<0.000000e+00> : vector<1000x256xf32>
    %dot_general3A_120 = tpu.matmul %mul3A_115, %get3A_118, %dot_general3A_119 {dimension_numbers = #tpu.dot_dimension_numbers<[1], [0], [0], [1], [0, 0, 1, 1], [], []>, transpose_lhs_hint = false} : vector<1000x128xf32>, vector<128x256xf32>, vector<1000x256xf32> -> vector<1000x256xf32>
    %add3A_121 = arith.addf %dot_general3A_110, %dot_general3A_120 : vector<1000x256xf32>
    %get3A_122 = arith.constant 0 : index
    %get3A_123 = arith.constant 0 : index
    %get3A_124 = vector.load %arg2[%get3A_122, %get3A_123] : memref<1000x256xf32, #tpu.memory_space<vmem>>, vector<1000x256xf32>
    %get3A_125 = arith.constant 0 : index
    %get3A_126 = arith.constant 0 : index
    %get3A_127 = vector.load %arg26[%get3A_125, %get3A_126] : memref<256x256xf32, #tpu.memory_space<vmem>>, vector<256x256xf32>
    %dot_general3A_128 = arith.constant dense<0.000000e+00> : vector<1000x256xf32>
    %dot_general3A_129 = tpu.matmul %get3A_124, %get3A_127, %dot_general3A_128 {dimension_numbers = #tpu.dot_dimension_numbers<[1], [0], [0], [1], [0, 0, 1, 1], [], []>, transpose_lhs_hint = false} : vector<1000x256xf32>, vector<256x256xf32>, vector<1000x256xf32> -> vector<1000x256xf32>
    %add3A_130 = arith.addf %add3A_121, %dot_general3A_129 : vector<1000x256xf32>
    %get3A_131 = arith.constant 0 : index
    %get3A_132 = arith.constant 0 : index
    %get3A_133 = vector.load %arg30[%get3A_131, %get3A_132] : memref<1x256xf32, #tpu.memory_space<vmem>>, vector<1x256xf32>
    %add3A_134 = vector.broadcast %get3A_133 : vector<1x256xf32> to vector<1000x256xf32>
    %add3A_135 = arith.addf %add3A_130, %add3A_134 : vector<1000x256xf32>
    %max3A_136 = arith.constant 0.000000e+00 : f32
    %max3A_137 = vector.broadcast %max3A_136 : f32 to vector<1000x256xf32>
    %max3A_138 = arith.maximumf %add3A_135, %max3A_137 : vector<1000x256xf32>
    %get3A_139 = arith.constant 0 : index
    %get3A_140 = arith.constant 0 : index
    %get3A_141 = vector.load %arg32[%get3A_139, %get3A_140] : memref<256x1xf32, #tpu.memory_space<vmem>>, vector<256x1xf32>
    %dot_general3A_142 = arith.constant dense<0.000000e+00> : vector<1000x1xf32>
    %dot_general3A_143 = tpu.matmul %max3A_138, %get3A_141, %dot_general3A_142 {dimension_numbers = #tpu.dot_dimension_numbers<[1], [0], [0], [1], [0, 0, 1, 1], [], []>, transpose_lhs_hint = false} : vector<1000x256xf32>, vector<256x1xf32>, vector<1000x1xf32> -> vector<1000x1xf32>
    %get3A_144 = arith.constant 0 : index
    %get3A_145 = arith.constant 0 : index
    %get3A_146 = vector.load %arg33[%get3A_144, %get3A_145] : memref<1x1xf32, #tpu.memory_space<vmem>>, vector<1x1xf32>
    %add3A_147 = vector.broadcast %get3A_146 : vector<1x1xf32> to vector<1000x1xf32>
    %add3A_148 = arith.addf %dot_general3A_143, %add3A_147 : vector<1000x1xf32>
    %swap3A_149 = arith.constant 0 : index
    %swap3A_150 = arith.constant 0 : index
    %swap3A_151 = vector.load %arg37[%swap3A_149, %swap3A_150] : memref<1000x1xf32, #tpu.memory_space<vmem>>, vector<1000x1xf32>
    tpu.vector_store %arg37[%swap3A_149, %swap3A_150], %add3A_148 {strides = array<i32>} : memref<1000x1xf32, #tpu.memory_space<vmem>>, vector<1000x1xf32>,
    %get3A_152 = arith.constant 0 : index
    %get3A_153 = arith.constant 0 : index
    %get3A_154 = vector.load %arg10[%get3A_152, %get3A_153] : memref<1000x128xf32, #tpu.memory_space<vmem>>, vector<1000x128xf32>
    %mul3A_155 = vector.broadcast %div3A_32 : vector<1000x1xf32> to vector<1000x128xf32>
    %mul3A_156 = arith.mulf %get3A_154, %mul3A_155 : vector<1000x128xf32>
    %get3A_157 = arith.constant 0 : index
    %get3A_158 = arith.constant 0 : index
    %get3A_159 = vector.load %arg22[%get3A_157, %get3A_158] : memref<128x256xf32, #tpu.memory_space<vmem>>, vector<128x256xf32>
    %dot_general3A_160 = arith.constant dense<0.000000e+00> : vector<1000x256xf32>
    %dot_general3A_161 = tpu.matmul %mul3A_156, %get3A_159, %dot_general3A_160 {dimension_numbers = #tpu.dot_dimension_numbers<[1], [0], [0], [1], [0, 0, 1, 1], [], []>, transpose_lhs_hint = false} : vector<1000x128xf32>, vector<128x256xf32>, vector<1000x256xf32> -> vector<1000x256xf32>
    %get3A_162 = arith.constant 0 : index
    %get3A_163 = arith.constant 0 : index
    %get3A_164 = vector.load %arg11[%get3A_162, %get3A_163] : memref<1000x128xf32, #tpu.memory_space<vmem>>, vector<1000x128xf32>
    %mul3A_165 = vector.broadcast %div3A_32 : vector<1000x1xf32> to vector<1000x128xf32>
    %mul3A_166 = arith.mulf %get3A_164, %mul3A_165 : vector<1000x128xf32>
    %get3A_167 = arith.constant 0 : index
    %get3A_168 = arith.constant 0 : index
    %get3A_169 = vector.load %arg23[%get3A_167, %get3A_168] : memref<128x256xf32, #tpu.memory_space<vmem>>, vector<128x256xf32>
    %dot_general3A_170 = arith.constant dense<0.000000e+00> : vector<1000x256xf32>
    %dot_general3A_171 = tpu.matmul %mul3A_166, %get3A_169, %dot_general3A_170 {dimension_numbers = #tpu.dot_dimension_numbers<[1], [0], [0], [1], [0, 0, 1, 1], [], []>, transpose_lhs_hint = false} : vector<1000x128xf32>, vector<128x256xf32>, vector<1000x256xf32> -> vector<1000x256xf32>
    %add3A_172 = arith.addf %dot_general3A_161, %dot_general3A_171 : vector<1000x256xf32>
    %get3A_173 = arith.constant 0 : index
    %get3A_174 = arith.constant 0 : index
    %get3A_175 = vector.load %arg3[%get3A_173, %get3A_174] : memref<1000x256xf32, #tpu.memory_space<vmem>>, vector<1000x256xf32>
    %get3A_176 = arith.constant 0 : index
    %get3A_177 = arith.constant 0 : index
    %get3A_178 = vector.load %arg27[%get3A_176, %get3A_177] : memref<256x256xf32, #tpu.memory_space<vmem>>, vector<256x256xf32>
    %dot_general3A_179 = arith.constant dense<0.000000e+00> : vector<1000x256xf32>
    %dot_general3A_180 = tpu.matmul %get3A_175, %get3A_178, %dot_general3A_179 {dimension_numbers = #tpu.dot_dimension_numbers<[1], [0], [0], [1], [0, 0, 1, 1], [], []>, transpose_lhs_hint = false} : vector<1000x256xf32>, vector<256x256xf32>, vector<1000x256xf32> -> vector<1000x256xf32>
    %add3A_181 = arith.addf %add3A_172, %dot_general3A_180 : vector<1000x256xf32>
    %get3A_182 = arith.constant 0 : index
    %get3A_183 = arith.constant 0 : index
    %get3A_184 = vector.load %arg31[%get3A_182, %get3A_183] : memref<1x256xf32, #tpu.memory_space<vmem>>, vector<1x256xf32>
    %add3A_185 = vector.broadcast %get3A_184 : vector<1x256xf32> to vector<1000x256xf32>
    %add3A_186 = arith.addf %add3A_181, %add3A_185 : vector<1000x256xf32>
    %max3A_187 = arith.constant 0.000000e+00 : f32
    %max3A_188 = vector.broadcast %max3A_187 : f32 to vector<1000x256xf32>
    %max3A_189 = arith.maximumf %add3A_186, %max3A_188 : vector<1000x256xf32>
    %get3A_190 = arith.constant 0 : index
    %get3A_191 = arith.constant 0 : index
    %get3A_192 = vector.load %arg34[%get3A_190, %get3A_191] : memref<256x1xf32, #tpu.memory_space<vmem>>, vector<256x1xf32>
    %dot_general3A_193 = arith.constant dense<0.000000e+00> : vector<1000x1xf32>
    %dot_general3A_194 = tpu.matmul %max3A_189, %get3A_192, %dot_general3A_193 {dimension_numbers = #tpu.dot_dimension_numbers<[1], [0], [0], [1], [0, 0, 1, 1], [], []>, transpose_lhs_hint = false} : vector<1000x256xf32>, vector<256x1xf32>, vector<1000x1xf32> -> vector<1000x1xf32>
    %get3A_195 = arith.constant 0 : index
    %get3A_196 = arith.constant 0 : index
    %get3A_197 = vector.load %arg35[%get3A_195, %get3A_196] : memref<1x1xf32, #tpu.memory_space<vmem>>, vector<1x1xf32>
    %add3A_198 = vector.broadcast %get3A_197 : vector<1x1xf32> to vector<1000x1xf32>
    %add3A_199 = arith.addf %dot_general3A_194, %add3A_198 : vector<1000x1xf32>
    %swap3A_200 = arith.constant 0 : index
    %swap3A_201 = arith.constant 0 : index
    %swap3A_202 = vector.load %arg38[%swap3A_200, %swap3A_201] : memref<1000x1xf32, #tpu.memory_space<vmem>>, vector<1000x1xf32>
    tpu.vector_store %arg38[%swap3A_200, %swap3A_201], %add3A_199 {strides = array<i32>} : memref<1000x1xf32, #tpu.memory_space<vmem>>, vector<1000x1xf32>,
    return
  }
  func.func @transform_0(%arg0: i32) -> (i32, i32) {
    %c0_i32 = arith.constant 0 : i32
    %c0_i32_0 = arith.constant 0 : i32
    return %arg0, %c0_i32 : i32, i32
  }
  func.func @transform_1(%arg0: i32) -> (i32, i32) {
    %c0_i32 = arith.constant 0 : i32
    %c0_i32_0 = arith.constant 0 : i32
    return %arg0, %c0_i32 : i32, i32
  }
  func.func @transform_2(%arg0: i32) -> (i32, i32) {
    %c0_i32 = arith.constant 0 : i32
    %c0_i32_0 = arith.constant 0 : i32
    return %arg0, %c0_i32 : i32, i32
  }
  func.func @transform_3(%arg0: i32) -> (i32, i32) {
    %c0_i32 = arith.constant 0 : i32
    %c0_i32_0 = arith.constant 0 : i32
    return %arg0, %c0_i32 : i32, i32
  }
  func.func @transform_4(%arg0: i32) -> (i32, i32) {
    %add3A = arith.constant 10 : i32
    %add3A_0 = arith.addi %arg0, %add3A : i32
    %c0_i32 = arith.constant 0 : i32
    %c0_i32_1 = arith.constant 0 : i32
    return %add3A_0, %c0_i32 : i32, i32
  }
  func.func @transform_5(%arg0: i32) -> (i32, i32) {
    %c0_i32 = arith.constant 0 : i32
    %c0_i32_0 = arith.constant 0 : i32
    return %arg0, %c0_i32 : i32, i32
  }
  func.func @transform_6(%arg0: i32) -> (i32, i32) {
    %add3A = arith.constant 10 : i32
    %add3A_0 = arith.addi %arg0, %add3A : i32
    %c0_i32 = arith.constant 0 : i32
    %c0_i32_1 = arith.constant 0 : i32
    return %add3A_0, %c0_i32 : i32, i32
  }
  func.func @transform_7(%arg0: i32) -> (i32, i32) {
    %c0_i32 = arith.constant 0 : i32
    %c0_i32_0 = arith.constant 0 : i32
    return %arg0, %c0_i32 : i32, i32
  }
  func.func @transform_8(%arg0: i32) -> (i32, i32) {
    %add3A = arith.constant 10 : i32
    %add3A_0 = arith.addi %arg0, %add3A : i32
    %c0_i32 = arith.constant 0 : i32
    %c0_i32_1 = arith.constant 0 : i32
    return %add3A_0, %c0_i32 : i32, i32
  }
  func.func @transform_9(%arg0: i32) -> (i32, i32) {
    %c0_i32 = arith.constant 0 : i32
    %c0_i32_0 = arith.constant 0 : i32
    return %arg0, %c0_i32 : i32, i32
  }
  func.func @transform_10(%arg0: i32) -> (i32, i32) {
    %add3A = arith.constant 10 : i32
    %add3A_0 = arith.addi %arg0, %add3A : i32
    %c0_i32 = arith.constant 0 : i32
    %c0_i32_1 = arith.constant 0 : i32
    return %add3A_0, %c0_i32 : i32, i32
  }
  func.func @transform_11(%arg0: i32) -> (i32, i32) {
    %c0_i32 = arith.constant 0 : i32
    %c0_i32_0 = arith.constant 0 : i32
    return %arg0, %c0_i32 : i32, i32
  }
  func.func @transform_12(%arg0: i32) -> (i32, i32) {
    %c0_i32 = arith.constant 0 : i32
    %c0_i32_0 = arith.constant 0 : i32
    return %arg0, %c0_i32 : i32, i32
  }
  func.func @transform_13(%arg0: i32) -> (i32, i32) {
    %c0_i32 = arith.constant 0 : i32
    %c0_i32_0 = arith.constant 0 : i32
    return %arg0, %c0_i32 : i32, i32
  }
  func.func @transform_14(%arg0: i32) -> (i32, i32) {
    %c0_i32 = arith.constant 0 : i32
    %c0_i32_0 = arith.constant 0 : i32
    return %arg0, %c0_i32 : i32, i32
  }
  func.func @transform_15(%arg0: i32) -> (i32, i32) {
    %c0_i32 = arith.constant 0 : i32
    %c0_i32_0 = arith.constant 0 : i32
    %c0_i32_1 = arith.constant 0 : i32
    return %c0_i32, %c0_i32_0 : i32, i32
  }
  func.func @transform_16(%arg0: i32) -> (i32, i32) {
    %c0_i32 = arith.constant 0 : i32
    %c0_i32_0 = arith.constant 0 : i32
    %c0_i32_1 = arith.constant 0 : i32
    return %c0_i32, %c0_i32_0 : i32, i32
  }
  func.func @transform_17(%arg0: i32) -> (i32, i32) {
    %c0_i32 = arith.constant 0 : i32
    %c0_i32_0 = arith.constant 0 : i32
    %c0_i32_1 = arith.constant 0 : i32
    return %c0_i32, %c0_i32_0 : i32, i32
  }
  func.func @transform_18(%arg0: i32) -> (i32, i32) {
    %c0_i32 = arith.constant 0 : i32
    %c0_i32_0 = arith.constant 0 : i32
    %c0_i32_1 = arith.constant 0 : i32
    return %c0_i32, %c0_i32_0 : i32, i32
  }
  func.func @transform_19(%arg0: i32) -> (i32, i32) {
    %c0_i32 = arith.constant 0 : i32
    %c0_i32_0 = arith.constant 0 : i32
    %c0_i32_1 = arith.constant 0 : i32
    return %c0_i32, %c0_i32_0 : i32, i32
  }
  func.func @transform_20(%arg0: i32) -> (i32, i32) {
    %c0_i32 = arith.constant 0 : i32
    %c0_i32_0 = arith.constant 0 : i32
    %c0_i32_1 = arith.constant 0 : i32
    return %c0_i32, %c0_i32_0 : i32, i32
  }
  func.func @transform_21(%arg0: i32) -> (i32, i32) {
    %c0_i32 = arith.constant 0 : i32
    %c0_i32_0 = arith.constant 0 : i32
    %c0_i32_1 = arith.constant 0 : i32
    return %c0_i32, %c0_i32_0 : i32, i32
  }
  func.func @transform_22(%arg0: i32) -> (i32, i32) {
    %c0_i32 = arith.constant 0 : i32
    %c0_i32_0 = arith.constant 0 : i32
    %c0_i32_1 = arith.constant 0 : i32
    return %c0_i32, %c0_i32_0 : i32, i32
  }
  func.func @transform_23(%arg0: i32) -> (i32, i32) {
    %c0_i32 = arith.constant 0 : i32
    %c0_i32_0 = arith.constant 0 : i32
    %c0_i32_1 = arith.constant 0 : i32
    return %c0_i32, %c0_i32_0 : i32, i32
  }
  func.func @transform_24(%arg0: i32) -> (i32, i32) {
    %c0_i32 = arith.constant 0 : i32
    %c0_i32_0 = arith.constant 0 : i32
    %c0_i32_1 = arith.constant 0 : i32
    return %c0_i32, %c0_i32_0 : i32, i32
  }
  func.func @transform_25(%arg0: i32) -> (i32, i32) {
    %c0_i32 = arith.constant 0 : i32
    %c0_i32_0 = arith.constant 0 : i32
    %c0_i32_1 = arith.constant 0 : i32
    return %c0_i32, %c0_i32_0 : i32, i32
  }
  func.func @transform_26(%arg0: i32) -> (i32, i32) {
    %c0_i32 = arith.constant 0 : i32
    %c0_i32_0 = arith.constant 0 : i32
    %c0_i32_1 = arith.constant 0 : i32
    return %c0_i32, %c0_i32_0 : i32, i32
  }
  func.func @transform_27(%arg0: i32) -> (i32, i32) {
    %c0_i32 = arith.constant 0 : i32
    %c0_i32_0 = arith.constant 0 : i32
    %c0_i32_1 = arith.constant 0 : i32
    return %c0_i32, %c0_i32_0 : i32, i32
  }
  func.func @transform_28(%arg0: i32) -> (i32, i32) {
    %c0_i32 = arith.constant 0 : i32
    %c0_i32_0 = arith.constant 0 : i32
    %c0_i32_1 = arith.constant 0 : i32
    return %c0_i32, %c0_i32_0 : i32, i32
  }
  func.func @transform_29(%arg0: i32) -> (i32, i32) {
    %c0_i32 = arith.constant 0 : i32
    %c0_i32_0 = arith.constant 0 : i32
    %c0_i32_1 = arith.constant 0 : i32
    return %c0_i32, %c0_i32_0 : i32, i32
  }
  func.func @transform_30(%arg0: i32) -> (i32, i32) {
    %c0_i32 = arith.constant 0 : i32
    %c0_i32_0 = arith.constant 0 : i32
    %c0_i32_1 = arith.constant 0 : i32
    return %c0_i32, %c0_i32_0 : i32, i32
  }
  func.func @transform_31(%arg0: i32) -> (i32, i32) {
    %c0_i32 = arith.constant 0 : i32
    %c0_i32_0 = arith.constant 0 : i32
    %c0_i32_1 = arith.constant 0 : i32
    return %c0_i32, %c0_i32_0 : i32, i32
  }
  func.func @transform_32(%arg0: i32) -> (i32, i32) {
    %c0_i32 = arith.constant 0 : i32
    %c0_i32_0 = arith.constant 0 : i32
    %c0_i32_1 = arith.constant 0 : i32
    return %c0_i32, %c0_i32_0 : i32, i32
  }
  func.func @transform_33(%arg0: i32) -> (i32, i32) {
    %c0_i32 = arith.constant 0 : i32
    %c0_i32_0 = arith.constant 0 : i32
    %c0_i32_1 = arith.constant 0 : i32
    return %c0_i32, %c0_i32_0 : i32, i32
  }
  func.func @transform_34(%arg0: i32) -> (i32, i32) {
    %c0_i32 = arith.constant 0 : i32
    %c0_i32_0 = arith.constant 0 : i32
    %c0_i32_1 = arith.constant 0 : i32
    return %c0_i32, %c0_i32_0 : i32, i32
  }
  func.func @transform_35(%arg0: i32) -> (i32, i32) {
    %c0_i32 = arith.constant 0 : i32
    %c0_i32_0 = arith.constant 0 : i32
    return %arg0, %c0_i32 : i32, i32
  }
  func.func @transform_36(%arg0: i32) -> (i32, i32) {
    %c0_i32 = arith.constant 0 : i32
    %c0_i32_0 = arith.constant 0 : i32
    return %arg0, %c0_i32 : i32, i32
  }
  func.func @transform_37(%arg0: i32) -> (i32, i32) {
    %c0_i32 = arith.constant 0 : i32
    %c0_i32_0 = arith.constant 0 : i32
    return %arg0, %c0_i32 : i32, i32
  }
}

</mosaic_0001>

<sc_bundles>
// kernel: kernel.4.cloned.1.call-start
scs
__scs_entry_jumppad:
0x0: {  	(pc) =	sbr.rel $0x88, $3  }
0x1: {  	(tag) =	ssettag $0x0;
	lr =	simm.s32 $0x1  }
0x2: {  	[smem:$0x3F8A] =	sst lr;
	_ =	strace $0xD0000000  }
0x3: {  	_ = 	snop  }
0x4: {  	_ = 	snop  }
0x5: {  	_ = 	snop  }
0x6: {  	_ = 	snop  }
0x7: {  	_ = 	snop  }
__scs_overlays_trampoline_lowered:
0x8: {  	[smem:$0x3F99] =	sst s0  }
0x9: {  	[smem:$0x3F9A] =	sst s1  }
0xa: {  	[smem:$0x3F9B] =	sst s2  }
0xb: {  	[smem:$0x3F9C] =	sst s3  }
0xc: {  	[smem:$0x3F9D] =	sst s4  }
0xd: {  	[smem:$0x3F9E] =	sst s5  }
0xe: {  	[smem:$0x3F9F] =	sst s6  }
0xf: {  	[smem:$0x3FA0] =	sst s7  }
0x10: {  	[smem:$0x3FA1] =	sst s8  }
0x11: {  	[smem:$0x3FA2] =	sst s9;
	s0 =	simm.s32 @!p0 $0x0  }
0x12: {  	s1 =	sld [smem:$0x3F88];
	s0 =	simm.s32 @p0 $0x1  }
0x13: {  	[smem:$0x3FA3] =	sst s0;
	s0 =	simm.s32 @!p1 $0x0  }
0x14: {  	s2 =	sld [smem:$0x3F87];
	s0 =	simm.s32 @p1 $0x1  }
0x15: {  	[smem:$0x3FA4] =	sst s0;
	s0 =	simm.s32 @!p2 $0x0  }
0x16: {  	s3 =	sld [smem:$0x3FDB];
	s0 =	simm.s32 @p2 $0x1  }
0x17: {  	s4 =	simm.s32 $0x1BF5;
	[smem:$0x3FA6] =	sst s0  }
0x18: {  	s0 =	sld [smem:$0x3F89];
	_ =	swait.ge [sflag:s4], $0x0  }
0x19: {  	s7 =	sld [smem:$0x3F8A]  }
0x1a: {  	s8 =	sadd.s32 $0xFFFFE003, lr  }
0x1b: {  	s9 =	sadd.s32 $0xFFFFFEF7, lr;
	s5 =	simm.s32 $0xFFFFFFFF;
	p2 =	slt.u32 s8, $0xFFFFF086  }
0x1c: {  	p1 =	slt.u32 s9, $0xF7A;
	s5 =	simm.s32 @!p2 $0x0  }
0x1d: {  	s5 =	simm.s32 @p1 $0x1;
	p0 =	seq.s32 s7, s2  }
0x1e: {  	s7 =	smul.u32 @!p0 $0xF7A, s2;
	p2 =	seq.s32 @!p0 s5, $0x0  }
0x1f: {  	s9 =	smul.u32 $0xF7A, s1;
	s8 =	simm.s32 @!p0 $0x1BF5;
	p2 =	por !p2, p0  }
0x20: {  	[sflag:s8] =	ssyncset.s32 @!p0 $0xFFFFF086;
	s6 =	sadd.s32 @!p0 s3, s7;
	s7 =	simm.s32 @!p0 $0x108  }
0x21: {  	s3 =	sadd.s32 s3, s9;
	s6 =	sadd.s32 @!p0 $0x88, s6;
	s7 =	simm.s32 @p2 $0x1082  }
0x22: {  	[simem:s7], [sflag:s8] =	dma.local @!p0 [hbm:s6], $0xF7A  }
0x23: {  	s9 =	sor.u32 $0xD0000000, s2;
	s6 =	simm.s32 $0x108;
	_ =	swait.ge @!p0 [sflag:s8], $0x0  }
0x24: {  	s3 =	sadd.s32 $0x88, s3;
	s6 =	simm.s32 @!p1 $0x1082;
	[sflag:s4] =	ssyncset.s32 $0xFFFFF086  }
0x25: {  	[simem:s6], [sflag:s4] =	dma.local [hbm:s3], $0xF7A  }
0x26: {  	[smem:$0x3F8A] =	sst s1;
	(tag) =	ssettag s2;
	_ =	strace s9  }
0x27: {  	s1 =	sld [smem:$0x3F9A]  }
0x28: {  	s2 =	sld [smem:$0x3F9B]  }
0x29: {  	s4 =	sld [smem:$0x3F9D]  }
0x2a: {  	p0 =	seq.s32 s5, $0x0;
	s5 =	sld [smem:$0x3F9E]  }
0x2b: {  	s6 =	sld [smem:$0x3F9F]  }
0x2c: {  	s7 =	sld [smem:$0x3FA0]  }
0x2d: {  	s3 =	simm.s32 $0x108;
	s8 =	sld [smem:$0x3FA1]  }
0x2e: {  	s3 =	simm.s32 @!p0 $0x1082;
	s9 =	sld [smem:$0x3FA2]  }
0x2f: {  	lr =	sadd.s32 s0, s3;
	s0 =	sld [smem:$0x3F99]  }
0x30: {  	s3 =	sld [smem:$0x3F9C]  }
0x31: {  	[smem:$0x3FA5] =	sst s10  }
0x32: {  	s10 =	sld [smem:$0x3FA3];
	_ =	sdelay $0x3  }
0x33: {  	p0 =	seq.s32 s10, $0x1;
	s10 =	sld [smem:$0x3FA5];
	_ =	sdelay $0x3  }
0x34: {  	[smem:$0x3FA5] =	sst s10  }
0x35: {  	s10 =	sld [smem:$0x3FA4];
	_ =	sdelay $0x3  }
0x36: {  	p1 =	seq.s32 s10, $0x1;
	s10 =	sld [smem:$0x3FA5];
	_ =	sdelay $0x3  }
0x37: {  	[smem:$0x3FA5] =	sst s10  }
0x38: {  	s10 =	sld [smem:$0x3FA6]  }
0x39: {  	_ = 	snop;
	(pc) =	sbr.ind lr, $3  }
0x3a: {  	_ = 	snop  }
0x3b: {  	_ = 	snop  }
0x3c: {  	p2 =	seq.s32 s10, $0x1;
	s10 =	sld [smem:$0x3FA5]  }
0x3d: {  	_ =	shalt  }
0x3e: {  	_ =	shalt  }
0x3f: {  	_ =	shalt  }
0x40: {  	_ =	shalt  }
0x41: {  	_ =	shalt  }
0x42: {  	_ =	shalt  }
0x43: {  	_ =	shalt  }
0x44: {  	_ =	shalt  }
0x45: {  	_ =	shalt  }
0x46: {  	_ =	shalt  }
0x47: {  	_ =	shalt  }
0x48: {  	_ =	shalt  }
0x49: {  	_ =	shalt  }
0x4a: {  	_ =	shalt  }
0x4b: {  	_ =	shalt  }
0x4c: {  	_ =	shalt  }
0x4d: {  	_ =	shalt  }
0x4e: {  	_ =	shalt  }
0x4f: {  	_ =	shalt  }
0x50: {  	_ =	shalt  }
0x51: {  	_ =	shalt  }
0x52: {  	_ =	shalt  }
0x53: {  	_ =	shalt  }
0x54: {  	_ =	shalt  }
0x55: {  	_ =	shalt  }
0x56: {  	_ =	shalt  }
0x57: {  	_ =	shalt  }
0x58: {  	_ =	shalt  }
0x59: {  	_ =	shalt  }
0x5a: {  	_ =	shalt  }
0x5b: {  	_ =	shalt  }
0x5c: {  	_ =	shalt  }
0x5d: {  	_ =	shalt  }
0x5e: {  	_ =	shalt  }
0x5f: {  	_ =	shalt  }
0x60: {  	_ =	shalt  }
0x61: {  	_ =	shalt  }
0x62: {  	_ =	shalt  }
0x63: {  	_ =	shalt  }
0x64: {  	_ =	shalt  }
0x65: {  	_ =	shalt  }
0x66: {  	_ =	shalt  }
0x67: {  	_ =	shalt  }
0x68: {  	_ =	shalt  }
0x69: {  	_ =	shalt  }
0x6a: {  	_ =	shalt  }
0x6b: {  	_ =	shalt  }
0x6c: {  	_ =	shalt  }
0x6d: {  	_ =	shalt  }
0x6e: {  	_ =	shalt  }
0x6f: {  	_ =	shalt  }
0x70: {  	_ =	shalt  }
0x71: {  	_ =	shalt  }
0x72: {  	_ =	shalt  }
0x73: {  	_ =	shalt  }
0x74: {  	_ =	shalt  }
0x75: {  	_ =	shalt  }
0x76: {  	_ =	shalt  }
0x77: {  	_ =	shalt  }
0x78: {  	_ =	shalt  }
0x79: {  	_ =	shalt  }
0x7a: {  	_ =	shalt  }
0x7b: {  	_ =	shalt  }
0x7c: {  	_ =	shalt  }
0x7d: {  	_ =	shalt  }
0x7e: {  	_ =	shalt  }
0x7f: {  	_ =	shalt  }
0x80: {  	_ =	shalt  }
0x81: {  	_ =	shalt  }
0x82: {  	_ =	shalt  }
0x83: {  	_ =	shalt  }
0x84: {  	_ =	shalt  }
0x85: {  	_ =	shalt  }
0x86: {  	_ =	shalt  }
0x87: {  	_ =	shalt  }
.Lfunc_end0:
.L_simem_size_0:
called_computation_lowered:
.L_overlay_start_0:
0x88: {  	s2 =	sld [smem:$0x3FD9]  }
0x89: {  	s3 =	sld [smem:$0x3FFE];
	_ =	sdelay $0x1  }
0x8a: {  	s1 =	srdreg.scid  }
0x8b: {  	s0 =	sand.u32 $0x1, s1  }
0x8c: {  	s14 =	sshll.u32 s0, $0xA;
	s2 =	sadd.s32 s3, s2  }
0x8d: {  	s2 =	sadd.s32 s2, s14  }
0x8e: {  	[smem:$0x3FB1] =	sst s2  }
0x8f: {  	_ = 	snop  }
0x90: {  	s2 =	sld [smem:$0x3FD0];
	_ =	sdelay $0x2  }
0x91: {  	s15 =	simm.s32 $0xA;
	s4 =	simm.s32 $0x10  }
0x92: {  	[smem:s4], [sflag:s15] =	dma.local [hbm:s2], $0x1  }
0x93: {  	_ =	swait.eq [sflag:s15], $0x1  }
0x94: {  	[sflag:s15] =	ssyncset.done $0x0  }
0x95: {  	s16 =	sld [smem:$0x10];
	[sflag:s15] =	ssyncadd.s32 $0xFFFFFFFF  }
0x96: {  	s17 =	sld [smem:$0x12];
	(tm) =	ssettm $0x1  }
0x97: {  	s18 =	sld [smem:$0x3FFB];
	_ =	sdelay $0x3  }
0x98: {  	_ =	strace s18  }
0x99: {  	s4 =	sld [smem:$0x3FFC];
	_ =	sdelay $0x3  }
0x9a: {  	_ =	strace s4  }
0x9b: {  	s4 =	sld [smem:$0x3FFD];
	_ =	sdelay $0x3  }
0x9c: {  	_ =	strace s4  }
0x9d: {  	_ =	strace $0x8FFFFFFF  }
0x9e: {  	s19 =	sld [smem:$0x3FDB];
	_ =	sdelay $0x1  }
0x9f: {  	s5 =	simm.s32 $_scs_section_size  }
0xa0: {  	s6 =	simm.s32 $_size__tile_overlayer_lowered;
	s7 =	simm.s32 $_tile_overlayer_lowered  }
0xa1: {  	s22 =	simm.s32 $0x1BFF;
	s21 =	sshll.u32 s7, $0x1;
	s4 =	sadd.s32 s5, s19  }
0xa2: {  	s8 =	simm.s32 $0x0;
	s20 =	sshll.u32 s6, $0x1;
	s6 =	sadd.s32 s21, s4  }
0xa3: {  	[timem:s8], [sflag:s22] =	dma.local [hbm:s6], s20  }
0xa4: {  	_ =	swait.ge [sflag:s22], s20  }
0xa5: {  	s5 =	ssub.s32 $0x0, s20;
	[sflag:s22] =	ssyncset.done $0x0  }
0xa6: {  	[sflag:s22] =	ssyncadd.s32 s5;
	_ =	sdelay $0x1  }
0xa7: {  	s23 =	simm.s32 $0x1B8B  }
0xa8: {  	_ =	swait.ge [sflag:s23], $0x1  }
0xa9: {  	[sflag:s23] =	ssyncset.done $0x0  }
0xaa: {  	s25 =	simm.s32 $0x1B8E;
	s24 =	sld [smem:$0x3FFE];
	[sflag:s23] =	ssyncadd.s32 $0xFFFFFFFF  }
0xab: {  	s26 =	simm.s32 $execute0_lowered;
	[smem:$0x3FD2] =	sst s25  }
0xac: {  	s6 =	sshll.u32 s26, $0x1;
	_ =	strace $0x80000046;
	[dreg:$0x1] =	wrdreg $0xFFFFFFFF  }
0xad: {  	s28 =	simm.s32 $_size_execute0_lowered;
	s4 =	sadd.s32 s4, s6;
	[dreg:$0x0] =	wrdreg $0x0  }
0xae: {  	s6 =	sshll.u32 s28, $0x1;
	[dreg:$0x2] =	wrdreg s4  }
0xaf: {  	[dreg:$0x3] =	wrdreg s6  }
0xb0: {  	[dreg:$0x4] =	wrdreg $0xC0  }
0xb1: {  	_ =	task [dreg:s8], $0x5FFFF  }
0xb2: {  	[dreg:$0x1] =	wrdreg $0xFFFFFFFF  }
0xb3: {  	[dreg:$0x0] =	wrdreg $0x60  }
0xb4: {  	[dreg:$0x2] =	wrdreg s16  }
0xb5: {  	[dreg:$0x3] =	wrdreg s24  }
0xb6: {  	[dreg:$0x4] =	wrdreg s17  }
0xb7: {  	[dreg:$0x5] =	wrdreg $0xB9800  }
0xb8: {  	[dreg:$0x6] =	wrdreg $0x1F9800  }
0xb9: {  	[dreg:$0x7] =	wrdreg $0x9  }
0xba: {  	_ =	task.clear_ibuf [dreg:s8], $0x8FFFF;
	_ =	strace $0x90000046  }
0xbb: {  	s29 =	simm.s32 $0x9;
	_ =	strace $0x80000048  }
0xbc: {  	_ =	swait.ge [sflag:s29], $0x1  }
0xbd: {  	[sflag:s29] =	ssyncadd.s32 $0xFFFFFFFF  }
0xbe: {  	_ =	strace $0x90000048  }
0xbf: {  	_ =	sfence  }
0xc0: {  	s30 =	sld [smem:$0x0];
	_ =	sdelay $0x2  }
0xc1: {  	s31 =	sshll.u32 s1, $0xD;
	s1 =	sshrl.u32 s1, $0x2  }
0xc2: {  	s3 =	sand.u32 $0x4000, s31;
	s1 =	sadd.s32 s1, s30  }
0xc3: {  	s0 =	sor.u32 s3, s0;
	s1 =	sshll.u32 s1, $0x11  }
0xc4: {  	s0 =	sor.u32 s1, s0  }
0xc5: {  	s0 =	sadd.s32 $0x8F2B, s0  }
0xc6: {  	[sflag:s0] =	ssyncadd.remote.s32 $0x1  }
0xc7: {  	_ =	sfence.sel $0xFFFF  }
0xc8: {  	[dreg:$0x0] =	wrdreg $0xFFFFFFFF;
	(pc) =	sbr.abs _section_cstart, $3  }
0xc9: {  	[dreg:$0x1] =	wrdreg $0xFFFFFFFF  }
0xca: {  	_ =	task.clear_ibuf [dreg:s8], $0x2FFFF;
	_ =	strace $0x9FFFFFFF  }
0xcb: {  	(tm) =	ssettm $0x7FFFFFFF  }
tec
execute0_lowered:
.L_overlay_start_1:
0x0: {  	(tag) =	ssettag $0x1  }
0x1: {  	s5 =	rddreg [dreg:$0x0];
	s0 =	srdreg.scid  }
0x2: {  	s1 =	stileid.u32;
	s2 =	rddreg [dreg:$0x1]  }
0x3: {  	s4 =	rddreg [dreg:$0x3];
	s6 =	simm.s32 $0x0;
	s20 =	sand.u32 $0x1, s0  }
0x4: {  	s24 =	smul.u32 $0x2760, s1;
	[smem:$0x7FF] =	sst s6;
	s6 =	sadd.s32 $0x4A00, s2  }
0x5: {  	s7 =	sadd.s32 $0x9A00, s2;
	s8 =	sadd.s32 $0xEA00, s2;
	s9 =	sadd.s32 $0x13A00, s2  }
0x6: {  	s10 =	sadd.s32 $0xE1A00, s2;
	s11 =	smul.u32 $0x280, s1;
	s13 =	ssub.s32 $0x2, s20  }
0x7: {  	s14 =	smul.u32 $0x2710, s20;
	s16 =	sshrl.u32 s13, $0x1;
	s0 =	sshrl.u32 s24, $0x3  }
0x8: {  	s17 =	smul.u32 $0x138800, s20;
	s13 =	ssub.s32 s13, s16;
	s26 =	sadd.s32 s6, s0  }
0x9: {  	s14 =	sadd.s32 s11, s14;
	s29 =	sadd.s32 s7, s0;
	[dreg:$0xb] =	wrdreg s26  }
0xa: {  	s25 =	sshrl.u32 s17, $0x3;
	[dreg:$0xe] =	wrdreg s29;
	s26 =	sadd.s32 s8, s0  }
0xb: {  	s14 =	sshll.u32 s14, $0x4;
	s0 =	sadd.s32 s9, s0;
	[dreg:$0x15] =	wrdreg s26  }
0xc: {  	s16 =	sadd.s32 $0x25800, s25;
	s28 =	sadd.s32 s10, s14;
	[dreg:$0x16] =	wrdreg s0  }
0xd: {  	s12 =	sadd.s32 $0x12FC00, s2;
	s10 =	sadd.s32 s10, s16;
	[dreg:$0xc] =	wrdreg s28  }
0xe: {  	s17 =	sadd.s32 s12, s14;
	[dreg:$0xd] =	wrdreg s10  }
0xf: {  	s15 =	sadd.s32 $0x17DE00, s2;
	s19 =	sadd.s32 s12, s16;
	[dreg:$0xf] =	wrdreg s17  }
0x10: {  	s3 =	smul.u32 $0x27600, s20;
	s21 =	sadd.s32 s15, s14;
	[dreg:$0x10] =	wrdreg s19  }
0x11: {  	s18 =	sadd.s32 $0x1CC000, s2;
	s22 =	sadd.s32 s15, s16;
	[dreg:$0x11] =	wrdreg s21  }
0x12: {  	s3 =	sadd.s32 s24, s3;
	s23 =	sadd.s32 s18, s14;
	[dreg:$0x12] =	wrdreg s22  }
0x13: {  	s25 =	smul.u32 $0x4EC, s1;
	s24 =	sadd.s32 s18, s16;
	[dreg:$0x13] =	wrdreg s23  }
0x14: {  	[dreg:$0x14] =	wrdreg s24  }
0x15: {  	s19 =	rddreg [dreg:$0x4];
	s28 =	sadd.s32 s25, s6  }
0x16: {  	s29 =	sadd.s32 s25, s7;
	[dreg:$0x6] =	wrdreg s28  }
0x17: {  	s6 =	sadd.s32 s25, s8;
	[dreg:$0x7] =	wrdreg s29  }
0x18: {  	s12 =	sadd.s32 $0x31A00, s2;
	s7 =	sadd.s32 s25, s9;
	[dreg:$0x8] =	wrdreg s6  }
0x19: {  	s8 =	sshrl.u32 s3, $0x3;
	s9 =	sshrl.u32 s11, $0x3;
	[dreg:$0x9] =	wrdreg s7  }
0x1a: {  	s0 =	sadd.s32 s8, s2;
	s3 =	sadd.s32 s9, s2;
	s29 =	sadd.s32 $0x7FC00, s2  }
0x1b: {  	s2 =	sadd.s32 $0x2CC00, s2;
	_ =	strace $0x80000047;
	[dreg:$0x17] =	wrdreg s12  }
0x1c: {  	s15 =	sadd.s32 s11, s19;
	[dreg:$0x19] =	wrdreg s2  }
0x1d: {  	s26 =	smax.u32 s13, $0x1;
	[dreg:$0x1b] =	wrdreg s15  }
0x1e: {  	s30 =	simm.s32 $0xA;
	s31 =	simm.s32 $0x1;
	[smem:$0x7FB] =	sst s26  }
0x1f: {  	p2 =	seq.s32 s1, $0xF;
	s28 =	sadd.s32 $0x12C000, s4;
	[dreg:$0xa] =	wrdreg s20  }
0x20: {  	p0 =	seq.s32 s20, $0x1;
	p1 =	sne.s32 s20, $0x0;
	[smem:$0x7FD] =	sst s28  }
0x21: {  	s13 =	simm.s32 $0x60;
	s16 =	sadd.s32 $0x22800, s0;
	[dreg:$0x18] =	wrdreg s29  }
0x22: {  	s10 =	smul.u32 $0x50000, s1;
	s17 =	sadd.s32 $0xD7C00, s0;
	[dreg:$0x1c] =	wrdreg s16  }
0x23: {  	s6 =	simm.s32 $0xB;
	s18 =	sadd.s32 $0x18A00, s0;
	[dreg:$0x1d] =	wrdreg s17  }
0x24: {  	s7 =	simm.s32 $0x2;
	s0 =	sadd.s32 $0xCDE00, s0;
	[dreg:$0x1e] =	wrdreg s18  }
0x25: {  	s8 =	simm.s32 $0xC;
	s21 =	sadd.s32 $0x2C600, s3;
	[dreg:$0x1f] =	wrdreg s0  }
0x26: {  	s9 =	simm.s32 $0x3;
	s22 =	sadd.s32 $0x30000, s3;
	[smem:$0x7F6] =	sst s21  }
0x27: {  	s14 =	sshrl.u32 s10, $0x2;
	s23 =	sadd.s32 $0x2F400, s3;
	[smem:$0x7F7] =	sst s22  }
0x28: {  	s24 =	sadd.s32 $0x30600, s3;
	s25 =	sadd.s32 $0x2FA00, s3;
	[smem:$0x7F8] =	sst s23  }
0x29: {  	s3 =	simm.s32 $0x2880;
	s2 =	sadd.s32 s14, s4;
	[smem:$0x7F9] =	sst s24  }
0x2a: {  	[smem:$0x7FA] =	sst s25;
	s0 =	simm.s32 @!p2 $0x0;
	s17 =	simm.s32 $0x5900  }
0x2b: {  	s18 =	simm.s32 $0x2800;
	[dreg:$0x1a] =	wrdreg s2;
	s0 =	simm.s32 @p2 $0x1  }
0x2c: {  	s16 =	simm.s32 $0x8900;
	s2 =	simm.s32 $0x0;
	[smem:$0x7FC] =	sst s0  }
.LBB2_1:
0x2d: {  	[smem:$0x7F2] =	sst s2  }
0x2e: {  	s0 =	rddreg [dreg:$0x2]  }
0x2f: {  	s1 =	simm.s32 $0x0;
	s25 =	simm.s32 $0xB900;
	s26 =	simm.s32 $0xD  }
0x30: {  	[tilespmem:s25], [sflag:$0xD] =	stream.linear.gather [hbm4b:s0+s1], $0x80, $0x38;
	[tilespmem:$0x1FC00] =	vst v63  }
0x31: {  	_ =	swait.ge [sflag:s26], $0x80  }
0x32: {  	[sflag:s26] =	ssyncset.done $0x0  }
0x33: {  	s10 =	rddreg [dreg:$0x1c];
	[sflag:s26] =	ssyncadd.s32 $0xFFFFFF80  }
0x34: {  	[tilespmem:s1], [sflag:$0xD] =	stream.linear.gather [hbm4b:s10+s1], $0x2760, $0x38;
	[tilespmem:$0x1FC00] =	vst v63  }
0x35: {  	s14 =	simm.s32 $0x2780;
	_ =	swait.ge [sflag:s26], $0x2760  }
0x36: {  	s12 =	stileid.u32;
	[sflag:s26] =	ssyncset.done $0x0;
	s11 =	rddreg [dreg:$0xb]  }
0x37: {  	s10 =	simm.s32 $0x2900;
	s15 =	rddreg [dreg:$0x1a];
	[sflag:s26] =	ssyncadd.s32 $0xFFFFD8A0  }
0x38: {  	[tilespmem:s10], [sflag:$0x1] =	stream.indirect.gather [hbm4b:s5+s13], $0x80, s1, s13, $0xb8;
	[tilespmem:$0x1FC00] =	vst v63  }
0x39: {  	s0 =	sshll.u32 s12, $0x6;
	s20 =	rddreg [dreg:$0x19];
	s12 =	sshrl.u32 s15, $0x3  }
0x3a: {  	[tilespmem:s14], [sflag:$0xA] =	stream.linear.gather [hbm4b:s11+s1], $0x60, $0x38;
	[tilespmem:$0x1FC00] =	vst v63  }
0x3b: {  	[smem:$0x7F3] =	sst s12;
	s11 =	sor.u32 $0x1C0D, s0  }
0x3c: {  	[spmem:s12], [sflag:s11] =	dma.local [hbm:s20], $0x2800  }
0x3d: {  	_ =	swait.ge [sflag:s26], $0x2800  }
0x3e: {  	s0 =	rddreg [dreg:$0x1b]  }
0x3f: {  	s2 =	sshrl.u32 @!p1 s0, $0x3;
	s0 =	sld [smem:$0x7F6]  }
0x40: {  	[sflag:s26] =	ssyncset.done $0x0;
	[smem:$0x7F4] =	sst s11  }
0x41: {  	[sflag:s26] =	ssyncadd.s32 $0xFFFFD800;
	[smem:$0x7F5] =	sst s2  }
0x42: {  	[spmem:s2], [sflag:s11] =	dma.local @!p1 [hbm:s0], $0x50  }
0x43: {  	s0 =	simm.s32 @!p1 $0xD  }
0x44: {  	_ =	swait.ge @!p1 [sflag:s0], $0x50  }
0x45: {  	[sflag:s0] =	ssyncset.done @!p1 $0x0  }
0x46: {  	[sflag:s0] =	ssyncadd.s32 @!p1 $0xFFFFFFB0  }
0x47: {  	p3 =	por $0x1, $0x1;
	[bflag:$0x0] =	sbarrier.arrive $0xFFFF  }
0x48: {  	s0 =	simm.s32 @!p3 $0x5;
	s24 =	rddreg [dreg:$0xa]  }
0x49: {  	_ =	swait.ge @!p3 [sflag:s0], $0x3000;
	p2 =	sne.s32 @!p3 s24, $0x0  }
0x4a: {  	[sflag:s0] =	ssyncset.done @!p3 $0x0;
	p4 =	por p2, p3  }
0x4b: {  	[sflag:s0] =	ssyncadd.s32 @!p3 $0xFFFFD000;
	s2 =	simm.s32 @!p4 $0x8  }
0x4c: {  	_ =	swait.ge @!p4 [sflag:s2], $0x60  }
0x4d: {  	[sflag:s2] =	ssyncset.done @!p4 $0x0;
	s11 =	rddreg [dreg:$0x6]  }
0x4e: {  	s21 =	simm.s32 $0x60;
	s22 =	sadd.s32 $0x0, s11;
	[sflag:s2] =	ssyncadd.s32 @!p4 $0xFFFFFFA0  }
0x4f: {  	[tilespmem:s17], [sflag:$0x2] =	stream.indirect.gather [hbm4b:s5+s13], $0x80, s21, s13, $0xb8;
	[tilespmem:$0x1FC00] =	vst v63  }
0x50: {  	s23 =	sadd.s32 $0xC, s22  }
0x51: {  	[tilespmem:s18], [sflag:$0xB] =	stream.linear.gather [hbm4b:s23+s1], $0x60, $0x38;
	[tilespmem:$0x1FC00] =	vst v63  }
0x52: {  	_ =	swait.ge [sflag:s30], $0x60  }
0x53: {  	[sflag:s30] =	ssyncset.done $0x0  }
0x54: {  	[sflag:s30] =	ssyncadd.s32 $0xFFFFFFA0  }
0x55: {  	_ =	swait.ge [sflag:s31], $0x3000  }
0x56: {  	p5 =	por @!p3 $0x0, $0x0;
	p2 =	por !p2, p3;
	[sflag:s31] =	ssyncset.done $0x0  }
0x57: {  	s0 =	simm.s32 @!p1 $0x60;
	p4 =	por @!p4 $0x1, $0x1;
	[sflag:s31] =	ssyncadd.s32 $0xFFFFD000  }
0x58: {  	[spmem:s4] =	stream.indirect.scatter.add.f32 [tilespmem:s10], [sflag:$0x4], $0x80, s14, s13, $0xb8;
	[tilespmem:$0x1FC00] =	vst v63  }
0x59: {  	s2 =	simm.s32 @!p3 $0x6;
	s14 =	simm.s32 @!p1 $0x2780;
	s10 =	simm.s32 @!p1 $0xB900  }
0x5a: {  	[spmem:s19] =	stream.indirect.scatter.add.f32 @!p1 [tilespmem:s10], [sflag:$0x7], $0x1, s14, s0, $0xb8;
	[tilespmem:$0x1FC00] =	vst v63  }
0x5b: {  	p4 =	por @!p2 p5, p5;
	p2 =	por $0x0, $0x0;
	_ =	swait.ge @!p3 [sflag:s2], $0x3000  }
0x5c: {  	p2 =	por @!p3 p4, p4;
	[sflag:s2] =	ssyncset.done @!p3 $0x0  }
0x5d: {  	s14 =	simm.s32 @p2 $0x9;
	[sflag:s2] =	ssyncadd.s32 @!p3 $0xFFFFD000  }
0x5e: {  	_ =	swait.ge @p2 [sflag:s14], $0x60  }
0x5f: {  	[sflag:s14] =	ssyncset.done @p2 $0x0  }
0x60: {  	s25 =	simm.s32 $0xC0;
	[sflag:s14] =	ssyncadd.s32 @p2 $0xFFFFFFA0  }
0x61: {  	[tilespmem:s16], [sflag:$0x3] =	stream.indirect.gather [hbm4b:s5+s13], $0x80, s25, s13, $0xb8;
	[tilespmem:$0x1FC00] =	vst v63  }
0x62: {  	s26 =	sadd.s32 $0x18, s22  }
0x63: {  	[tilespmem:s3], [sflag:$0xC] =	stream.linear.gather [hbm4b:s26+s1], $0x60, $0x38;
	[tilespmem:$0x1FC00] =	vst v63  }
0x64: {  	_ =	swait.ge [sflag:s6], $0x60  }
0x65: {  	[sflag:s6] =	ssyncset.done $0x0  }
0x66: {  	[sflag:s6] =	ssyncadd.s32 $0xFFFFFFA0  }
0x67: {  	_ =	swait.ge [sflag:s7], $0x3000  }
0x68: {  	[sflag:s7] =	ssyncset.done $0x0  }
0x69: {  	s12 =	simm.s32 @p1 $0x4;
	[sflag:s7] =	ssyncadd.s32 $0xFFFFD000  }
0x6a: {  	[spmem:s4] =	stream.indirect.scatter.add.f32 [tilespmem:s17], [sflag:$0x5], $0x80, s18, s13, $0xb8;
	[tilespmem:$0x1FC00] =	vst v63  }
0x6b: {  	_ =	swait.ge @p1 [sflag:s12], $0x3000  }
0x6c: {  	[sflag:s12] =	ssyncset.done @p1 $0x0  }
0x6d: {  	s28 =	simm.s32 @!p1 $0x4;
	s1 =	simm.s32 @!p1 $0x2800;
	[sflag:s12] =	ssyncadd.s32 @p1 $0xFFFFD000  }
0x6e: {  	[spmem:s19] =	stream.indirect.scatter.add.f32 @!p1 [tilespmem:s10], [sflag:$0x8], $0x1, s1, s0, $0xb8;
	[tilespmem:$0x1FC00] =	vst v63  }
0x6f: {  	_ =	swait.ge @!p1 [sflag:s28], $0x3000  }
0x70: {  	[sflag:s28] =	ssyncset.done @!p1 $0x0  }
0x71: {  	s29 =	simm.s32 @!p1 $0x7;
	[sflag:s28] =	ssyncadd.s32 @!p1 $0xFFFFD000  }
0x72: {  	p2 =	por $0x0, $0x0;
	_ =	swait.ge @!p1 [sflag:s29], $0x60  }
0x73: {  	s2 =	simm.s32 $0x120;
	s14 =	simm.s32 @!p2 $0x60;
	[sflag:s29] =	ssyncset.done @!p1 $0x0  }
0x74: {  	s15 =	simm.s32 @!p2 $0x2900;
	s20 =	sadd.s32 @!p2 $0x0, s11;
	[sflag:s29] =	ssyncadd.s32 @!p1 $0xFFFFFFA0  }
0x75: {  	[tilespmem:s15], [sflag:$0x1] =	stream.indirect.gather @!p2 [hbm4b:s5+s14], $0x80, s2, s14, $0xb8;
	[tilespmem:$0x1FC00] =	vst v63  }
0x76: {  	s2 =	simm.s32 @!p2 $0x0;
	s14 =	sadd.s32 @!p2 $0x24, s20;
	s15 =	simm.s32 @!p2 $0x2780  }
0x77: {  	[tilespmem:s15], [sflag:$0xA] =	stream.linear.gather @!p2 [hbm4b:s14+s2], $0x60, $0x38;
	[tilespmem:$0x1FC00] =	vst v63  }
0x78: {  	_ =	swait.ge [sflag:s8], $0x60  }
0x79: {  	s21 =	simm.s32 $0x24;
	s22 =	simm.s32 @!p1 $0x2880;
	[sflag:s8] =	ssyncset.done $0x0  }
0x7a: {  	p4 =	por $0x0, $0x0;
	s23 =	simm.s32 $0x48;
	[sflag:s8] =	ssyncadd.s32 $0xFFFFFFA0  }
0x7b: {  	p6 =	sne.s32 @!p4 s24, $0x0;
	p5 =	por @!p4 $0x0, $0x0;
	_ =	swait.ge [sflag:s9], $0x3000  }
0x7c: {  	s18 =	smov.u32 s24;
	s20 =	simm.s32 $0x240;
	[sflag:s9] =	ssyncset.done $0x0  }
0x7d: {  	s14 =	simm.s32 @!p1 $0x2880;
	s2 =	simm.s32 @!p1 $0x2880;
	[sflag:s9] =	ssyncadd.s32 $0xFFFFD000  }
.LBB2_2:
0x7e: {  	[spmem:s4] =	stream.indirect.scatter.add.f32 [tilespmem:s16], [sflag:$0x6], $0x80, s3, s13, $0xb8;
	[tilespmem:$0x1FC00] =	vst v63  }
0x7f: {  	s1 =	simm.s32 @!p4 $0x5  }
0x80: {  	[spmem:s19] =	stream.indirect.scatter.add.f32 @!p1 [tilespmem:s10], [sflag:$0x9], $0x1, s14, s0, $0xb8;
	[tilespmem:$0x1FC00] =	vst v63  }
0x81: {  	_ =	swait.ge @!p4 [sflag:s1], $0x3000  }
0x82: {  	p2 =	por p6, p4;
	[sflag:s1] =	ssyncset.done @!p4 $0x0  }
0x83: {  	s24 =	simm.s32 @!p2 $0x8;
	[sflag:s1] =	ssyncadd.s32 @!p4 $0xFFFFD000  }
0x84: {  	_ =	swait.ge @!p2 [sflag:s24], $0x60  }
0x85: {  	[sflag:s24] =	ssyncset.done @!p2 $0x0  }
0x86: {  	s16 =	sadd.s32 $0xFFFFFF40, s20;
	s25 =	sadd.s32 s21, s11;
	[sflag:s24] =	ssyncadd.s32 @!p2 $0xFFFFFFA0  }
0x87: {  	[tilespmem:s17], [sflag:$0x2] =	stream.indirect.gather [hbm4b:s5+s13], $0x80, s16, s13, $0xb8;
	[tilespmem:$0x1FC00] =	vst v63  }
0x88: {  	s11 =	simm.s32 $0x0;
	s24 =	sadd.s32 $0xC, s25;
	s16 =	simm.s32 $0x2800  }
0x89: {  	[tilespmem:s16], [sflag:$0xB] =	stream.linear.gather [hbm4b:s24+s11], $0x60, $0x38;
	[tilespmem:$0x1FC00] =	vst v63  }
0x8a: {  	_ =	swait.ge [sflag:s30], $0x60  }
0x8b: {  	[sflag:s30] =	ssyncset.done $0x0  }
0x8c: {  	[sflag:s30] =	ssyncadd.s32 $0xFFFFFFA0  }
0x8d: {  	_ =	swait.ge [sflag:s31], $0x3000  }
0x8e: {  	p3 =	por !p6, p4;
	[sflag:s31] =	ssyncset.done $0x0  }
0x8f: {  	s26 =	simm.s32 $0x2780;
	s24 =	simm.s32 $0x2900;
	[sflag:s31] =	ssyncadd.s32 $0xFFFFD000  }
0x90: {  	[spmem:s4] =	stream.indirect.scatter.add.f32 [tilespmem:s24], [sflag:$0x4], $0x80, s26, s13, $0xb8;
	[tilespmem:$0x1FC00] =	vst v63  }
0x91: {  	p6 =	por @!p2 $0x1, $0x1;
	s1 =	simm.s32 @!p4 $0x6;
	s24 =	simm.s32 @!p1 $0x2780  }
0x92: {  	[spmem:s19] =	stream.indirect.scatter.add.f32 @!p1 [tilespmem:s10], [sflag:$0x7], $0x1, s24, s0, $0xb8;
	[tilespmem:$0x1FC00] =	vst v63  }
0x93: {  	p6 =	por @!p3 p5, p5;
	p2 =	por $0x0, $0x0;
	_ =	swait.ge @!p4 [sflag:s1], $0x3000  }
0x94: {  	p2 =	por @!p4 p6, p6;
	[sflag:s1] =	ssyncset.done @!p4 $0x0  }
0x95: {  	s24 =	simm.s32 @p2 $0x9;
	[sflag:s1] =	ssyncadd.s32 @!p4 $0xFFFFD000  }
0x96: {  	_ =	swait.ge @p2 [sflag:s24], $0x60  }
0x97: {  	[sflag:s24] =	ssyncset.done @p2 $0x0  }
0x98: {  	s3 =	simm.s32 $0x8900;
	s26 =	sadd.s32 $0xFFFFFFA0, s20;
	[sflag:s24] =	ssyncadd.s32 @p2 $0xFFFFFFA0  }
0x99: {  	[tilespmem:s3], [sflag:$0x3] =	stream.indirect.gather [hbm4b:s5+s13], $0x80, s26, s13, $0xb8;
	[tilespmem:$0x1FC00] =	vst v63  }
0x9a: {  	s3 =	simm.s32 $0x2880;
	s26 =	sadd.s32 $0x18, s25  }
0x9b: {  	[tilespmem:s3], [sflag:$0xC] =	stream.linear.gather [hbm4b:s26+s11], $0x60, $0x38;
	[tilespmem:$0x1FC00] =	vst v63  }
0x9c: {  	s11 =	rddreg [dreg:$0x6];
	_ =	swait.ge [sflag:s6], $0x60  }
0x9d: {  	[sflag:s6] =	ssyncset.done $0x0  }
0x9e: {  	[sflag:s6] =	ssyncadd.s32 $0xFFFFFFA0  }
0x9f: {  	_ =	swait.ge [sflag:s7], $0x3000  }
0xa0: {  	[sflag:s7] =	ssyncset.done $0x0  }
0xa1: {  	[sflag:s7] =	ssyncadd.s32 $0xFFFFD000  }
0xa2: {  	[spmem:s4] =	stream.indirect.scatter.add.f32 [tilespmem:s17], [sflag:$0x5], $0x80, s16, s13, $0xb8;
	[tilespmem:$0x1FC00] =	vst v63  }
0xa3: {  	_ =	swait.ge @p1 [sflag:s12], $0x3000  }
0xa4: {  	[sflag:s12] =	ssyncset.done @p1 $0x0  }
0xa5: {  	s1 =	simm.s32 @!p1 $0x2800;
	[sflag:s12] =	ssyncadd.s32 @p1 $0xFFFFD000  }
0xa6: {  	[spmem:s19] =	stream.indirect.scatter.add.f32 @!p1 [tilespmem:s10], [sflag:$0x8], $0x1, s1, s0, $0xb8;
	[tilespmem:$0x1FC00] =	vst v63  }
0xa7: {  	_ =	swait.ge @!p1 [sflag:s28], $0x3000  }
0xa8: {  	[sflag:s28] =	ssyncset.done @!p1 $0x0  }
0xa9: {  	[sflag:s28] =	ssyncadd.s32 @!p1 $0xFFFFD000  }
0xaa: {  	s15 =	smov.u32 s23;
	p2 =	seq.s32 s21, $0x4C8;
	_ =	swait.ge @!p1 [sflag:s29], $0x60  }
0xab: {  	s23 =	sadd.s32 $0x24, s23;
	s24 =	simm.s32 @!p2 $0x2900;
	[sflag:s29] =	ssyncset.done @!p1 $0x0  }
0xac: {  	s21 =	sadd.s32 @!p2 s21, s11;
	s1 =	simm.s32 @!p2 $0x60;
	[sflag:s29] =	ssyncadd.s32 @!p1 $0xFFFFFFA0  }
0xad: {  	[tilespmem:s24], [sflag:$0x1] =	stream.indirect.gather @!p2 [hbm4b:s5+s1], $0x80, s20, s1, $0xb8;
	[tilespmem:$0x1FC00] =	vst v63  }
0xae: {  	s25 =	simm.s32 @!p2 $0x0;
	s1 =	sadd.s32 @!p2 $0x24, s21;
	s24 =	simm.s32 @!p2 $0x2780  }
0xaf: {  	[tilespmem:s24], [sflag:$0xA] =	stream.linear.gather @!p2 [hbm4b:s1+s25], $0x60, $0x38;
	[tilespmem:$0x1FC00] =	vst v63  }
0xb0: {  	p3 =	sne.s32 s23, $0x4EC;
	_ =	swait.ge [sflag:s8], $0x60  }
.Ltmp0:
0xb1: {  	[sflag:s8] =	ssyncset.done $0x0;
	(pc) =	sbr.rel @p3 .LBB2_2-.Ltmp0, $4  }
0xb2: {  	s14 =	smov.u32 s2;
	s2 =	smov.u32 s22;
	[sflag:s8] =	ssyncadd.s32 $0xFFFFFFA0  }
0xb3: {  	s16 =	simm.s32 $0x8900;
	s21 =	smov.u32 s15;
	_ =	swait.ge [sflag:s9], $0x3000  }
0xb4: {  	s20 =	sadd.s32 $0x120, s20;
	p4 =	seq.s32 s21, $0x0;
	[sflag:s9] =	ssyncset.done $0x0  }
0xb5: {  	p6 =	sne.s32 @!p4 s18, $0x0;
	p5 =	por @!p4 $0x0, $0x0;
	[sflag:s9] =	ssyncadd.s32 $0xFFFFD000  }
0xb6: {  	[spmem:s4] =	stream.indirect.scatter.add.f32 [tilespmem:s16], [sflag:$0x6], $0x80, s3, s13, $0xb8;
	[tilespmem:$0x1FC00] =	vst v63  }
0xb7: {  	s1 =	simm.s32 @!p4 $0x5  }
0xb8: {  	[spmem:s19] =	stream.indirect.scatter.add.f32 @!p1 [tilespmem:s10], [sflag:$0x9], $0x1, s14, s0, $0xb8;
	[tilespmem:$0x1FC00] =	vst v63  }
0xb9: {  	_ =	swait.ge @!p4 [sflag:s1], $0x3000  }
0xba: {  	p2 =	por p6, p4;
	[sflag:s1] =	ssyncset.done @!p4 $0x0  }
0xbb: {  	s0 =	simm.s32 @!p2 $0x8;
	[sflag:s1] =	ssyncadd.s32 @!p4 $0xFFFFD000  }
0xbc: {  	_ =	swait.ge @!p2 [sflag:s0], $0x60  }
0xbd: {  	[sflag:s0] =	ssyncset.done @!p2 $0x0  }
0xbe: {  	s24 =	sadd.s32 $0xFFFFFF40, s20;
	s25 =	sadd.s32 s21, s11;
	[sflag:s0] =	ssyncadd.s32 @!p2 $0xFFFFFFA0  }
0xbf: {  	[tilespmem:s17], [sflag:$0x2] =	stream.indirect.gather [hbm4b:s5+s13], $0x80, s24, s13, $0xb8;
	[tilespmem:$0x1FC00] =	vst v63  }
0xc0: {  	s22 =	simm.s32 $0x0;
	s12 =	simm.s32 $0x2800;
	s14 =	sadd.s32 $0xC, s25  }
0xc1: {  	[tilespmem:s12], [sflag:$0xB] =	stream.linear.gather [hbm4b:s14+s22], $0x60, $0x38;
	[tilespmem:$0x1FC00] =	vst v63  }
0xc2: {  	_ =	swait.ge [sflag:s30], $0x60  }
0xc3: {  	[sflag:s30] =	ssyncset.done $0x0  }
0xc4: {  	[sflag:s30] =	ssyncadd.s32 $0xFFFFFFA0  }
0xc5: {  	p3 =	por !p6, p4;
	_ =	swait.ge [sflag:s31], $0x3000  }
0xc6: {  	s23 =	simm.s32 $0x2900;
	s29 =	simm.s32 @!p1 $0x60;
	[sflag:s31] =	ssyncset.done $0x0  }
0xc7: {  	s26 =	simm.s32 @!p1 $0xB900;
	s24 =	simm.s32 $0x2780;
	[sflag:s31] =	ssyncadd.s32 $0xFFFFD000  }
0xc8: {  	[spmem:s4] =	stream.indirect.scatter.add.f32 [tilespmem:s23], [sflag:$0x4], $0x80, s24, s13, $0xb8;
	[tilespmem:$0x1FC00] =	vst v63  }
0xc9: {  	s1 =	simm.s32 @!p4 $0x6;
	p2 =	por @!p2 $0x1, $0x1;
	s0 =	simm.s32 @!p1 $0x2780  }
0xca: {  	[spmem:s19] =	stream.indirect.scatter.add.f32 @!p1 [tilespmem:s26], [sflag:$0x7], $0x1, s0, s29, $0xb8;
	[tilespmem:$0x1FC00] =	vst v63  }
0xcb: {  	p2 =	por @!p3 p5, p5;
	p3 =	por $0x0, $0x0;
	_ =	swait.ge @!p4 [sflag:s1], $0x3000  }
0xcc: {  	p3 =	por @!p4 p2, p2;
	[sflag:s1] =	ssyncset.done @!p4 $0x0  }
0xcd: {  	s0 =	smov.u32 s11;
	s11 =	simm.s32 @p3 $0x9;
	[sflag:s1] =	ssyncadd.s32 @!p4 $0xFFFFD000  }
0xce: {  	_ =	swait.ge @p3 [sflag:s11], $0x60  }
0xcf: {  	[sflag:s11] =	ssyncset.done @p3 $0x0  }
0xd0: {  	s15 =	sadd.s32 $0xFFFFFFA0, s20;
	[sflag:s11] =	ssyncadd.s32 @p3 $0xFFFFFFA0  }
0xd1: {  	[tilespmem:s16], [sflag:$0x3] =	stream.indirect.gather [hbm4b:s5+s13], $0x80, s15, s13, $0xb8;
	[tilespmem:$0x1FC00] =	vst v63  }
0xd2: {  	s25 =	sadd.s32 $0x18, s25  }
0xd3: {  	[tilespmem:s3], [sflag:$0xC] =	stream.linear.gather [hbm4b:s25+s22], $0x60, $0x38;
	[tilespmem:$0x1FC00] =	vst v63  }
0xd4: {  	_ =	swait.ge [sflag:s6], $0x60  }
0xd5: {  	[sflag:s6] =	ssyncset.done $0x0  }
0xd6: {  	[sflag:s6] =	ssyncadd.s32 $0xFFFFFFA0  }
0xd7: {  	_ =	swait.ge [sflag:s7], $0x3000  }
0xd8: {  	[sflag:s7] =	ssyncset.done $0x0  }
0xd9: {  	s11 =	simm.s32 @p1 $0x4;
	[sflag:s7] =	ssyncadd.s32 $0xFFFFD000  }
0xda: {  	[spmem:s4] =	stream.indirect.scatter.add.f32 [tilespmem:s17], [sflag:$0x5], $0x80, s12, s13, $0xb8;
	[tilespmem:$0x1FC00] =	vst v63  }
0xdb: {  	_ =	swait.ge @p1 [sflag:s11], $0x3000  }
0xdc: {  	[sflag:s11] =	ssyncset.done @p1 $0x0  }
0xdd: {  	s25 =	simm.s32 @!p1 $0x2800;
	s12 =	simm.s32 @!p1 $0x4;
	[sflag:s11] =	ssyncadd.s32 @p1 $0xFFFFD000  }
0xde: {  	[spmem:s19] =	stream.indirect.scatter.add.f32 @!p1 [tilespmem:s26], [sflag:$0x8], $0x1, s25, s29, $0xb8;
	[tilespmem:$0x1FC00] =	vst v63  }
0xdf: {  	_ =	swait.ge @!p1 [sflag:s12], $0x3000  }
0xe0: {  	[sflag:s12] =	ssyncset.done @!p1 $0x0  }
0xe1: {  	s28 =	simm.s32 @!p1 $0x7;
	[sflag:s12] =	ssyncadd.s32 @!p1 $0xFFFFD000  }
0xe2: {  	p2 =	seq.s32 s21, $0x4C8;
	_ =	swait.ge @!p1 [sflag:s28], $0x60  }
0xe3: {  	s14 =	simm.s32 @!p2 $0x2900;
	[sflag:s28] =	ssyncset.done @!p1 $0x0  }
0xe4: {  	s1 =	simm.s32 @!p2 $0x60;
	s15 =	sadd.s32 @!p2 s21, s0;
	[sflag:s28] =	ssyncadd.s32 @!p1 $0xFFFFFFA0  }
0xe5: {  	[tilespmem:s14], [sflag:$0x1] =	stream.indirect.gather @!p2 [hbm4b:s5+s1], $0x80, s20, s1, $0xb8;
	[tilespmem:$0x1FC00] =	vst v63  }
0xe6: {  	s1 =	simm.s32 @!p2 $0x0;
	s14 =	sadd.s32 @!p2 $0x24, s15;
	s15 =	simm.s32 @!p2 $0x2780  }
0xe7: {  	[tilespmem:s15], [sflag:$0xA] =	stream.linear.gather @!p2 [hbm4b:s14+s1], $0x60, $0x38;
	[tilespmem:$0x1FC00] =	vst v63  }
0xe8: {  	_ =	swait.ge [sflag:s8], $0x60  }
0xe9: {  	[sflag:s8] =	ssyncset.done $0x0  }
0xea: {  	[sflag:s8] =	ssyncadd.s32 $0xFFFFFFA0  }
0xeb: {  	_ =	swait.ge [sflag:s9], $0x3000  }
0xec: {  	[sflag:s9] =	ssyncset.done $0x0  }
0xed: {  	[sflag:s9] =	ssyncadd.s32 $0xFFFFD000  }
0xee: {  	[spmem:s4] =	stream.indirect.scatter.add.f32 [tilespmem:s16], [sflag:$0x6], $0x80, s3, s13, $0xb8;
	[tilespmem:$0x1FC00] =	vst v63  }
0xef: {  	_ = 	snop  }
0xf0: {  	[spmem:s19] =	stream.indirect.scatter.add.f32 @!p1 [tilespmem:s26], [sflag:$0x9], $0x1, s2, s29, $0xb8;
	[tilespmem:$0x1FC00] =	vst v63  }
0xf1: {  	s2 =	simm.s32 $0x5  }
0xf2: {  	_ =	swait.ge [sflag:s2], $0x3000  }
0xf3: {  	[sflag:s2] =	ssyncset.done $0x0  }
0xf4: {  	s1 =	simm.s32 @p1 $0x6;
	[sflag:s2] =	ssyncadd.s32 $0xFFFFD000  }
0xf5: {  	_ =	swait.ge @p1 [sflag:s1], $0x3000  }
0xf6: {  	[sflag:s1] =	ssyncset.done @p1 $0x0  }
0xf7: {  	[sflag:s1] =	ssyncadd.s32 @p1 $0xFFFFD000;
	s1 =	simm.s32 @!p1 $0x8  }
0xf8: {  	_ =	swait.ge @!p1 [sflag:s1], $0x60  }
0xf9: {  	[sflag:s1] =	ssyncset.done @!p1 $0x0  }
0xfa: {  	[sflag:s1] =	ssyncadd.s32 @!p1 $0xFFFFFFA0;
	s1 =	simm.s32 @!p1 $0x6  }
0xfb: {  	_ =	swait.ge @!p1 [sflag:s1], $0x3000  }
0xfc: {  	[sflag:s1] =	ssyncset.done @!p1 $0x0  }
0xfd: {  	[sflag:s1] =	ssyncadd.s32 @!p1 $0xFFFFD000;
	s1 =	simm.s32 @!p1 $0x9  }
0xfe: {  	_ =	swait.ge @!p1 [sflag:s1], $0x60  }
0xff: {  	[sflag:s1] =	ssyncset.done @!p1 $0x0  }
0x100: {  	[sflag:s1] =	ssyncadd.s32 @!p1 $0xFFFFFFA0  }
0x101: {  	[bflag:$0x0] =	sbarrier.arrive $0xFFFF  }
0x102: {  	s5 =	sld [smem:$0x7FC]  }
0x103: {  	s0 =	sld [smem:$0x7FD];
	_ =	sdelay $0x1  }
0x104: {  	p2 =	seq.s32 s5, $0x1;
	s5 =	sld [smem:$0x7F4]  }
0x105: {  	s1 =	sshrl.u32 @p2 s0, $0x3;
	s0 =	rddreg [dreg:$0xd]  }
0x106: {  	[smem:$0x7F0] =	sst s1  }
0x107: {  	[hbm:s0], [sflag:s5] =	dma.local @p2 [spmem:s1], $0x1900  }
0x108: {  	s1 =	simm.s32 @p2 $0xD  }
0x109: {  	_ =	swait.ge @p2 [sflag:s1], $0x1900  }
0x10a: {  	[sflag:s1] =	ssyncset.done @p2 $0x0;
	s0 =	rddreg [dreg:$0x1a]  }
0x10b: {  	[sflag:s1] =	ssyncadd.s32 @p2 $0xFFFFE700;
	s1 =	sshrl.u32 @!p2 s0, $0x3;
	s0 =	rddreg [dreg:$0xc]  }
0x10c: {  	[smem:$0x7F1] =	sst s1  }
0x10d: {  	[hbm:s0], [sflag:s5] =	dma.local @!p2 [spmem:s1], $0x2800  }
0x10e: {  	s1 =	simm.s32 @!p2 $0xD  }
0x10f: {  	_ =	swait.ge @!p2 [sflag:s1], $0x2800  }
0x110: {  	s0 =	sld [smem:$0x7F7]  }
0x111: {  	s15 =	sld [smem:$0x7F5]  }
0x112: {  	[sflag:s1] =	ssyncset.done @!p2 $0x0  }
0x113: {  	[sflag:s1] =	ssyncadd.s32 @!p2 $0xFFFFD800;
	s1 =	simm.s32 @!p1 $0xD  }
0x114: {  	[hbm:s0], [sflag:s5] =	dma.local @!p1 [spmem:s15], $0x50  }
0x115: {  	_ =	swait.ge @!p1 [sflag:s1], $0x50  }
0x116: {  	[sflag:s1] =	ssyncset.done @!p1 $0x0  }
0x117: {  	s2 =	simm.s32 $0xD;
	s10 =	rddreg [dreg:$0x1d];
	[sflag:s1] =	ssyncadd.s32 @!p1 $0xFFFFFFB0  }
0x118: {  	[tilespmem:s22], [sflag:$0xD] =	stream.linear.gather [hbm4b:s10+s22], $0x2760, $0x38;
	[tilespmem:$0x1FC00] =	vst v63  }
0x119: {  	_ =	swait.ge [sflag:s2], $0x2760  }
0x11a: {  	s10 =	rddreg [dreg:$0x17]  }
0x11b: {  	[sflag:s2] =	ssyncset.done $0x0;
	s14 =	rddreg [dreg:$0xe]  }
0x11c: {  	s21 =	sld [smem:$0x7F3];
	[sflag:s2] =	ssyncadd.s32 $0xFFFFD8A0  }
0x11d: {  	[tilespmem:s23], [sflag:$0x1] =	stream.indirect.gather [hbm4b:s10+s13], $0x80, s22, s13, $0xb8;
	[tilespmem:$0x1FC00] =	vst v63  }
0x11e: {  	s20 =	rddreg [dreg:$0x19]  }
0x11f: {  	[tilespmem:s24], [sflag:$0xA] =	stream.linear.gather [hbm4b:s14+s22], $0x60, $0x38;
	[tilespmem:$0x1FC00] =	vst v63  }
0x120: {  	[spmem:s21], [sflag:s5] =	dma.local [hbm:s20], $0x2800  }
0x121: {  	_ =	swait.ge [sflag:s2], $0x2800  }
0x122: {  	s0 =	sld [smem:$0x7F6]  }
0x123: {  	[sflag:s2] =	ssyncset.done $0x0  }
0x124: {  	[sflag:s2] =	ssyncadd.s32 $0xFFFFD800  }
0x125: {  	[spmem:s15], [sflag:s5] =	dma.local @!p1 [hbm:s0], $0x50  }
0x126: {  	_ =	swait.ge @!p1 [sflag:s1], $0x50  }
0x127: {  	[sflag:s1] =	ssyncset.done @!p1 $0x0  }
0x128: {  	p3 =	por $0x1, $0x1;
	[sflag:s1] =	ssyncadd.s32 @!p1 $0xFFFFFFB0  }
0x129: {  	s5 =	smov.u32 s18;
	s1 =	simm.s32 @!p3 $0x5;
	[bflag:$0x0] =	sbarrier.arrive $0xFFFF  }
0x12a: {  	p2 =	sne.s32 @!p3 s5, $0x0;
	_ =	swait.ge @!p3 [sflag:s1], $0x3000  }
0x12b: {  	p4 =	por p2, p3;
	[sflag:s1] =	ssyncset.done @!p3 $0x0  }
0x12c: {  	s2 =	simm.s32 @!p4 $0x8;
	[sflag:s1] =	ssyncadd.s32 @!p3 $0xFFFFD000  }
0x12d: {  	_ =	swait.ge @!p4 [sflag:s2], $0x60  }
0x12e: {  	[sflag:s2] =	ssyncset.done @!p4 $0x0;
	s0 =	rddreg [dreg:$0x7]  }
0x12f: {  	s15 =	simm.s32 $0x60;
	s20 =	sadd.s32 $0x0, s0;
	[sflag:s2] =	ssyncadd.s32 @!p4 $0xFFFFFFA0  }
0x130: {  	[tilespmem:s17], [sflag:$0x2] =	stream.indirect.gather [hbm4b:s10+s13], $0x80, s15, s13, $0xb8;
	[tilespmem:$0x1FC00] =	vst v63  }
0x131: {  	s18 =	simm.s32 $0x2800;
	s21 =	sadd.s32 $0xC, s20  }
0x132: {  	[tilespmem:s18], [sflag:$0xB] =	stream.linear.gather [hbm4b:s21+s22], $0x60, $0x38;
	[tilespmem:$0x1FC00] =	vst v63  }
0x133: {  	_ =	swait.ge [sflag:s30], $0x60  }
0x134: {  	[sflag:s30] =	ssyncset.done $0x0  }
0x135: {  	[sflag:s30] =	ssyncadd.s32 $0xFFFFFFA0  }
0x136: {  	_ =	swait.ge [sflag:s31], $0x3000  }
0x137: {  	[sflag:s31] =	ssyncset.done $0x0  }
0x138: {  	p5 =	por @!p3 $0x0, $0x0;
	p2 =	por !p2, p3;
	[sflag:s31] =	ssyncadd.s32 $0xFFFFD000  }
0x139: {  	[spmem:s4] =	stream.indirect.scatter.add.f32 [tilespmem:s23], [sflag:$0x4], $0x80, s24, s13, $0xb8;
	[tilespmem:$0x1FC00] =	vst v63  }
0x13a: {  	s1 =	simm.s32 @!p3 $0x6;
	p4 =	por @!p4 $0x1, $0x1;
	s2 =	simm.s32 @!p1 $0x2780  }
0x13b: {  	[spmem:s19] =	stream.indirect.scatter.add.f32 @!p1 [tilespmem:s26], [sflag:$0x7], $0x1, s2, s29, $0xb8;
	[tilespmem:$0x1FC00] =	vst v63  }
0x13c: {  	p4 =	por @!p2 p5, p5;
	p2 =	por $0x0, $0x0;
	_ =	swait.ge @!p3 [sflag:s1], $0x3000  }
0x13d: {  	p2 =	por @!p3 p4, p4;
	[sflag:s1] =	ssyncset.done @!p3 $0x0  }
0x13e: {  	s2 =	simm.s32 @p2 $0x9;
	[sflag:s1] =	ssyncadd.s32 @!p3 $0xFFFFD000  }
0x13f: {  	_ =	swait.ge @p2 [sflag:s2], $0x60  }
0x140: {  	[sflag:s2] =	ssyncset.done @p2 $0x0  }
0x141: {  	s23 =	simm.s32 $0xC0;
	[sflag:s2] =	ssyncadd.s32 @p2 $0xFFFFFFA0  }
0x142: {  	[tilespmem:s16], [sflag:$0x3] =	stream.indirect.gather [hbm4b:s10+s13], $0x80, s23, s13, $0xb8;
	[tilespmem:$0x1FC00] =	vst v63  }
0x143: {  	s24 =	sadd.s32 $0x18, s20  }
0x144: {  	[tilespmem:s3], [sflag:$0xC] =	stream.linear.gather [hbm4b:s24+s22], $0x60, $0x38;
	[tilespmem:$0x1FC00] =	vst v63  }
0x145: {  	_ =	swait.ge [sflag:s6], $0x60  }
0x146: {  	[sflag:s6] =	ssyncset.done $0x0  }
0x147: {  	[sflag:s6] =	ssyncadd.s32 $0xFFFFFFA0  }
0x148: {  	_ =	swait.ge [sflag:s7], $0x3000  }
0x149: {  	[sflag:s7] =	ssyncset.done $0x0  }
0x14a: {  	[sflag:s7] =	ssyncadd.s32 $0xFFFFD000  }
0x14b: {  	[spmem:s4] =	stream.indirect.scatter.add.f32 [tilespmem:s17], [sflag:$0x5], $0x80, s18, s13, $0xb8;
	[tilespmem:$0x1FC00] =	vst v63  }
0x14c: {  	_ =	swait.ge @p1 [sflag:s11], $0x3000  }
0x14d: {  	[sflag:s11] =	ssyncset.done @p1 $0x0  }
0x14e: {  	[sflag:s11] =	ssyncadd.s32 @p1 $0xFFFFD000  }
0x14f: {  	[spmem:s19] =	stream.indirect.scatter.add.f32 @!p1 [tilespmem:s26], [sflag:$0x8], $0x1, s25, s29, $0xb8;
	[tilespmem:$0x1FC00] =	vst v63  }
0x150: {  	_ =	swait.ge @!p1 [sflag:s12], $0x3000  }
0x151: {  	[sflag:s12] =	ssyncset.done @!p1 $0x0  }
0x152: {  	[sflag:s12] =	ssyncadd.s32 @!p1 $0xFFFFD000  }
0x153: {  	p2 =	por $0x0, $0x0;
	_ =	swait.ge @!p1 [sflag:s28], $0x60  }
0x154: {  	s1 =	simm.s32 $0x120;
	s2 =	simm.s32 @!p2 $0x60;
	[sflag:s28] =	ssyncset.done @!p1 $0x0  }
0x155: {  	s14 =	simm.s32 @!p2 $0x2900;
	s15 =	sadd.s32 @!p2 $0x0, s0;
	[sflag:s28] =	ssyncadd.s32 @!p1 $0xFFFFFFA0  }
0x156: {  	[tilespmem:s14], [sflag:$0x1] =	stream.indirect.gather @!p2 [hbm4b:s10+s2], $0x80, s1, s2, $0xb8;
	[tilespmem:$0x1FC00] =	vst v63  }
0x157: {  	s1 =	simm.s32 @!p2 $0x0;
	s2 =	sadd.s32 @!p2 $0x24, s15;
	s14 =	simm.s32 @!p2 $0x2780  }
0x158: {  	[tilespmem:s14], [sflag:$0xA] =	stream.linear.gather @!p2 [hbm4b:s2+s1], $0x60, $0x38;
	[tilespmem:$0x1FC00] =	vst v63  }
0x159: {  	_ =	swait.ge [sflag:s8], $0x60  }
0x15a: {  	p4 =	por $0x0, $0x0;
	[sflag:s8] =	ssyncset.done $0x0  }
0x15b: {  	s21 =	simm.s32 $0x24;
	p6 =	sne.s32 @!p4 s5, $0x0;
	[sflag:s8] =	ssyncadd.s32 $0xFFFFFFA0  }
0x15c: {  	p5 =	por @!p4 $0x0, $0x0;
	s20 =	simm.s32 $0x240;
	_ =	swait.ge [sflag:s9], $0x3000  }
0x15d: {  	s23 =	simm.s32 $0x48;
	s22 =	simm.s32 @!p1 $0x2880;
	[sflag:s9] =	ssyncset.done $0x0  }
0x15e: {  	s14 =	simm.s32 @!p1 $0x2880;
	s2 =	simm.s32 @!p1 $0x2880;
	[sflag:s9] =	ssyncadd.s32 $0xFFFFD000  }
.LBB2_4:
0x15f: {  	[spmem:s4] =	stream.indirect.scatter.add.f32 [tilespmem:s16], [sflag:$0x6], $0x80, s3, s13, $0xb8;
	[tilespmem:$0x1FC00] =	vst v63  }
0x160: {  	s1 =	simm.s32 @!p4 $0x5  }
0x161: {  	[spmem:s19] =	stream.indirect.scatter.add.f32 @!p1 [tilespmem:s26], [sflag:$0x9], $0x1, s14, s29, $0xb8;
	[tilespmem:$0x1FC00] =	vst v63  }
0x162: {  	_ =	swait.ge @!p4 [sflag:s1], $0x3000  }
0x163: {  	p2 =	por p6, p4;
	[sflag:s1] =	ssyncset.done @!p4 $0x0  }
0x164: {  	s24 =	simm.s32 @!p2 $0x8;
	[sflag:s1] =	ssyncadd.s32 @!p4 $0xFFFFD000  }
0x165: {  	_ =	swait.ge @!p2 [sflag:s24], $0x60  }
0x166: {  	[sflag:s24] =	ssyncset.done @!p2 $0x0  }
0x167: {  	s25 =	sadd.s32 s21, s0;
	s1 =	sadd.s32 $0xFFFFFF40, s20;
	[sflag:s24] =	ssyncadd.s32 @!p2 $0xFFFFFFA0  }
0x168: {  	[tilespmem:s17], [sflag:$0x2] =	stream.indirect.gather [hbm4b:s10+s13], $0x80, s1, s13, $0xb8;
	[tilespmem:$0x1FC00] =	vst v63  }
0x169: {  	s0 =	simm.s32 $0x0;
	s24 =	sadd.s32 $0xC, s25  }
0x16a: {  	[tilespmem:s18], [sflag:$0xB] =	stream.linear.gather [hbm4b:s24+s0], $0x60, $0x38;
	[tilespmem:$0x1FC00] =	vst v63  }
0x16b: {  	_ =	swait.ge [sflag:s30], $0x60  }
0x16c: {  	[sflag:s30] =	ssyncset.done $0x0  }
0x16d: {  	[sflag:s30] =	ssyncadd.s32 $0xFFFFFFA0  }
0x16e: {  	_ =	swait.ge [sflag:s31], $0x3000  }
0x16f: {  	p3 =	por !p6, p4;
	[sflag:s31] =	ssyncset.done $0x0  }
0x170: {  	s17 =	simm.s32 $0x2780;
	s24 =	simm.s32 $0x2900;
	[sflag:s31] =	ssyncadd.s32 $0xFFFFD000  }
0x171: {  	[spmem:s4] =	stream.indirect.scatter.add.f32 [tilespmem:s24], [sflag:$0x4], $0x80, s17, s13, $0xb8;
	[tilespmem:$0x1FC00] =	vst v63  }
0x172: {  	p6 =	por @!p2 $0x1, $0x1;
	s1 =	simm.s32 @!p4 $0x6;
	s24 =	simm.s32 @!p1 $0x2780  }
0x173: {  	[spmem:s19] =	stream.indirect.scatter.add.f32 @!p1 [tilespmem:s26], [sflag:$0x7], $0x1, s24, s29, $0xb8;
	[tilespmem:$0x1FC00] =	vst v63  }
0x174: {  	p6 =	por @!p3 p5, p5;
	p2 =	por $0x0, $0x0;
	_ =	swait.ge @!p4 [sflag:s1], $0x3000  }
0x175: {  	p2 =	por @!p4 p6, p6;
	[sflag:s1] =	ssyncset.done @!p4 $0x0  }
0x176: {  	s24 =	simm.s32 @p2 $0x9;
	[sflag:s1] =	ssyncadd.s32 @!p4 $0xFFFFD000  }
0x177: {  	_ =	swait.ge @p2 [sflag:s24], $0x60  }
0x178: {  	[sflag:s24] =	ssyncset.done @p2 $0x0  }
0x179: {  	s1 =	sadd.s32 $0xFFFFFFA0, s20;
	[sflag:s24] =	ssyncadd.s32 @p2 $0xFFFFFFA0  }
0x17a: {  	[tilespmem:s16], [sflag:$0x3] =	stream.indirect.gather [hbm4b:s10+s13], $0x80, s1, s13, $0xb8;
	[tilespmem:$0x1FC00] =	vst v63  }
0x17b: {  	s25 =	sadd.s32 $0x18, s25  }
0x17c: {  	[tilespmem:s3], [sflag:$0xC] =	stream.linear.gather [hbm4b:s25+s0], $0x60, $0x38;
	[tilespmem:$0x1FC00] =	vst v63  }
0x17d: {  	s0 =	rddreg [dreg:$0x7];
	_ =	swait.ge [sflag:s6], $0x60  }
0x17e: {  	[sflag:s6] =	ssyncset.done $0x0  }
0x17f: {  	[sflag:s6] =	ssyncadd.s32 $0xFFFFFFA0  }
0x180: {  	_ =	swait.ge [sflag:s7], $0x3000  }
0x181: {  	[sflag:s7] =	ssyncset.done $0x0  }
0x182: {  	s17 =	simm.s32 $0x5900;
	[sflag:s7] =	ssyncadd.s32 $0xFFFFD000  }
0x183: {  	[spmem:s4] =	stream.indirect.scatter.add.f32 [tilespmem:s17], [sflag:$0x5], $0x80, s18, s13, $0xb8;
	[tilespmem:$0x1FC00] =	vst v63  }
0x184: {  	_ =	swait.ge @p1 [sflag:s11], $0x3000  }
0x185: {  	[sflag:s11] =	ssyncset.done @p1 $0x0  }
0x186: {  	s1 =	simm.s32 @!p1 $0x2800;
	[sflag:s11] =	ssyncadd.s32 @p1 $0xFFFFD000  }
0x187: {  	[spmem:s19] =	stream.indirect.scatter.add.f32 @!p1 [tilespmem:s26], [sflag:$0x8], $0x1, s1, s29, $0xb8;
	[tilespmem:$0x1FC00] =	vst v63  }
0x188: {  	_ =	swait.ge @!p1 [sflag:s12], $0x3000  }
0x189: {  	[sflag:s12] =	ssyncset.done @!p1 $0x0  }
0x18a: {  	[sflag:s12] =	ssyncadd.s32 @!p1 $0xFFFFD000  }
0x18b: {  	s15 =	smov.u32 s23;
	p2 =	seq.s32 s21, $0x4C8;
	_ =	swait.ge @!p1 [sflag:s28], $0x60  }
0x18c: {  	s23 =	sadd.s32 $0x24, s23;
	s24 =	simm.s32 @!p2 $0x2900;
	[sflag:s28] =	ssyncset.done @!p1 $0x0  }
0x18d: {  	s21 =	sadd.s32 @!p2 s21, s0;
	s1 =	simm.s32 @!p2 $0x60;
	[sflag:s28] =	ssyncadd.s32 @!p1 $0xFFFFFFA0  }
0x18e: {  	[tilespmem:s24], [sflag:$0x1] =	stream.indirect.gather @!p2 [hbm4b:s10+s1], $0x80, s20, s1, $0xb8;
	[tilespmem:$0x1FC00] =	vst v63  }
0x18f: {  	s25 =	simm.s32 @!p2 $0x0;
	s1 =	sadd.s32 @!p2 $0x24, s21;
	s24 =	simm.s32 @!p2 $0x2780  }
0x190: {  	[tilespmem:s24], [sflag:$0xA] =	stream.linear.gather @!p2 [hbm4b:s1+s25], $0x60, $0x38;
	[tilespmem:$0x1FC00] =	vst v63  }
0x191: {  	p3 =	sne.s32 s23, $0x4EC;
	_ =	swait.ge [sflag:s8], $0x60  }
.Ltmp1:
0x192: {  	[sflag:s8] =	ssyncset.done $0x0;
	(pc) =	sbr.rel @p3 .LBB2_4-.Ltmp1, $4  }
0x193: {  	s14 =	smov.u32 s2;
	[sflag:s8] =	ssyncadd.s32 $0xFFFFFFA0  }
0x194: {  	s2 =	smov.u32 s22;
	s21 =	smov.u32 s15;
	_ =	swait.ge [sflag:s9], $0x3000  }
0x195: {  	s20 =	sadd.s32 $0x120, s20;
	p4 =	seq.s32 s21, $0x0;
	[sflag:s9] =	ssyncset.done $0x0  }
0x196: {  	p6 =	sne.s32 @!p4 s5, $0x0;
	p5 =	por @!p4 $0x0, $0x0;
	[sflag:s9] =	ssyncadd.s32 $0xFFFFD000  }
0x197: {  	[spmem:s4] =	stream.indirect.scatter.add.f32 [tilespmem:s16], [sflag:$0x6], $0x80, s3, s13, $0xb8;
	[tilespmem:$0x1FC00] =	vst v63  }
0x198: {  	s5 =	smov.u32 s0;
	s0 =	simm.s32 @!p4 $0x5  }
0x199: {  	[spmem:s19] =	stream.indirect.scatter.add.f32 @!p1 [tilespmem:s26], [sflag:$0x9], $0x1, s14, s29, $0xb8;
	[tilespmem:$0x1FC00] =	vst v63  }
0x19a: {  	_ =	swait.ge @!p4 [sflag:s0], $0x3000  }
0x19b: {  	p2 =	por p6, p4;
	[sflag:s0] =	ssyncset.done @!p4 $0x0  }
0x19c: {  	s1 =	simm.s32 @!p2 $0x8;
	[sflag:s0] =	ssyncadd.s32 @!p4 $0xFFFFD000  }
0x19d: {  	_ =	swait.ge @!p2 [sflag:s1], $0x60  }
0x19e: {  	[sflag:s1] =	ssyncset.done @!p2 $0x0  }
0x19f: {  	s24 =	sadd.s32 $0xFFFFFF40, s20;
	s15 =	sadd.s32 s21, s5;
	[sflag:s1] =	ssyncadd.s32 @!p2 $0xFFFFFFA0  }
0x1a0: {  	[tilespmem:s17], [sflag:$0x2] =	stream.indirect.gather [hbm4b:s10+s13], $0x80, s24, s13, $0xb8;
	[tilespmem:$0x1FC00] =	vst v63  }
0x1a1: {  	s25 =	sadd.s32 $0xC, s15;
	s14 =	simm.s32 $0x0  }
0x1a2: {  	[tilespmem:s18], [sflag:$0xB] =	stream.linear.gather [hbm4b:s25+s14], $0x60, $0x38;
	[tilespmem:$0x1FC00] =	vst v63  }
0x1a3: {  	_ =	swait.ge [sflag:s30], $0x60  }
0x1a4: {  	[sflag:s30] =	ssyncset.done $0x0  }
0x1a5: {  	[sflag:s30] =	ssyncadd.s32 $0xFFFFFFA0  }
0x1a6: {  	p3 =	por !p6, p4;
	_ =	swait.ge [sflag:s31], $0x3000  }
0x1a7: {  	s22 =	simm.s32 $0x2900;
	s23 =	simm.s32 $0x2780;
	[sflag:s31] =	ssyncset.done $0x0  }
0x1a8: {  	s11 =	simm.s32 @!p1 $0x2780;
	s12 =	simm.s32 @!p1 $0xB900;
	[sflag:s31] =	ssyncadd.s32 $0xFFFFD000  }
0x1a9: {  	[spmem:s4] =	stream.indirect.scatter.add.f32 [tilespmem:s22], [sflag:$0x4], $0x80, s23, s13, $0xb8;
	[tilespmem:$0x1FC00] =	vst v63  }
0x1aa: {  	s0 =	simm.s32 @!p4 $0x6;
	p2 =	por @!p2 $0x1, $0x1;
	s1 =	simm.s32 @!p1 $0x60  }
0x1ab: {  	[spmem:s19] =	stream.indirect.scatter.add.f32 @!p1 [tilespmem:s12], [sflag:$0x7], $0x1, s11, s1, $0xb8;
	[tilespmem:$0x1FC00] =	vst v63  }
0x1ac: {  	p2 =	por @!p3 p5, p5;
	p3 =	por $0x0, $0x0;
	_ =	swait.ge @!p4 [sflag:s0], $0x3000  }
0x1ad: {  	p3 =	por @!p4 p2, p2;
	[sflag:s0] =	ssyncset.done @!p4 $0x0  }
0x1ae: {  	s11 =	simm.s32 @p3 $0x9;
	[sflag:s0] =	ssyncadd.s32 @!p4 $0xFFFFD000  }
0x1af: {  	_ =	swait.ge @p3 [sflag:s11], $0x60  }
0x1b0: {  	[sflag:s11] =	ssyncset.done @p3 $0x0  }
0x1b1: {  	s26 =	sadd.s32 $0xFFFFFFA0, s20;
	[sflag:s11] =	ssyncadd.s32 @p3 $0xFFFFFFA0  }
0x1b2: {  	[tilespmem:s16], [sflag:$0x3] =	stream.indirect.gather [hbm4b:s10+s13], $0x80, s26, s13, $0xb8;
	[tilespmem:$0x1FC00] =	vst v63  }
0x1b3: {  	s15 =	sadd.s32 $0x18, s15  }
0x1b4: {  	[tilespmem:s3], [sflag:$0xC] =	stream.linear.gather [hbm4b:s15+s14], $0x60, $0x38;
	[tilespmem:$0x1FC00] =	vst v63  }
0x1b5: {  	_ =	swait.ge [sflag:s6], $0x60  }
0x1b6: {  	[sflag:s6] =	ssyncset.done $0x0  }
0x1b7: {  	[sflag:s6] =	ssyncadd.s32 $0xFFFFFFA0  }
0x1b8: {  	_ =	swait.ge [sflag:s7], $0x3000  }
0x1b9: {  	[sflag:s7] =	ssyncset.done $0x0  }
0x1ba: {  	s0 =	simm.s32 @p1 $0x4;
	[sflag:s7] =	ssyncadd.s32 $0xFFFFD000  }
0x1bb: {  	[spmem:s4] =	stream.indirect.scatter.add.f32 [tilespmem:s17], [sflag:$0x5], $0x80, s18, s13, $0xb8;
	[tilespmem:$0x1FC00] =	vst v63  }
0x1bc: {  	_ =	swait.ge @p1 [sflag:s0], $0x3000  }
0x1bd: {  	[sflag:s0] =	ssyncset.done @p1 $0x0  }
0x1be: {  	s11 =	simm.s32 @!p1 $0x4;
	s15 =	simm.s32 @!p1 $0x2800;
	[sflag:s0] =	ssyncadd.s32 @p1 $0xFFFFD000  }
0x1bf: {  	[spmem:s19] =	stream.indirect.scatter.add.f32 @!p1 [tilespmem:s12], [sflag:$0x8], $0x1, s15, s1, $0xb8;
	[tilespmem:$0x1FC00] =	vst v63  }
0x1c0: {  	_ =	swait.ge @!p1 [sflag:s11], $0x3000  }
0x1c1: {  	[sflag:s11] =	ssyncset.done @!p1 $0x0  }
0x1c2: {  	s0 =	simm.s32 @!p1 $0x7;
	[sflag:s11] =	ssyncadd.s32 @!p1 $0xFFFFD000  }
0x1c3: {  	p2 =	seq.s32 s21, $0x4C8;
	_ =	swait.ge @!p1 [sflag:s0], $0x60  }
0x1c4: {  	s15 =	simm.s32 @!p2 $0x60;
	[sflag:s0] =	ssyncset.done @!p1 $0x0  }
0x1c5: {  	s11 =	simm.s32 @!p2 $0x2900;
	[sflag:s0] =	ssyncadd.s32 @!p1 $0xFFFFFFA0;
	s0 =	sadd.s32 @!p2 s21, s5  }
0x1c6: {  	[tilespmem:s11], [sflag:$0x1] =	stream.indirect.gather @!p2 [hbm4b:s10+s15], $0x80, s20, s15, $0xb8;
	[tilespmem:$0x1FC00] =	vst v63  }
0x1c7: {  	s10 =	simm.s32 @!p2 $0x0;
	s0 =	sadd.s32 @!p2 $0x24, s0;
	s11 =	simm.s32 @!p2 $0x2780  }
0x1c8: {  	[tilespmem:s11], [sflag:$0xA] =	stream.linear.gather @!p2 [hbm4b:s0+s10], $0x60, $0x38;
	[tilespmem:$0x1FC00] =	vst v63  }
0x1c9: {  	_ =	swait.ge [sflag:s8], $0x60  }
0x1ca: {  	[sflag:s8] =	ssyncset.done $0x0  }
0x1cb: {  	[sflag:s8] =	ssyncadd.s32 $0xFFFFFFA0  }
0x1cc: {  	_ =	swait.ge [sflag:s9], $0x3000  }
0x1cd: {  	[sflag:s9] =	ssyncset.done $0x0  }
0x1ce: {  	[sflag:s9] =	ssyncadd.s32 $0xFFFFD000  }
0x1cf: {  	[spmem:s4] =	stream.indirect.scatter.add.f32 [tilespmem:s16], [sflag:$0x6], $0x80, s3, s13, $0xb8;
	[tilespmem:$0x1FC00] =	vst v63  }
0x1d0: {  	s21 =	simm.s32 $0x5  }
0x1d1: {  	[spmem:s19] =	stream.indirect.scatter.add.f32 @!p1 [tilespmem:s12], [sflag:$0x9], $0x1, s2, s1, $0xb8;
	[tilespmem:$0x1FC00] =	vst v63  }
0x1d2: {  	_ =	swait.ge [sflag:s21], $0x3000  }
0x1d3: {  	[sflag:s21] =	ssyncset.done $0x0  }
0x1d4: {  	s0 =	simm.s32 @p1 $0x6;
	[sflag:s21] =	ssyncadd.s32 $0xFFFFD000  }
0x1d5: {  	_ =	swait.ge @p1 [sflag:s0], $0x3000  }
0x1d6: {  	[sflag:s0] =	ssyncset.done @p1 $0x0  }
0x1d7: {  	[sflag:s0] =	ssyncadd.s32 @p1 $0xFFFFD000;
	s0 =	simm.s32 @!p1 $0x8  }
0x1d8: {  	_ =	swait.ge @!p1 [sflag:s0], $0x60  }
0x1d9: {  	[sflag:s0] =	ssyncset.done @!p1 $0x0  }
0x1da: {  	[sflag:s0] =	ssyncadd.s32 @!p1 $0xFFFFFFA0;
	s0 =	simm.s32 @!p1 $0x6  }
0x1db: {  	_ =	swait.ge @!p1 [sflag:s0], $0x3000  }
0x1dc: {  	[sflag:s0] =	ssyncset.done @!p1 $0x0  }
0x1dd: {  	[sflag:s0] =	ssyncadd.s32 @!p1 $0xFFFFD000;
	s0 =	simm.s32 @!p1 $0x9  }
0x1de: {  	_ =	swait.ge @!p1 [sflag:s0], $0x60  }
0x1df: {  	[sflag:s0] =	ssyncset.done @!p1 $0x0  }
0x1e0: {  	[sflag:s0] =	ssyncadd.s32 @!p1 $0xFFFFFFA0  }
0x1e1: {  	[bflag:$0x0] =	sbarrier.arrive $0xFFFF  }
0x1e2: {  	s24 =	sld [smem:$0x7FC]  }
0x1e3: {  	s2 =	sld [smem:$0x7F4]  }
0x1e4: {  	s1 =	sld [smem:$0x7F0];
	_ =	sdelay $0x1  }
0x1e5: {  	s0 =	rddreg [dreg:$0x10];
	p2 =	seq.s32 s24, $0x1  }
0x1e6: {  	[hbm:s0], [sflag:s2] =	dma.local @p2 [spmem:s1], $0x1900  }
0x1e7: {  	s0 =	simm.s32 @p2 $0xD  }
0x1e8: {  	_ =	swait.ge @p2 [sflag:s0], $0x1900  }
0x1e9: {  	s1 =	sld [smem:$0x7F1]  }
0x1ea: {  	[sflag:s0] =	ssyncset.done @p2 $0x0  }
0x1eb: {  	[sflag:s0] =	ssyncadd.s32 @p2 $0xFFFFE700;
	s0 =	rddreg [dreg:$0xf]  }
0x1ec: {  	[hbm:s0], [sflag:s2] =	dma.local @!p2 [spmem:s1], $0x2800  }
0x1ed: {  	s0 =	simm.s32 @!p2 $0xD  }
0x1ee: {  	_ =	swait.ge @!p2 [sflag:s0], $0x2800  }
0x1ef: {  	[sflag:s0] =	ssyncset.done @!p2 $0x0;
	s1 =	sld [smem:$0x7F5]  }
0x1f0: {  	[sflag:s0] =	ssyncadd.s32 @!p2 $0xFFFFD800;
	s0 =	sld [smem:$0x7F8];
	_ =	sdelay $0x2  }
0x1f1: {  	[hbm:s0], [sflag:s2] =	dma.local @!p1 [spmem:s1], $0x50  }
0x1f2: {  	s0 =	simm.s32 @!p1 $0xD  }
0x1f3: {  	_ =	swait.ge @!p1 [sflag:s0], $0x50  }
0x1f4: {  	[sflag:s0] =	ssyncset.done @!p1 $0x0  }
0x1f5: {  	s26 =	simm.s32 $0xD;
	s25 =	rddreg [dreg:$0x1e];
	[sflag:s0] =	ssyncadd.s32 @!p1 $0xFFFFFFB0  }
0x1f6: {  	[tilespmem:s14], [sflag:$0xD] =	stream.linear.gather [hbm4b:s25+s14], $0x2760, $0x38;
	[tilespmem:$0x1FC00] =	vst v63  }
0x1f7: {  	_ =	swait.ge [sflag:s26], $0x2760  }
0x1f8: {  	[sflag:s26] =	ssyncset.done $0x0;
	s11 =	rddreg [dreg:$0x15]  }
0x1f9: {  	s15 =	sld [smem:$0x7F3];
	[sflag:s26] =	ssyncadd.s32 $0xFFFFD8A0  }
0x1fa: {  	s5 =	rddreg [dreg:$0x0]  }
0x1fb: {  	[tilespmem:s22], [sflag:$0x1] =	stream.indirect.gather [hbm4b:s5+s13], $0x80, s14, s13, $0xb8;
	[tilespmem:$0x1FC00] =	vst v63  }
0x1fc: {  	s12 =	rddreg [dreg:$0x19]  }
0x1fd: {  	[tilespmem:s23], [sflag:$0xA] =	stream.linear.gather [hbm4b:s11+s14], $0x60, $0x38;
	[tilespmem:$0x1FC00] =	vst v63  }
0x1fe: {  	[spmem:s15], [sflag:s2] =	dma.local [hbm:s12], $0x2800  }
0x1ff: {  	_ =	swait.ge [sflag:s26], $0x2800  }
0x200: {  	s0 =	rddreg [dreg:$0x1b]  }
0x201: {  	s1 =	sshrl.u32 @p0 s0, $0x3;
	s0 =	sld [smem:$0x7F6]  }
0x202: {  	[sflag:s26] =	ssyncset.done $0x0  }
0x203: {  	[sflag:s26] =	ssyncadd.s32 $0xFFFFD800;
	[smem:$0x7EF] =	sst s1  }
0x204: {  	[spmem:s1], [sflag:s2] =	dma.local @p0 [hbm:s0], $0x50  }
0x205: {  	s0 =	simm.s32 @p0 $0xD  }
0x206: {  	_ =	swait.ge @p0 [sflag:s0], $0x50  }
0x207: {  	[sflag:s0] =	ssyncset.done @p0 $0x0  }
0x208: {  	p3 =	por $0x1, $0x1;
	[sflag:s0] =	ssyncadd.s32 @p0 $0xFFFFFFB0  }
0x209: {  	s0 =	simm.s32 @!p3 $0x5;
	[bflag:$0x0] =	sbarrier.arrive $0xFFFF  }
0x20a: {  	_ =	swait.ge @!p3 [sflag:s0], $0x3000  }
0x20b: {  	p4 =	por !p0, p3;
	[sflag:s0] =	ssyncset.done @!p3 $0x0  }
0x20c: {  	s1 =	simm.s32 @!p4 $0x8;
	[sflag:s0] =	ssyncadd.s32 @!p3 $0xFFFFD000  }
0x20d: {  	_ =	swait.ge @!p4 [sflag:s1], $0x60  }
0x20e: {  	[sflag:s1] =	ssyncset.done @!p4 $0x0;
	s11 =	rddreg [dreg:$0x8]  }
0x20f: {  	s20 =	simm.s32 $0x60;
	s21 =	sadd.s32 $0x0, s11;
	[sflag:s1] =	ssyncadd.s32 @!p4 $0xFFFFFFA0  }
0x210: {  	[tilespmem:s17], [sflag:$0x2] =	stream.indirect.gather [hbm4b:s5+s13], $0x80, s20, s13, $0xb8;
	[tilespmem:$0x1FC00] =	vst v63  }
0x211: {  	s24 =	sadd.s32 $0xC, s21  }
0x212: {  	[tilespmem:s18], [sflag:$0xB] =	stream.linear.gather [hbm4b:s24+s14], $0x60, $0x38;
	[tilespmem:$0x1FC00] =	vst v63  }
0x213: {  	_ =	swait.ge [sflag:s30], $0x60  }
0x214: {  	[sflag:s30] =	ssyncset.done $0x0  }
0x215: {  	[sflag:s30] =	ssyncadd.s32 $0xFFFFFFA0  }
0x216: {  	_ =	swait.ge [sflag:s31], $0x3000  }
0x217: {  	p5 =	por @!p4 $0x1, $0x1;
	[sflag:s31] =	ssyncset.done $0x0  }
0x218: {  	s10 =	simm.s32 @p0 $0x60;
	p2 =	por @!p3 $0x0, $0x0;
	[sflag:s31] =	ssyncadd.s32 $0xFFFFD000  }
0x219: {  	[spmem:s4] =	stream.indirect.scatter.add.f32 [tilespmem:s22], [sflag:$0x4], $0x80, s23, s13, $0xb8;
	[tilespmem:$0x1FC00] =	vst v63  }
0x21a: {  	s12 =	simm.s32 @p0 $0x2780;
	s0 =	simm.s32 @p0 $0xB900;
	s1 =	simm.s32 @!p3 $0x6  }
0x21b: {  	[spmem:s19] =	stream.indirect.scatter.add.f32 @p0 [tilespmem:s0], [sflag:$0x7], $0x1, s12, s10, $0xb8;
	[tilespmem:$0x1FC00] =	vst v63  }
0x21c: {  	p2 =	por @!p4 p5, p5;
	p4 =	por $0x0, $0x0;
	_ =	swait.ge @!p3 [sflag:s1], $0x3000  }
0x21d: {  	p4 =	por @!p3 p2, p2;
	[sflag:s1] =	ssyncset.done @!p3 $0x0  }
0x21e: {  	[sflag:s1] =	ssyncadd.s32 @!p3 $0xFFFFD000;
	s1 =	simm.s32 @p4 $0x9  }
0x21f: {  	_ =	swait.ge @p4 [sflag:s1], $0x60  }
0x220: {  	[sflag:s1] =	ssyncset.done @p4 $0x0  }
0x221: {  	s25 =	simm.s32 $0xC0;
	[sflag:s1] =	ssyncadd.s32 @p4 $0xFFFFFFA0  }
0x222: {  	[tilespmem:s16], [sflag:$0x3] =	stream.indirect.gather [hbm4b:s5+s13], $0x80, s25, s13, $0xb8;
	[tilespmem:$0x1FC00] =	vst v63  }
0x223: {  	s26 =	sadd.s32 $0x18, s21  }
0x224: {  	[tilespmem:s3], [sflag:$0xC] =	stream.linear.gather [hbm4b:s26+s14], $0x60, $0x38;
	[tilespmem:$0x1FC00] =	vst v63  }
0x225: {  	_ =	swait.ge [sflag:s6], $0x60  }
0x226: {  	[sflag:s6] =	ssyncset.done $0x0  }
0x227: {  	[sflag:s6] =	ssyncadd.s32 $0xFFFFFFA0  }
0x228: {  	_ =	swait.ge [sflag:s7], $0x3000  }
0x229: {  	[sflag:s7] =	ssyncset.done $0x0  }
0x22a: {  	s12 =	simm.s32 @!p0 $0x4;
	[sflag:s7] =	ssyncadd.s32 $0xFFFFD000  }
0x22b: {  	[spmem:s4] =	stream.indirect.scatter.add.f32 [tilespmem:s17], [sflag:$0x5], $0x80, s18, s13, $0xb8;
	[tilespmem:$0x1FC00] =	vst v63  }
0x22c: {  	_ =	swait.ge @!p0 [sflag:s12], $0x3000  }
0x22d: {  	[sflag:s12] =	ssyncset.done @!p0 $0x0  }
0x22e: {  	s28 =	simm.s32 @p0 $0x4;
	s26 =	simm.s32 @p0 $0x2800;
	[sflag:s12] =	ssyncadd.s32 @!p0 $0xFFFFD000  }
0x22f: {  	[spmem:s19] =	stream.indirect.scatter.add.f32 @p0 [tilespmem:s0], [sflag:$0x8], $0x1, s26, s10, $0xb8;
	[tilespmem:$0x1FC00] =	vst v63  }
0x230: {  	_ =	swait.ge @p0 [sflag:s28], $0x3000  }
0x231: {  	[sflag:s28] =	ssyncset.done @p0 $0x0  }
0x232: {  	s29 =	simm.s32 @p0 $0x7;
	[sflag:s28] =	ssyncadd.s32 @p0 $0xFFFFD000  }
0x233: {  	p2 =	por $0x0, $0x0;
	_ =	swait.ge @p0 [sflag:s29], $0x60  }
0x234: {  	s2 =	simm.s32 @!p2 $0x60;
	s15 =	sadd.s32 @!p2 $0x0, s11;
	[sflag:s29] =	ssyncset.done @p0 $0x0  }
0x235: {  	s1 =	simm.s32 $0x120;
	s14 =	simm.s32 @!p2 $0x2900;
	[sflag:s29] =	ssyncadd.s32 @p0 $0xFFFFFFA0  }
0x236: {  	[tilespmem:s14], [sflag:$0x1] =	stream.indirect.gather @!p2 [hbm4b:s5+s2], $0x80, s1, s2, $0xb8;
	[tilespmem:$0x1FC00] =	vst v63  }
0x237: {  	s1 =	simm.s32 @!p2 $0x0;
	s2 =	sadd.s32 @!p2 $0x24, s15;
	s14 =	simm.s32 @!p2 $0x2780  }
0x238: {  	[tilespmem:s14], [sflag:$0xA] =	stream.linear.gather @!p2 [hbm4b:s2+s1], $0x60, $0x38;
	[tilespmem:$0x1FC00] =	vst v63  }
0x239: {  	_ =	swait.ge [sflag:s8], $0x60  }
0x23a: {  	[sflag:s8] =	ssyncset.done $0x0  }
0x23b: {  	s21 =	simm.s32 $0x24;
	[sflag:s8] =	ssyncadd.s32 $0xFFFFFFA0  }
0x23c: {  	s20 =	simm.s32 $0x240;
	s22 =	simm.s32 @p0 $0x2880;
	_ =	swait.ge [sflag:s9], $0x3000  }
0x23d: {  	s23 =	simm.s32 $0x48;
	p4 =	por $0x0, $0x0;
	[sflag:s9] =	ssyncset.done $0x0  }
0x23e: {  	s14 =	simm.s32 @p0 $0x2880;
	s2 =	simm.s32 @p0 $0x2880;
	[sflag:s9] =	ssyncadd.s32 $0xFFFFD000  }
.LBB2_6:
0x23f: {  	[spmem:s4] =	stream.indirect.scatter.add.f32 [tilespmem:s16], [sflag:$0x6], $0x80, s3, s13, $0xb8;
	[tilespmem:$0x1FC00] =	vst v63  }
0x240: {  	s1 =	simm.s32 @!p4 $0x5  }
0x241: {  	[spmem:s19] =	stream.indirect.scatter.add.f32 @p0 [tilespmem:s0], [sflag:$0x9], $0x1, s14, s10, $0xb8;
	[tilespmem:$0x1FC00] =	vst v63  }
0x242: {  	_ =	swait.ge @!p4 [sflag:s1], $0x3000  }
0x243: {  	p2 =	por !p0, p4;
	[sflag:s1] =	ssyncset.done @!p4 $0x0  }
0x244: {  	s24 =	simm.s32 @!p2 $0x8;
	[sflag:s1] =	ssyncadd.s32 @!p4 $0xFFFFD000  }
0x245: {  	_ =	swait.ge @!p2 [sflag:s24], $0x60  }
0x246: {  	[sflag:s24] =	ssyncset.done @!p2 $0x0  }
0x247: {  	s25 =	sadd.s32 s21, s11;
	s1 =	sadd.s32 $0xFFFFFF40, s20;
	[sflag:s24] =	ssyncadd.s32 @!p2 $0xFFFFFFA0  }
0x248: {  	[tilespmem:s17], [sflag:$0x2] =	stream.indirect.gather [hbm4b:s5+s13], $0x80, s1, s13, $0xb8;
	[tilespmem:$0x1FC00] =	vst v63  }
0x249: {  	s11 =	simm.s32 $0x0;
	s24 =	sadd.s32 $0xC, s25  }
0x24a: {  	[tilespmem:s18], [sflag:$0xB] =	stream.linear.gather [hbm4b:s24+s11], $0x60, $0x38;
	[tilespmem:$0x1FC00] =	vst v63  }
0x24b: {  	_ =	swait.ge [sflag:s30], $0x60  }
0x24c: {  	[sflag:s30] =	ssyncset.done $0x0  }
0x24d: {  	[sflag:s30] =	ssyncadd.s32 $0xFFFFFFA0  }
0x24e: {  	_ =	swait.ge [sflag:s31], $0x3000  }
0x24f: {  	p5 =	por @!p4 $0x0, $0x0;
	[sflag:s31] =	ssyncset.done $0x0  }
0x250: {  	s17 =	simm.s32 $0x2900;
	s24 =	simm.s32 $0x2780;
	[sflag:s31] =	ssyncadd.s32 $0xFFFFD000  }
0x251: {  	[spmem:s4] =	stream.indirect.scatter.add.f32 [tilespmem:s17], [sflag:$0x4], $0x80, s24, s13, $0xb8;
	[tilespmem:$0x1FC00] =	vst v63  }
0x252: {  	p6 =	por @!p2 $0x1, $0x1;
	s1 =	simm.s32 @!p4 $0x6;
	s24 =	simm.s32 @p0 $0x2780  }
0x253: {  	[spmem:s19] =	stream.indirect.scatter.add.f32 @p0 [tilespmem:s0], [sflag:$0x7], $0x1, s24, s10, $0xb8;
	[tilespmem:$0x1FC00] =	vst v63  }
0x254: {  	p5 =	por @!p2 p6, p6;
	p2 =	por $0x0, $0x0;
	_ =	swait.ge @!p4 [sflag:s1], $0x3000  }
0x255: {  	p2 =	por @!p4 p5, p5;
	[sflag:s1] =	ssyncset.done @!p4 $0x0  }
0x256: {  	s24 =	simm.s32 @p2 $0x9;
	[sflag:s1] =	ssyncadd.s32 @!p4 $0xFFFFD000  }
0x257: {  	_ =	swait.ge @p2 [sflag:s24], $0x60  }
0x258: {  	[sflag:s24] =	ssyncset.done @p2 $0x0  }
0x259: {  	s1 =	sadd.s32 $0xFFFFFFA0, s20;
	[sflag:s24] =	ssyncadd.s32 @p2 $0xFFFFFFA0  }
0x25a: {  	[tilespmem:s16], [sflag:$0x3] =	stream.indirect.gather [hbm4b:s5+s13], $0x80, s1, s13, $0xb8;
	[tilespmem:$0x1FC00] =	vst v63  }
0x25b: {  	s25 =	sadd.s32 $0x18, s25  }
0x25c: {  	[tilespmem:s3], [sflag:$0xC] =	stream.linear.gather [hbm4b:s25+s11], $0x60, $0x38;
	[tilespmem:$0x1FC00] =	vst v63  }
0x25d: {  	s11 =	rddreg [dreg:$0x8];
	_ =	swait.ge [sflag:s6], $0x60  }
0x25e: {  	[sflag:s6] =	ssyncset.done $0x0  }
0x25f: {  	[sflag:s6] =	ssyncadd.s32 $0xFFFFFFA0  }
0x260: {  	_ =	swait.ge [sflag:s7], $0x3000  }
0x261: {  	[sflag:s7] =	ssyncset.done $0x0  }
0x262: {  	s17 =	simm.s32 $0x5900;
	[sflag:s7] =	ssyncadd.s32 $0xFFFFD000  }
0x263: {  	[spmem:s4] =	stream.indirect.scatter.add.f32 [tilespmem:s17], [sflag:$0x5], $0x80, s18, s13, $0xb8;
	[tilespmem:$0x1FC00] =	vst v63  }
0x264: {  	_ =	swait.ge @!p0 [sflag:s12], $0x3000  }
0x265: {  	[sflag:s12] =	ssyncset.done @!p0 $0x0  }
0x266: {  	[sflag:s12] =	ssyncadd.s32 @!p0 $0xFFFFD000  }
0x267: {  	[spmem:s19] =	stream.indirect.scatter.add.f32 @p0 [tilespmem:s0], [sflag:$0x8], $0x1, s26, s10, $0xb8;
	[tilespmem:$0x1FC00] =	vst v63  }
0x268: {  	_ =	swait.ge @p0 [sflag:s28], $0x3000  }
0x269: {  	[sflag:s28] =	ssyncset.done @p0 $0x0  }
0x26a: {  	[sflag:s28] =	ssyncadd.s32 @p0 $0xFFFFD000  }
0x26b: {  	s15 =	smov.u32 s23;
	p2 =	seq.s32 s21, $0x4C8;
	_ =	swait.ge @p0 [sflag:s29], $0x60  }
0x26c: {  	s23 =	sadd.s32 $0x24, s23;
	s1 =	simm.s32 @!p2 $0x60;
	[sflag:s29] =	ssyncset.done @p0 $0x0  }
0x26d: {  	s24 =	simm.s32 @!p2 $0x2900;
	s21 =	sadd.s32 @!p2 s21, s11;
	[sflag:s29] =	ssyncadd.s32 @p0 $0xFFFFFFA0  }
0x26e: {  	[tilespmem:s24], [sflag:$0x1] =	stream.indirect.gather @!p2 [hbm4b:s5+s1], $0x80, s20, s1, $0xb8;
	[tilespmem:$0x1FC00] =	vst v63  }
0x26f: {  	s25 =	simm.s32 @!p2 $0x0;
	s1 =	sadd.s32 @!p2 $0x24, s21;
	s24 =	simm.s32 @!p2 $0x2780  }
0x270: {  	[tilespmem:s24], [sflag:$0xA] =	stream.linear.gather @!p2 [hbm4b:s1+s25], $0x60, $0x38;
	[tilespmem:$0x1FC00] =	vst v63  }
0x271: {  	p3 =	sne.s32 s23, $0x4EC;
	_ =	swait.ge [sflag:s8], $0x60  }
.Ltmp2:
0x272: {  	[sflag:s8] =	ssyncset.done $0x0;
	(pc) =	sbr.rel @p3 .LBB2_6-.Ltmp2, $4  }
0x273: {  	[sflag:s8] =	ssyncadd.s32 $0xFFFFFFA0  }
0x274: {  	s14 =	smov.u32 s2;
	_ =	swait.ge [sflag:s9], $0x3000  }
0x275: {  	s2 =	smov.u32 s22;
	s21 =	smov.u32 s15;
	[sflag:s9] =	ssyncset.done $0x0  }
0x276: {  	s20 =	sadd.s32 $0x120, s20;
	p4 =	seq.s32 s21, $0x0;
	[sflag:s9] =	ssyncadd.s32 $0xFFFFD000  }
0x277: {  	[spmem:s4] =	stream.indirect.scatter.add.f32 [tilespmem:s16], [sflag:$0x6], $0x80, s3, s13, $0xb8;
	[tilespmem:$0x1FC00] =	vst v63  }
0x278: {  	s1 =	simm.s32 @!p4 $0x5  }
0x279: {  	[spmem:s19] =	stream.indirect.scatter.add.f32 @p0 [tilespmem:s0], [sflag:$0x9], $0x1, s14, s10, $0xb8;
	[tilespmem:$0x1FC00] =	vst v63  }
0x27a: {  	_ =	swait.ge @!p4 [sflag:s1], $0x3000  }
0x27b: {  	p3 =	por !p0, p4;
	[sflag:s1] =	ssyncset.done @!p4 $0x0  }
0x27c: {  	s0 =	simm.s32 @!p3 $0x8;
	[sflag:s1] =	ssyncadd.s32 @!p4 $0xFFFFD000  }
0x27d: {  	_ =	swait.ge @!p3 [sflag:s0], $0x60  }
0x27e: {  	[sflag:s0] =	ssyncset.done @!p3 $0x0  }
0x27f: {  	s24 =	sadd.s32 $0xFFFFFF40, s20;
	s25 =	sadd.s32 s21, s11;
	[sflag:s0] =	ssyncadd.s32 @!p3 $0xFFFFFFA0  }
0x280: {  	[tilespmem:s17], [sflag:$0x2] =	stream.indirect.gather [hbm4b:s5+s13], $0x80, s24, s13, $0xb8;
	[tilespmem:$0x1FC00] =	vst v63  }
0x281: {  	s22 =	simm.s32 $0x0;
	s1 =	sadd.s32 $0xC, s25  }
0x282: {  	[tilespmem:s18], [sflag:$0xB] =	stream.linear.gather [hbm4b:s1+s22], $0x60, $0x38;
	[tilespmem:$0x1FC00] =	vst v63  }
0x283: {  	_ =	swait.ge [sflag:s30], $0x60  }
0x284: {  	[sflag:s30] =	ssyncset.done $0x0  }
0x285: {  	[sflag:s30] =	ssyncadd.s32 $0xFFFFFFA0  }
0x286: {  	p2 =	por @!p4 $0x0, $0x0;
	_ =	swait.ge [sflag:s31], $0x3000  }
0x287: {  	s23 =	simm.s32 $0x2900;
	s26 =	simm.s32 @p0 $0x60;
	[sflag:s31] =	ssyncset.done $0x0  }
0x288: {  	s12 =	simm.s32 @p0 $0x2780;
	s24 =	simm.s32 $0x2780;
	[sflag:s31] =	ssyncadd.s32 $0xFFFFD000  }
0x289: {  	[spmem:s4] =	stream.indirect.scatter.add.f32 [tilespmem:s23], [sflag:$0x4], $0x80, s24, s13, $0xb8;
	[tilespmem:$0x1FC00] =	vst v63  }
0x28a: {  	p5 =	por @!p3 $0x1, $0x1;
	s0 =	simm.s32 @p0 $0xB900;
	s1 =	simm.s32 @!p4 $0x6  }
0x28b: {  	[spmem:s19] =	stream.indirect.scatter.add.f32 @p0 [tilespmem:s0], [sflag:$0x7], $0x1, s12, s26, $0xb8;
	[tilespmem:$0x1FC00] =	vst v63  }
0x28c: {  	p2 =	por @!p3 p5, p5;
	p3 =	por $0x0, $0x0;
	_ =	swait.ge @!p4 [sflag:s1], $0x3000  }
0x28d: {  	p3 =	por @!p4 p2, p2;
	[sflag:s1] =	ssyncset.done @!p4 $0x0  }
0x28e: {  	s15 =	smov.u32 s11;
	s11 =	simm.s32 @p3 $0x9;
	[sflag:s1] =	ssyncadd.s32 @!p4 $0xFFFFD000  }
0x28f: {  	_ =	swait.ge @p3 [sflag:s11], $0x60  }
0x290: {  	[sflag:s11] =	ssyncset.done @p3 $0x0  }
0x291: {  	s12 =	sadd.s32 $0xFFFFFFA0, s20;
	[sflag:s11] =	ssyncadd.s32 @p3 $0xFFFFFFA0  }
0x292: {  	[tilespmem:s16], [sflag:$0x3] =	stream.indirect.gather [hbm4b:s5+s13], $0x80, s12, s13, $0xb8;
	[tilespmem:$0x1FC00] =	vst v63  }
0x293: {  	s14 =	sadd.s32 $0x18, s25  }
0x294: {  	[tilespmem:s3], [sflag:$0xC] =	stream.linear.gather [hbm4b:s14+s22], $0x60, $0x38;
	[tilespmem:$0x1FC00] =	vst v63  }
0x295: {  	_ =	swait.ge [sflag:s6], $0x60  }
0x296: {  	[sflag:s6] =	ssyncset.done $0x0  }
0x297: {  	[sflag:s6] =	ssyncadd.s32 $0xFFFFFFA0  }
0x298: {  	_ =	swait.ge [sflag:s7], $0x3000  }
0x299: {  	[sflag:s7] =	ssyncset.done $0x0  }
0x29a: {  	s11 =	simm.s32 @!p0 $0x4;
	[sflag:s7] =	ssyncadd.s32 $0xFFFFD000  }
0x29b: {  	[spmem:s4] =	stream.indirect.scatter.add.f32 [tilespmem:s17], [sflag:$0x5], $0x80, s18, s13, $0xb8;
	[tilespmem:$0x1FC00] =	vst v63  }
0x29c: {  	_ =	swait.ge @!p0 [sflag:s11], $0x3000  }
0x29d: {  	[sflag:s11] =	ssyncset.done @!p0 $0x0  }
0x29e: {  	s28 =	simm.s32 @p0 $0x4;
	s25 =	simm.s32 @p0 $0x2800;
	[sflag:s11] =	ssyncadd.s32 @!p0 $0xFFFFD000  }
0x29f: {  	[spmem:s19] =	stream.indirect.scatter.add.f32 @p0 [tilespmem:s0], [sflag:$0x8], $0x1, s25, s26, $0xb8;
	[tilespmem:$0x1FC00] =	vst v63  }
0x2a0: {  	_ =	swait.ge @p0 [sflag:s28], $0x3000  }
0x2a1: {  	[sflag:s28] =	ssyncset.done @p0 $0x0  }
0x2a2: {  	s10 =	simm.s32 @p0 $0x7;
	[sflag:s28] =	ssyncadd.s32 @p0 $0xFFFFD000  }
0x2a3: {  	p2 =	seq.s32 s21, $0x4C8;
	_ =	swait.ge @p0 [sflag:s10], $0x60  }
0x2a4: {  	s15 =	sadd.s32 @!p2 s21, s15;
	[sflag:s10] =	ssyncset.done @p0 $0x0  }
0x2a5: {  	s1 =	simm.s32 @!p2 $0x60;
	s14 =	simm.s32 @!p2 $0x2900;
	[sflag:s10] =	ssyncadd.s32 @p0 $0xFFFFFFA0  }
0x2a6: {  	[tilespmem:s14], [sflag:$0x1] =	stream.indirect.gather @!p2 [hbm4b:s5+s1], $0x80, s20, s1, $0xb8;
	[tilespmem:$0x1FC00] =	vst v63  }
0x2a7: {  	s1 =	simm.s32 @!p2 $0x0;
	s14 =	sadd.s32 @!p2 $0x24, s15;
	s15 =	simm.s32 @!p2 $0x2780  }
0x2a8: {  	[tilespmem:s15], [sflag:$0xA] =	stream.linear.gather @!p2 [hbm4b:s14+s1], $0x60, $0x38;
	[tilespmem:$0x1FC00] =	vst v63  }
0x2a9: {  	_ =	swait.ge [sflag:s8], $0x60  }
0x2aa: {  	[sflag:s8] =	ssyncset.done $0x0  }
0x2ab: {  	[sflag:s8] =	ssyncadd.s32 $0xFFFFFFA0  }
0x2ac: {  	_ =	swait.ge [sflag:s9], $0x3000  }
0x2ad: {  	[sflag:s9] =	ssyncset.done $0x0  }
0x2ae: {  	[sflag:s9] =	ssyncadd.s32 $0xFFFFD000  }
0x2af: {  	[spmem:s4] =	stream.indirect.scatter.add.f32 [tilespmem:s16], [sflag:$0x6], $0x80, s3, s13, $0xb8;
	[tilespmem:$0x1FC00] =	vst v63  }
0x2b0: {  	s20 =	simm.s32 $0x5  }
0x2b1: {  	[spmem:s19] =	stream.indirect.scatter.add.f32 @p0 [tilespmem:s0], [sflag:$0x9], $0x1, s2, s26, $0xb8;
	[tilespmem:$0x1FC00] =	vst v63  }
0x2b2: {  	_ =	swait.ge [sflag:s20], $0x3000  }
0x2b3: {  	[sflag:s20] =	ssyncset.done $0x0  }
0x2b4: {  	s1 =	simm.s32 @!p0 $0x6;
	[sflag:s20] =	ssyncadd.s32 $0xFFFFD000  }
0x2b5: {  	_ =	swait.ge @!p0 [sflag:s1], $0x3000  }
0x2b6: {  	[sflag:s1] =	ssyncset.done @!p0 $0x0  }
0x2b7: {  	[sflag:s1] =	ssyncadd.s32 @!p0 $0xFFFFD000;
	s1 =	simm.s32 @p0 $0x8  }
0x2b8: {  	_ =	swait.ge @p0 [sflag:s1], $0x60  }
0x2b9: {  	[sflag:s1] =	ssyncset.done @p0 $0x0  }
0x2ba: {  	[sflag:s1] =	ssyncadd.s32 @p0 $0xFFFFFFA0;
	s1 =	simm.s32 @p0 $0x6  }
0x2bb: {  	_ =	swait.ge @p0 [sflag:s1], $0x3000  }
0x2bc: {  	[sflag:s1] =	ssyncset.done @p0 $0x0  }
0x2bd: {  	[sflag:s1] =	ssyncadd.s32 @p0 $0xFFFFD000;
	s1 =	simm.s32 @p0 $0x9  }
0x2be: {  	_ =	swait.ge @p0 [sflag:s1], $0x60  }
0x2bf: {  	[sflag:s1] =	ssyncset.done @p0 $0x0  }
0x2c0: {  	[sflag:s1] =	ssyncadd.s32 @p0 $0xFFFFFFA0  }
0x2c1: {  	[bflag:$0x0] =	sbarrier.arrive $0xFFFF  }
0x2c2: {  	s21 =	sld [smem:$0x7FC]  }
0x2c3: {  	s12 =	sld [smem:$0x7F4]  }
0x2c4: {  	s2 =	sld [smem:$0x7F0];
	_ =	sdelay $0x1  }
0x2c5: {  	s1 =	rddreg [dreg:$0x12];
	p2 =	seq.s32 s21, $0x1  }
0x2c6: {  	[hbm:s1], [sflag:s12] =	dma.local @p2 [spmem:s2], $0x1900  }
0x2c7: {  	s1 =	simm.s32 @p2 $0xD  }
0x2c8: {  	_ =	swait.ge @p2 [sflag:s1], $0x1900  }
0x2c9: {  	s2 =	sld [smem:$0x7F1]  }
0x2ca: {  	[sflag:s1] =	ssyncset.done @p2 $0x0  }
0x2cb: {  	[sflag:s1] =	ssyncadd.s32 @p2 $0xFFFFE700;
	s1 =	rddreg [dreg:$0x11]  }
0x2cc: {  	[hbm:s1], [sflag:s12] =	dma.local @!p2 [spmem:s2], $0x2800  }
0x2cd: {  	s1 =	simm.s32 @!p2 $0xD  }
0x2ce: {  	_ =	swait.ge @!p2 [sflag:s1], $0x2800  }
0x2cf: {  	[sflag:s1] =	ssyncset.done @!p2 $0x0;
	s15 =	sld [smem:$0x7EF]  }
0x2d0: {  	[sflag:s1] =	ssyncadd.s32 @!p2 $0xFFFFD800;
	s1 =	sld [smem:$0x7F9];
	_ =	sdelay $0x2  }
0x2d1: {  	[hbm:s1], [sflag:s12] =	dma.local @p0 [spmem:s15], $0x50  }
0x2d2: {  	s1 =	simm.s32 @p0 $0xD  }
0x2d3: {  	_ =	swait.ge @p0 [sflag:s1], $0x50  }
0x2d4: {  	[sflag:s1] =	ssyncset.done @p0 $0x0  }
0x2d5: {  	s5 =	rddreg [dreg:$0x1f];
	[sflag:s1] =	ssyncadd.s32 @p0 $0xFFFFFFB0  }
0x2d6: {  	[tilespmem:s22], [sflag:$0xD] =	stream.linear.gather [hbm4b:s5+s22], $0x2760, $0x38;
	[tilespmem:$0x1FC00] =	vst v63  }
0x2d7: {  	s5 =	simm.s32 $0xD  }
0x2d8: {  	_ =	swait.ge [sflag:s5], $0x2760  }
0x2d9: {  	s29 =	rddreg [dreg:$0x18]  }
0x2da: {  	[sflag:s5] =	ssyncset.done $0x0;
	s14 =	rddreg [dreg:$0x16]  }
0x2db: {  	s21 =	sld [smem:$0x7F3];
	[sflag:s5] =	ssyncadd.s32 $0xFFFFD8A0  }
0x2dc: {  	[tilespmem:s23], [sflag:$0x1] =	stream.indirect.gather [hbm4b:s29+s13], $0x80, s22, s13, $0xb8;
	[tilespmem:$0x1FC00] =	vst v63  }
0x2dd: {  	s20 =	rddreg [dreg:$0x19]  }
0x2de: {  	[tilespmem:s24], [sflag:$0xA] =	stream.linear.gather [hbm4b:s14+s22], $0x60, $0x38;
	[tilespmem:$0x1FC00] =	vst v63  }
0x2df: {  	[spmem:s21], [sflag:s12] =	dma.local [hbm:s20], $0x2800  }
0x2e0: {  	_ =	swait.ge [sflag:s5], $0x2800  }
0x2e1: {  	s2 =	sld [smem:$0x7F6]  }
0x2e2: {  	[sflag:s5] =	ssyncset.done $0x0  }
0x2e3: {  	[sflag:s5] =	ssyncadd.s32 $0xFFFFD800  }
0x2e4: {  	[spmem:s15], [sflag:s12] =	dma.local @p0 [hbm:s2], $0x50  }
0x2e5: {  	_ =	swait.ge @p0 [sflag:s1], $0x50  }
0x2e6: {  	[sflag:s1] =	ssyncset.done @p0 $0x0  }
0x2e7: {  	p3 =	por $0x1, $0x1;
	[sflag:s1] =	ssyncadd.s32 @p0 $0xFFFFFFB0  }
0x2e8: {  	s1 =	simm.s32 @!p3 $0x5;
	[bflag:$0x0] =	sbarrier.arrive $0xFFFF  }
0x2e9: {  	_ =	swait.ge @!p3 [sflag:s1], $0x3000  }
0x2ea: {  	p2 =	por !p0, p3;
	[sflag:s1] =	ssyncset.done @!p3 $0x0  }
0x2eb: {  	s2 =	simm.s32 @!p2 $0x8;
	[sflag:s1] =	ssyncadd.s32 @!p3 $0xFFFFD000  }
0x2ec: {  	_ =	swait.ge @!p2 [sflag:s2], $0x60  }
0x2ed: {  	[sflag:s2] =	ssyncset.done @!p2 $0x0;
	s5 =	rddreg [dreg:$0x9]  }
0x2ee: {  	s15 =	simm.s32 $0x60;
	s20 =	sadd.s32 $0x0, s5;
	[sflag:s2] =	ssyncadd.s32 @!p2 $0xFFFFFFA0  }
0x2ef: {  	[tilespmem:s17], [sflag:$0x2] =	stream.indirect.gather [hbm4b:s29+s13], $0x80, s15, s13, $0xb8;
	[tilespmem:$0x1FC00] =	vst v63  }
0x2f0: {  	s21 =	sadd.s32 $0xC, s20  }
0x2f1: {  	[tilespmem:s18], [sflag:$0xB] =	stream.linear.gather [hbm4b:s21+s22], $0x60, $0x38;
	[tilespmem:$0x1FC00] =	vst v63  }
0x2f2: {  	_ =	swait.ge [sflag:s30], $0x60  }
0x2f3: {  	[sflag:s30] =	ssyncset.done $0x0  }
0x2f4: {  	[sflag:s30] =	ssyncadd.s32 $0xFFFFFFA0  }
0x2f5: {  	_ =	swait.ge [sflag:s31], $0x3000  }
0x2f6: {  	[sflag:s31] =	ssyncset.done $0x0  }
0x2f7: {  	p4 =	por @!p3 $0x0, $0x0;
	[sflag:s31] =	ssyncadd.s32 $0xFFFFD000  }
0x2f8: {  	[spmem:s4] =	stream.indirect.scatter.add.f32 [tilespmem:s23], [sflag:$0x4], $0x80, s24, s13, $0xb8;
	[tilespmem:$0x1FC00] =	vst v63  }
0x2f9: {  	p5 =	por @!p2 $0x1, $0x1;
	s1 =	simm.s32 @!p3 $0x6;
	s2 =	simm.s32 @p0 $0x2780  }
0x2fa: {  	[spmem:s19] =	stream.indirect.scatter.add.f32 @p0 [tilespmem:s0], [sflag:$0x7], $0x1, s2, s26, $0xb8;
	[tilespmem:$0x1FC00] =	vst v63  }
0x2fb: {  	p4 =	por @!p2 p5, p5;
	p2 =	por $0x0, $0x0;
	_ =	swait.ge @!p3 [sflag:s1], $0x3000  }
0x2fc: {  	p2 =	por @!p3 p4, p4;
	[sflag:s1] =	ssyncset.done @!p3 $0x0  }
0x2fd: {  	s2 =	simm.s32 @p2 $0x9;
	[sflag:s1] =	ssyncadd.s32 @!p3 $0xFFFFD000  }
0x2fe: {  	_ =	swait.ge @p2 [sflag:s2], $0x60  }
0x2ff: {  	[sflag:s2] =	ssyncset.done @p2 $0x0  }
0x300: {  	s23 =	simm.s32 $0xC0;
	[sflag:s2] =	ssyncadd.s32 @p2 $0xFFFFFFA0  }
0x301: {  	[tilespmem:s16], [sflag:$0x3] =	stream.indirect.gather [hbm4b:s29+s13], $0x80, s23, s13, $0xb8;
	[tilespmem:$0x1FC00] =	vst v63  }
0x302: {  	s24 =	sadd.s32 $0x18, s20  }
0x303: {  	[tilespmem:s3], [sflag:$0xC] =	stream.linear.gather [hbm4b:s24+s22], $0x60, $0x38;
	[tilespmem:$0x1FC00] =	vst v63  }
0x304: {  	_ =	swait.ge [sflag:s6], $0x60  }
0x305: {  	[sflag:s6] =	ssyncset.done $0x0  }
0x306: {  	[sflag:s6] =	ssyncadd.s32 $0xFFFFFFA0  }
0x307: {  	_ =	swait.ge [sflag:s7], $0x3000  }
0x308: {  	[sflag:s7] =	ssyncset.done $0x0  }
0x309: {  	[sflag:s7] =	ssyncadd.s32 $0xFFFFD000  }
0x30a: {  	[spmem:s4] =	stream.indirect.scatter.add.f32 [tilespmem:s17], [sflag:$0x5], $0x80, s18, s13, $0xb8;
	[tilespmem:$0x1FC00] =	vst v63  }
0x30b: {  	_ =	swait.ge @!p0 [sflag:s11], $0x3000  }
0x30c: {  	[sflag:s11] =	ssyncset.done @!p0 $0x0  }
0x30d: {  	[sflag:s11] =	ssyncadd.s32 @!p0 $0xFFFFD000  }
0x30e: {  	[spmem:s19] =	stream.indirect.scatter.add.f32 @p0 [tilespmem:s0], [sflag:$0x8], $0x1, s25, s26, $0xb8;
	[tilespmem:$0x1FC00] =	vst v63  }
0x30f: {  	_ =	swait.ge @p0 [sflag:s28], $0x3000  }
0x310: {  	[sflag:s28] =	ssyncset.done @p0 $0x0  }
0x311: {  	[sflag:s28] =	ssyncadd.s32 @p0 $0xFFFFD000  }
0x312: {  	p2 =	por $0x0, $0x0;
	_ =	swait.ge @p0 [sflag:s10], $0x60  }
0x313: {  	s1 =	simm.s32 $0x120;
	s2 =	simm.s32 @!p2 $0x60;
	[sflag:s10] =	ssyncset.done @p0 $0x0  }
0x314: {  	s14 =	simm.s32 @!p2 $0x2900;
	s15 =	sadd.s32 @!p2 $0x0, s5;
	[sflag:s10] =	ssyncadd.s32 @p0 $0xFFFFFFA0  }
0x315: {  	[tilespmem:s14], [sflag:$0x1] =	stream.indirect.gather @!p2 [hbm4b:s29+s2], $0x80, s1, s2, $0xb8;
	[tilespmem:$0x1FC00] =	vst v63  }
0x316: {  	s1 =	simm.s32 @!p2 $0x0;
	s2 =	sadd.s32 @!p2 $0x24, s15;
	s14 =	simm.s32 @!p2 $0x2780  }
0x317: {  	[tilespmem:s14], [sflag:$0xA] =	stream.linear.gather @!p2 [hbm4b:s2+s1], $0x60, $0x38;
	[tilespmem:$0x1FC00] =	vst v63  }
0x318: {  	_ =	swait.ge [sflag:s8], $0x60  }
0x319: {  	[sflag:s8] =	ssyncset.done $0x0  }
0x31a: {  	s12 =	simm.s32 @p0 $0x2800;
	p4 =	por $0x0, $0x0;
	[sflag:s8] =	ssyncadd.s32 $0xFFFFFFA0  }
0x31b: {  	s21 =	simm.s32 $0x24;
	s20 =	simm.s32 $0x240;
	_ =	swait.ge [sflag:s9], $0x3000  }
0x31c: {  	s23 =	simm.s32 $0x48;
	s22 =	simm.s32 @p0 $0x2880;
	[sflag:s9] =	ssyncset.done $0x0  }
0x31d: {  	s14 =	simm.s32 @p0 $0x2880;
	s2 =	simm.s32 @p0 $0x2880;
	[sflag:s9] =	ssyncadd.s32 $0xFFFFD000  }
.LBB2_8:
0x31e: {  	[spmem:s4] =	stream.indirect.scatter.add.f32 [tilespmem:s16], [sflag:$0x6], $0x80, s3, s13, $0xb8;
	[tilespmem:$0x1FC00] =	vst v63  }
0x31f: {  	s1 =	simm.s32 @!p4 $0x5  }
0x320: {  	[spmem:s19] =	stream.indirect.scatter.add.f32 @p0 [tilespmem:s0], [sflag:$0x9], $0x1, s14, s26, $0xb8;
	[tilespmem:$0x1FC00] =	vst v63  }
0x321: {  	_ =	swait.ge @!p4 [sflag:s1], $0x3000  }
0x322: {  	p2 =	por !p0, p4;
	[sflag:s1] =	ssyncset.done @!p4 $0x0  }
0x323: {  	s24 =	simm.s32 @!p2 $0x8;
	[sflag:s1] =	ssyncadd.s32 @!p4 $0xFFFFD000  }
0x324: {  	_ =	swait.ge @!p2 [sflag:s24], $0x60  }
0x325: {  	[sflag:s24] =	ssyncset.done @!p2 $0x0  }
0x326: {  	s25 =	sadd.s32 s21, s5;
	s1 =	sadd.s32 $0xFFFFFF40, s20;
	[sflag:s24] =	ssyncadd.s32 @!p2 $0xFFFFFFA0  }
0x327: {  	[tilespmem:s17], [sflag:$0x2] =	stream.indirect.gather [hbm4b:s29+s13], $0x80, s1, s13, $0xb8;
	[tilespmem:$0x1FC00] =	vst v63  }
0x328: {  	s5 =	simm.s32 $0x0;
	s24 =	sadd.s32 $0xC, s25  }
0x329: {  	[tilespmem:s18], [sflag:$0xB] =	stream.linear.gather [hbm4b:s24+s5], $0x60, $0x38;
	[tilespmem:$0x1FC00] =	vst v63  }
0x32a: {  	_ =	swait.ge [sflag:s30], $0x60  }
0x32b: {  	[sflag:s30] =	ssyncset.done $0x0  }
0x32c: {  	[sflag:s30] =	ssyncadd.s32 $0xFFFFFFA0  }
0x32d: {  	_ =	swait.ge [sflag:s31], $0x3000  }
0x32e: {  	p5 =	por @!p4 $0x0, $0x0;
	[sflag:s31] =	ssyncset.done $0x0  }
0x32f: {  	s1 =	simm.s32 $0x2900;
	s24 =	simm.s32 $0x2780;
	[sflag:s31] =	ssyncadd.s32 $0xFFFFD000  }
0x330: {  	[spmem:s4] =	stream.indirect.scatter.add.f32 [tilespmem:s1], [sflag:$0x4], $0x80, s24, s13, $0xb8;
	[tilespmem:$0x1FC00] =	vst v63  }
0x331: {  	p6 =	por @!p2 $0x1, $0x1;
	s1 =	simm.s32 @!p4 $0x6;
	s24 =	simm.s32 @p0 $0x2780  }
0x332: {  	[spmem:s19] =	stream.indirect.scatter.add.f32 @p0 [tilespmem:s0], [sflag:$0x7], $0x1, s24, s26, $0xb8;
	[tilespmem:$0x1FC00] =	vst v63  }
0x333: {  	p5 =	por @!p2 p6, p6;
	p2 =	por $0x0, $0x0;
	_ =	swait.ge @!p4 [sflag:s1], $0x3000  }
0x334: {  	p2 =	por @!p4 p5, p5;
	[sflag:s1] =	ssyncset.done @!p4 $0x0  }
0x335: {  	s24 =	simm.s32 @p2 $0x9;
	[sflag:s1] =	ssyncadd.s32 @!p4 $0xFFFFD000  }
0x336: {  	_ =	swait.ge @p2 [sflag:s24], $0x60  }
0x337: {  	[sflag:s24] =	ssyncset.done @p2 $0x0  }
0x338: {  	s1 =	sadd.s32 $0xFFFFFFA0, s20;
	[sflag:s24] =	ssyncadd.s32 @p2 $0xFFFFFFA0  }
0x339: {  	[tilespmem:s16], [sflag:$0x3] =	stream.indirect.gather [hbm4b:s29+s13], $0x80, s1, s13, $0xb8;
	[tilespmem:$0x1FC00] =	vst v63  }
0x33a: {  	s25 =	sadd.s32 $0x18, s25  }
0x33b: {  	[tilespmem:s3], [sflag:$0xC] =	stream.linear.gather [hbm4b:s25+s5], $0x60, $0x38;
	[tilespmem:$0x1FC00] =	vst v63  }
0x33c: {  	s5 =	rddreg [dreg:$0x9];
	_ =	swait.ge [sflag:s6], $0x60  }
0x33d: {  	[sflag:s6] =	ssyncset.done $0x0  }
0x33e: {  	[sflag:s6] =	ssyncadd.s32 $0xFFFFFFA0  }
0x33f: {  	_ =	swait.ge [sflag:s7], $0x3000  }
0x340: {  	[sflag:s7] =	ssyncset.done $0x0  }
0x341: {  	[sflag:s7] =	ssyncadd.s32 $0xFFFFD000  }
0x342: {  	[spmem:s4] =	stream.indirect.scatter.add.f32 [tilespmem:s17], [sflag:$0x5], $0x80, s18, s13, $0xb8;
	[tilespmem:$0x1FC00] =	vst v63  }
0x343: {  	_ =	swait.ge @!p0 [sflag:s11], $0x3000  }
0x344: {  	[sflag:s11] =	ssyncset.done @!p0 $0x0  }
0x345: {  	[sflag:s11] =	ssyncadd.s32 @!p0 $0xFFFFD000  }
0x346: {  	[spmem:s19] =	stream.indirect.scatter.add.f32 @p0 [tilespmem:s0], [sflag:$0x8], $0x1, s12, s26, $0xb8;
	[tilespmem:$0x1FC00] =	vst v63  }
0x347: {  	_ =	swait.ge @p0 [sflag:s28], $0x3000  }
0x348: {  	[sflag:s28] =	ssyncset.done @p0 $0x0  }
0x349: {  	[sflag:s28] =	ssyncadd.s32 @p0 $0xFFFFD000  }
0x34a: {  	s15 =	smov.u32 s23;
	p2 =	seq.s32 s21, $0x4C8;
	_ =	swait.ge @p0 [sflag:s10], $0x60  }
0x34b: {  	s23 =	sadd.s32 $0x24, s23;
	s1 =	simm.s32 @!p2 $0x60;
	[sflag:s10] =	ssyncset.done @p0 $0x0  }
0x34c: {  	s24 =	simm.s32 @!p2 $0x2900;
	s21 =	sadd.s32 @!p2 s21, s5;
	[sflag:s10] =	ssyncadd.s32 @p0 $0xFFFFFFA0  }
0x34d: {  	[tilespmem:s24], [sflag:$0x1] =	stream.indirect.gather @!p2 [hbm4b:s29+s1], $0x80, s20, s1, $0xb8;
	[tilespmem:$0x1FC00] =	vst v63  }
0x34e: {  	s25 =	simm.s32 @!p2 $0x0;
	s1 =	sadd.s32 @!p2 $0x24, s21;
	s24 =	simm.s32 @!p2 $0x2780  }
0x34f: {  	[tilespmem:s24], [sflag:$0xA] =	stream.linear.gather @!p2 [hbm4b:s1+s25], $0x60, $0x38;
	[tilespmem:$0x1FC00] =	vst v63  }
0x350: {  	p3 =	sne.s32 s23, $0x4EC;
	_ =	swait.ge [sflag:s8], $0x60  }
.Ltmp3:
0x351: {  	[sflag:s8] =	ssyncset.done $0x0;
	(pc) =	sbr.rel @p3 .LBB2_8-.Ltmp3, $4  }
0x352: {  	[sflag:s8] =	ssyncadd.s32 $0xFFFFFFA0  }
0x353: {  	s14 =	smov.u32 s2;
	_ =	swait.ge [sflag:s9], $0x3000  }
0x354: {  	s2 =	smov.u32 s22;
	s21 =	smov.u32 s15;
	[sflag:s9] =	ssyncset.done $0x0  }
0x355: {  	s20 =	sadd.s32 $0x120, s20;
	p4 =	seq.s32 s21, $0x0;
	[sflag:s9] =	ssyncadd.s32 $0xFFFFD000  }
0x356: {  	[spmem:s4] =	stream.indirect.scatter.add.f32 [tilespmem:s16], [sflag:$0x6], $0x80, s3, s13, $0xb8;
	[tilespmem:$0x1FC00] =	vst v63  }
0x357: {  	s1 =	simm.s32 @!p4 $0x5  }
0x358: {  	[spmem:s19] =	stream.indirect.scatter.add.f32 @p0 [tilespmem:s0], [sflag:$0x9], $0x1, s14, s26, $0xb8;
	[tilespmem:$0x1FC00] =	vst v63  }
0x359: {  	_ =	swait.ge @!p4 [sflag:s1], $0x3000  }
0x35a: {  	p3 =	por !p0, p4;
	[sflag:s1] =	ssyncset.done @!p4 $0x0  }
0x35b: {  	s0 =	simm.s32 @!p3 $0x8;
	[sflag:s1] =	ssyncadd.s32 @!p4 $0xFFFFD000  }
0x35c: {  	_ =	swait.ge @!p3 [sflag:s0], $0x60  }
0x35d: {  	[sflag:s0] =	ssyncset.done @!p3 $0x0  }
0x35e: {  	s11 =	sadd.s32 $0xFFFFFF40, s20;
	s10 =	sadd.s32 s21, s5;
	[sflag:s0] =	ssyncadd.s32 @!p3 $0xFFFFFFA0  }
0x35f: {  	[tilespmem:s17], [sflag:$0x2] =	stream.indirect.gather [hbm4b:s29+s13], $0x80, s11, s13, $0xb8;
	[tilespmem:$0x1FC00] =	vst v63  }
0x360: {  	s15 =	simm.s32 $0x0;
	s12 =	sadd.s32 $0xC, s10  }
0x361: {  	[tilespmem:s18], [sflag:$0xB] =	stream.linear.gather [hbm4b:s12+s15], $0x60, $0x38;
	[tilespmem:$0x1FC00] =	vst v63  }
0x362: {  	_ =	swait.ge [sflag:s30], $0x60  }
0x363: {  	[sflag:s30] =	ssyncset.done $0x0  }
0x364: {  	[sflag:s30] =	ssyncadd.s32 $0xFFFFFFA0  }
0x365: {  	_ =	swait.ge [sflag:s31], $0x3000  }
0x366: {  	[sflag:s31] =	ssyncset.done $0x0  }
0x367: {  	s22 =	simm.s32 $0x2900;
	s23 =	simm.s32 $0x2780;
	[sflag:s31] =	ssyncadd.s32 $0xFFFFD000  }
0x368: {  	[spmem:s4] =	stream.indirect.scatter.add.f32 [tilespmem:s22], [sflag:$0x4], $0x80, s23, s13, $0xb8;
	[tilespmem:$0x1FC00] =	vst v63  }
0x369: {  	s1 =	simm.s32 @p0 $0x60;
	s0 =	simm.s32 @p0 $0xB900;
	s11 =	simm.s32 @p0 $0x2780  }
0x36a: {  	[spmem:s19] =	stream.indirect.scatter.add.f32 @p0 [tilespmem:s0], [sflag:$0x7], $0x1, s11, s1, $0xb8;
	[tilespmem:$0x1FC00] =	vst v63  }
0x36b: {  	p2 =	por @!p4 $0x0, $0x0;
	p5 =	por @!p3 $0x1, $0x1;
	s11 =	simm.s32 @!p4 $0x6  }
0x36c: {  	p2 =	por @!p3 p5, p5;
	p3 =	por $0x0, $0x0;
	_ =	swait.ge @!p4 [sflag:s11], $0x3000  }
0x36d: {  	p3 =	por @!p4 p2, p2;
	[sflag:s11] =	ssyncset.done @!p4 $0x0  }
0x36e: {  	[sflag:s11] =	ssyncadd.s32 @!p4 $0xFFFFD000;
	s11 =	simm.s32 @p3 $0x9  }
0x36f: {  	_ =	swait.ge @p3 [sflag:s11], $0x60  }
0x370: {  	[sflag:s11] =	ssyncset.done @p3 $0x0  }
0x371: {  	s24 =	sadd.s32 $0xFFFFFFA0, s20;
	[sflag:s11] =	ssyncadd.s32 @p3 $0xFFFFFFA0  }
0x372: {  	[tilespmem:s16], [sflag:$0x3] =	stream.indirect.gather [hbm4b:s29+s13], $0x80, s24, s13, $0xb8;
	[tilespmem:$0x1FC00] =	vst v63  }
0x373: {  	s10 =	sadd.s32 $0x18, s10  }
0x374: {  	[tilespmem:s3], [sflag:$0xC] =	stream.linear.gather [hbm4b:s10+s15], $0x60, $0x38;
	[tilespmem:$0x1FC00] =	vst v63  }
0x375: {  	_ =	swait.ge [sflag:s6], $0x60  }
0x376: {  	[sflag:s6] =	ssyncset.done $0x0  }
0x377: {  	[sflag:s6] =	ssyncadd.s32 $0xFFFFFFA0  }
0x378: {  	_ =	swait.ge [sflag:s7], $0x3000  }
0x379: {  	[sflag:s7] =	ssyncset.done $0x0  }
0x37a: {  	s10 =	simm.s32 @!p0 $0x4;
	[sflag:s7] =	ssyncadd.s32 $0xFFFFD000  }
0x37b: {  	[spmem:s4] =	stream.indirect.scatter.add.f32 [tilespmem:s17], [sflag:$0x5], $0x80, s18, s13, $0xb8;
	[tilespmem:$0x1FC00] =	vst v63  }
0x37c: {  	_ =	swait.ge @!p0 [sflag:s10], $0x3000  }
0x37d: {  	[sflag:s10] =	ssyncset.done @!p0 $0x0  }
0x37e: {  	s11 =	simm.s32 @p0 $0x2800;
	[sflag:s10] =	ssyncadd.s32 @!p0 $0xFFFFD000;
	s10 =	simm.s32 @p0 $0x4  }
0x37f: {  	[spmem:s19] =	stream.indirect.scatter.add.f32 @p0 [tilespmem:s0], [sflag:$0x8], $0x1, s11, s1, $0xb8;
	[tilespmem:$0x1FC00] =	vst v63  }
0x380: {  	_ =	swait.ge @p0 [sflag:s10], $0x3000  }
0x381: {  	[sflag:s10] =	ssyncset.done @p0 $0x0  }
0x382: {  	s11 =	simm.s32 @p0 $0x7;
	[sflag:s10] =	ssyncadd.s32 @p0 $0xFFFFD000  }
0x383: {  	_ =	swait.ge @p0 [sflag:s11], $0x60  }
0x384: {  	s14 =	smov.u32 s5;
	p2 =	seq.s32 s21, $0x4C8;
	[sflag:s11] =	ssyncset.done @p0 $0x0  }
0x385: {  	s10 =	simm.s32 @!p2 $0x60;
	[sflag:s11] =	ssyncadd.s32 @p0 $0xFFFFFFA0;
	s11 =	simm.s32 @!p2 $0x2900  }
0x386: {  	[tilespmem:s11], [sflag:$0x1] =	stream.indirect.gather @!p2 [hbm4b:s29+s10], $0x80, s20, s10, $0xb8;
	[tilespmem:$0x1FC00] =	vst v63  }
0x387: {  	s10 =	sadd.s32 @!p2 s21, s14  }
0x388: {  	s12 =	simm.s32 @!p2 $0x2780;
	s11 =	simm.s32 @!p2 $0x0;
	s10 =	sadd.s32 @!p2 $0x24, s10  }
0x389: {  	[tilespmem:s12], [sflag:$0xA] =	stream.linear.gather @!p2 [hbm4b:s10+s11], $0x60, $0x38;
	[tilespmem:$0x1FC00] =	vst v63  }
0x38a: {  	_ =	swait.ge [sflag:s8], $0x60  }
0x38b: {  	[sflag:s8] =	ssyncset.done $0x0  }
0x38c: {  	[sflag:s8] =	ssyncadd.s32 $0xFFFFFFA0  }
0x38d: {  	_ =	swait.ge [sflag:s9], $0x3000  }
0x38e: {  	[sflag:s9] =	ssyncset.done $0x0  }
0x38f: {  	[sflag:s9] =	ssyncadd.s32 $0xFFFFD000  }
0x390: {  	[spmem:s4] =	stream.indirect.scatter.add.f32 [tilespmem:s16], [sflag:$0x6], $0x80, s3, s13, $0xb8;
	[tilespmem:$0x1FC00] =	vst v63  }
0x391: {  	s25 =	simm.s32 $0x5  }
0x392: {  	[spmem:s19] =	stream.indirect.scatter.add.f32 @p0 [tilespmem:s0], [sflag:$0x9], $0x1, s2, s1, $0xb8;
	[tilespmem:$0x1FC00] =	vst v63  }
0x393: {  	_ =	swait.ge [sflag:s25], $0x3000  }
0x394: {  	[sflag:s25] =	ssyncset.done $0x0  }
0x395: {  	s0 =	simm.s32 @!p0 $0x6;
	[sflag:s25] =	ssyncadd.s32 $0xFFFFD000  }
0x396: {  	_ =	swait.ge @!p0 [sflag:s0], $0x3000  }
0x397: {  	[sflag:s0] =	ssyncset.done @!p0 $0x0  }
0x398: {  	[sflag:s0] =	ssyncadd.s32 @!p0 $0xFFFFD000;
	s0 =	simm.s32 @p0 $0x8  }
0x399: {  	_ =	swait.ge @p0 [sflag:s0], $0x60  }
0x39a: {  	[sflag:s0] =	ssyncset.done @p0 $0x0  }
0x39b: {  	[sflag:s0] =	ssyncadd.s32 @p0 $0xFFFFFFA0;
	s0 =	simm.s32 @p0 $0x6  }
0x39c: {  	_ =	swait.ge @p0 [sflag:s0], $0x3000  }
0x39d: {  	[sflag:s0] =	ssyncset.done @p0 $0x0  }
0x39e: {  	[sflag:s0] =	ssyncadd.s32 @p0 $0xFFFFD000;
	s0 =	simm.s32 @p0 $0x9  }
0x39f: {  	_ =	swait.ge @p0 [sflag:s0], $0x60  }
0x3a0: {  	[sflag:s0] =	ssyncset.done @p0 $0x0  }
0x3a1: {  	[sflag:s0] =	ssyncadd.s32 @p0 $0xFFFFFFA0  }
0x3a2: {  	[bflag:$0x0] =	sbarrier.arrive $0xFFFF  }
0x3a3: {  	s26 =	sld [smem:$0x7FC]  }
0x3a4: {  	s1 =	sld [smem:$0x7F4]  }
0x3a5: {  	s2 =	sld [smem:$0x7F0];
	_ =	sdelay $0x1  }
0x3a6: {  	s0 =	rddreg [dreg:$0x14];
	p2 =	seq.s32 s26, $0x1  }
0x3a7: {  	[hbm:s0], [sflag:s1] =	dma.local @p2 [spmem:s2], $0x1900  }
0x3a8: {  	s0 =	simm.s32 @p2 $0xD  }
0x3a9: {  	_ =	swait.ge @p2 [sflag:s0], $0x1900  }
0x3aa: {  	s2 =	sld [smem:$0x7F1]  }
0x3ab: {  	[sflag:s0] =	ssyncset.done @p2 $0x0  }
0x3ac: {  	[sflag:s0] =	ssyncadd.s32 @p2 $0xFFFFE700;
	s0 =	rddreg [dreg:$0x13]  }
0x3ad: {  	[hbm:s0], [sflag:s1] =	dma.local @!p2 [spmem:s2], $0x2800  }
0x3ae: {  	s0 =	simm.s32 @!p2 $0xD  }
0x3af: {  	_ =	swait.ge @!p2 [sflag:s0], $0x2800  }
0x3b0: {  	[sflag:s0] =	ssyncset.done @!p2 $0x0;
	s2 =	sld [smem:$0x7EF]  }
0x3b1: {  	[sflag:s0] =	ssyncadd.s32 @!p2 $0xFFFFD800;
	s0 =	sld [smem:$0x7FA];
	_ =	sdelay $0x2  }
0x3b2: {  	[hbm:s0], [sflag:s1] =	dma.local @p0 [spmem:s2], $0x50  }
0x3b3: {  	s0 =	simm.s32 @p0 $0xD  }
0x3b4: {  	_ =	swait.ge @p0 [sflag:s0], $0x50  }
0x3b5: {  	s28 =	sld [smem:$0x7F2]  }
0x3b6: {  	s29 =	sld [smem:$0x7FB];
	_ =	sdelay $0x1  }
0x3b7: {  	s2 =	sadd.s32 $0x1, s28  }
0x3b8: {  	p2 =	sne.s32 s2, s29  }
.Ltmp4:
0x3b9: {  	_ = 	snop;
	(pc) =	sbr.rel @p2 .LBB2_1-.Ltmp4, $4  }
0x3ba: {  	_ = 	snop  }
0x3bb: {  	[sflag:s0] =	ssyncset.done @p0 $0x0  }
0x3bc: {  	[sflag:s0] =	ssyncadd.s32 @p0 $0xFFFFFFB0  }
0x3bd: {  	s5 =	rddreg [dreg:$0x0]  }
0x3be: {  	_ =	sfence.sel $0x180000  }
0x3bf: {  	[bflag:$0x0] =	sbarrier.arrive $0xFFFF  }
0x3c0: {  	_ =	strace $0x90000047  }
0x3c1: {  	s0 =	stileid.u32;
	[bflag:$0x2] =	sbarrier.arrive $0xFFFF  }
0x3c2: {  	p0 =	sne.s32 s0, $0x0;
	s0 =	rddreg [dreg:$0x5]  }
0x3c3: {  	s0 =	sadd.s32 @!p0 $0x100000, s0  }
0x3c4: {  	[sflag:s0] =	ssyncadd.tile.s32 @!p0 $0x1;
	_ =	shalt  }
.Lfunc_end2:
_tile_overlayer_lowered:
.L_overlay_start_2:
0x3c5: {  	(tag) =	ssettag $0x2  }
0x3c6: {  	s0 =	rddreg [dreg:$0x0];
	s2 =	stileid.u32  }
0x3c7: {  	s1 =	rddreg [dreg:$0x1];
	p0 =	sne.s32 s2, $0x0  }
0x3c8: {  	s3 =	rddreg [dreg:$0x2];
	[bflag:$0x3] =	sbarrier.arrive $0xFFFF;
	s2 =	simm.s32 @!p0 $0x1C0D  }
0x3c9: {  	[timem:s3], [sflag:s2] =	dma.local @!p0 [hbm:s0], s1  }
0x3ca: {  	s0 =	simm.s32 @!p0 $0xD  }
0x3cb: {  	_ =	swait.ge @!p0 [sflag:s0], s1  }
0x3cc: {  	s1 =	ssub.s32 @!p0 $0x0, s1;
	[sflag:s0] =	ssyncset.done @!p0 $0x0  }
0x3cd: {  	[sflag:s0] =	ssyncadd.s32 @!p0 s1  }
0x3ce: {  	[bflag:$0x3] =	sbarrier.arrive $0xFFFF  }
0x3cf: {  	_ =	shalt  }

</sc_bundles>
